<compile_context>
chip_gen: v7x
topology: tpu7x:2x2x1
jax: 0.10.2.dev20260603
libtpu: 0.0.44.dev20260713+nightly
codegen_flags: <defaults>
</compile_context>

<pallas_src>
import functools

import jax
import jax.numpy as jnp
from jax import lax
from jax.experimental import pallas as pl
from jax.experimental.pallas import tpu as pltpu
from jax.experimental.pallas import tpu_sc as plsc

NC = 2
NS = 16
NW = NC * NS
CHUNK = 128


def _mesh():
    return plsc.VectorSubcoreMesh(
        core_axis_name="c", subcore_axis_name="s", num_cores=NC,
        num_subcores=NS)


@functools.lru_cache(maxsize=None)
def _build(N, E, D_in, D_out):
    NPAD = ((N + 1023) // 1024) * 1024
    KCH = -(-E // (NW * CHUNK))
    KCH = ((KCH + 15) // 16) * 16
    E_PAD = NW * CHUNK * KCH
    SUP = 8
    NCHUNK = E_PAD // CHUNK + SUP
    DSTRIPE = NPAD // NS
    RSTRIPE = NPAD // NS

    @functools.partial(
        pl.kernel,
        out_type=jax.ShapeDtypeStruct((2 * NPAD,), jnp.float32),
        mesh=_mesh(),
        scratch_types=[
            pltpu.VMEM((2, SUP, CHUNK), jnp.int32),
            pltpu.VMEM((CHUNK,), jnp.float32),
            pltpu.VMEM((DSTRIPE,), jnp.float32),
            pltpu.SemaphoreType.DMA,
            pltpu.SemaphoreType.DMA,
            pltpu.VMEM_SHARED((NPAD,), jnp.float32),
        ],
    )
    def _deg(ei_hbm, out_hbm, colv, onesv, zv, sem0, sem1, acc):
        cid = lax.axis_index("c")
        sid = lax.axis_index("s")
        wid = sid * NC + cid
        sems = (sem0, sem1)
        for i in range(CHUNK // 16):
            onesv[pl.ds(i * 16, 16)] = jnp.ones((16,), jnp.float32)

        def zbody(i, carry):
            zv[pl.ds(pl.multiple_of(i * 16, 16), 16)] = jnp.zeros(
                (16,), jnp.float32)
            return carry

        lax.fori_loop(0, DSTRIPE // 16, zbody, 0)
        pltpu.sync_copy(zv, acc.at[pl.ds(sid * DSTRIPE, DSTRIPE)])
        plsc.subcore_barrier()

        nsup = KCH // SUP
        base = wid * nsup

        def fire(b):
            for s in range(SUP):
                pltpu.async_copy(onesv, acc.at[colv.at[b, s]], sems[b],
                                 add=True)

        def drain(b):
            for s in range(SUP):
                pltpu.make_async_copy(onesv, acc.at[colv.at[b, s]],
                                      sems[b]).wait()

        pltpu.sync_copy(ei_hbm.at[1, pl.ds(base * SUP, SUP)], colv.at[0])
        fire(0)

        def body(jj, carry):
            for b in range(2):
                nb = 1 - b
                sc = jj * 2 + b
                pltpu.sync_copy(
                    ei_hbm.at[1, pl.ds((base + sc + 1) * SUP, SUP)],
                    colv.at[nb])
                if b == 0:
                    fire(nb)
                else:
                    @pl.when(jj < nsup // 2 - 1)
                    def _():
                        fire(nb)
                drain(b)
            return carry

        lax.fori_loop(0, nsup // 2, body, 0)
        plsc.subcore_barrier()
        off = pl.multiple_of(cid * NPAD + sid * DSTRIPE, 8)
        pltpu.sync_copy(acc.at[pl.ds(sid * DSTRIPE, DSTRIPE)],
                        out_hbm.at[pl.ds(off, DSTRIPE)])

    @functools.partial(
        pl.kernel,
        out_type=[jax.ShapeDtypeStruct((NPAD, D_out), jnp.float32),
                  jax.ShapeDtypeStruct((NPAD, D_out), jnp.float32)],
        mesh=_mesh(),
        scratch_types=[
            pltpu.VMEM((2, SUP, CHUNK), jnp.int32),
            pltpu.VMEM((2, SUP, CHUNK), jnp.int32),
            pltpu.VMEM((2, CHUNK, D_out), jnp.float32),
            [pltpu.SemaphoreType.DMA] * 2,
            [pltpu.SemaphoreType.DMA] * 2,
            pltpu.SemaphoreType.DMA,
            pltpu.SemaphoreType.DMA,
            pltpu.VMEM_SHARED((NPAD, D_out), jnp.float32),
        ],
    )
    def _agg(hp_hbm, ei_hbm, zrows_hbm, out0_hbm, out1_hbm,
             rowv, colv, datav, gsems, ssems, zsem, isem, acc):
        cid = lax.axis_index("c")
        sid = lax.axis_index("s")
        wid = sid * NC + cid
        zcopy = pltpu.async_copy(
            zrows_hbm, acc.at[pl.ds(sid * RSTRIPE, RSTRIPE)], zsem)

        nsup = KCH // SUP
        base = wid * nsup

        def ld_sup(s, ib):
            pltpu.sync_copy(ei_hbm.at[0, pl.ds((base + s) * SUP, SUP)],
                            rowv.at[ib])
            pltpu.sync_copy(ei_hbm.at[1, pl.ds((base + s) * SUP, SUP)],
                            colv.at[ib])

        def ld_sup_fire(s, ib):
            pltpu.async_copy(ei_hbm.at[0, pl.ds((base + s) * SUP, SUP)],
                             rowv.at[ib], isem)
            pltpu.async_copy(ei_hbm.at[1, pl.ds((base + s) * SUP, SUP)],
                             colv.at[ib], isem)

        def ld_sup_wait(s, ib):
            pltpu.make_async_copy(ei_hbm.at[0, pl.ds((base + s) * SUP, SUP)],
                                  rowv.at[ib], isem).wait()
            pltpu.make_async_copy(ei_hbm.at[1, pl.ds((base + s) * SUP, SUP)],
                                  colv.at[ib], isem).wait()

        def g_fire(ib, c, b):
            pltpu.async_copy(hp_hbm.at[rowv.at[ib, c]], datav.at[b],
                             gsems[b])

        def g_wait(ib, c, b):
            pltpu.make_async_copy(hp_hbm.at[rowv.at[ib, c]], datav.at[b],
                                  gsems[b]).wait()

        def s_fire(ib, c, b):
            pltpu.async_copy(datav.at[b], acc.at[colv.at[ib, c]], ssems[b],
                             add=True)

        def s_wait(ib, c, b):
            pltpu.make_async_copy(datav.at[b], acc.at[colv.at[ib, c]],
                                  ssems[b]).wait()

        ld_sup(0, 0)
        g_fire(0, 0, 0)
        zcopy.wait()
        plsc.subcore_barrier()

        def body(tt, carry):
            for sb in range(2):
                t = tt * 2 + sb
                for c in range(SUP):
                    j = t * SUP + c
                    b = c % 2
                    nb = 1 - b
                    g_wait(sb, c, b)
                    s_fire(sb, c, b)
                    cp = (c + SUP - 1) % SUP
                    ibp = sb if c >= 1 else 1 - sb
                    if sb == 0 and c == 0:
                        @pl.when(tt > 0)
                        def _():
                            s_wait(ibp, cp, nb)
                    else:
                        s_wait(ibp, cp, nb)
                    if c == 0:
                        ld_sup_fire(t + 1, 1 - sb)
                    if c < SUP - 1:
                        g_fire(sb, c + 1, nb)
                    else:
                        ld_sup_wait(t + 1, 1 - sb)
                        g_fire(1 - sb, 0, nb)
            return carry

        lax.fori_loop(0, nsup // 2, body, 0)
        s_wait(1, SUP - 1, 1)
        g_wait(0, 0, 0)
        plsc.subcore_barrier()
        stripe = pl.ds(sid * RSTRIPE, RSTRIPE)

        @pl.when(cid == 0)
        def _():
            pltpu.sync_copy(acc.at[stripe], out0_hbm.at[stripe])

        @pl.when(cid == 1)
        def _():
            pltpu.sync_copy(acc.at[stripe], out1_hbm.at[stripe])

    MBLK = next(m for m in range(1024, 0, -8) if N % m == 0)
    GRID = N // MBLK

    def _lin_body(xb, wb, db, hb):
        dis = lax.rsqrt(1.0 + db[...])
        h = jnp.dot(xb[...], wb[...], preferred_element_type=jnp.float32,
                    precision=lax.Precision.HIGHEST)
        hb[...] = h * dis

    _lin = pl.pallas_call(
        _lin_body,
        grid=(GRID,),
        in_specs=[
            pl.BlockSpec((MBLK, D_in), lambda i: (i, 0)),
            pl.BlockSpec((D_in, D_out), lambda i: (0, 0)),
            pl.BlockSpec((MBLK, 1), lambda i: (i, 0)),
        ],
        out_specs=pl.BlockSpec((MBLK, D_out), lambda i: (i, 0)),
        out_shape=jax.ShapeDtypeStruct((N, D_out), jnp.float32),
    )

    def _fin_body(p0b, p1b, hb, db, bb, ob):
        dis = lax.rsqrt(1.0 + db[...])
        ob[...] = (p0b[...] + p1b[...] + hb[...]) * dis + bb[...]

    _fin = pl.pallas_call(
        _fin_body,
        grid=(GRID,),
        in_specs=[
            pl.BlockSpec((MBLK, D_out), lambda i: (i, 0)),
            pl.BlockSpec((MBLK, D_out), lambda i: (i, 0)),
            pl.BlockSpec((MBLK, D_out), lambda i: (i, 0)),
            pl.BlockSpec((MBLK, 1), lambda i: (i, 0)),
            pl.BlockSpec((1, D_out), lambda i: (0, 0)),
        ],
        out_specs=pl.BlockSpec((MBLK, D_out), lambda i: (i, 0)),
        out_shape=jax.ShapeDtypeStruct((N, D_out), jnp.float32),
    )

    @jax.jit
    def run(x, edge_index, W, b):
        npad_e = NCHUNK * CHUNK - E
        ar = jnp.arange(npad_e, dtype=jnp.int32)
        pad = jnp.stack([(ar * 37) % N, N + ar % (NPAD - N)])
        ei = jnp.concatenate([edge_index.astype(jnp.int32), pad],
                             axis=1).reshape(2, NCHUNK, CHUNK)
        deg_flat = _deg(ei)
        dsum = (deg_flat[:NPAD] + deg_flat[NPAD:]).reshape(NPAD, 1)
        hp = _lin(x, W, dsum)
        zrows = jnp.zeros((RSTRIPE, D_out), jnp.float32)
        p0, p1 = _agg(hp, ei, zrows)
        return _fin(p0, p1, hp, dsum, b.reshape(1, D_out))

    return run


def kernel(x, edge_index, W, b):
    N, D_in = x.shape
    D_out = W.shape[1]
    E = edge_index.shape[1]
    return _build(N, E, D_in, D_out)(x, edge_index, W, b)

# --- scband reference (transcript-rebuilt; emitter-appended) ---
"""Pipeline reference for scband-gcnclassifier-17952963297738 (READ-ONLY COPY).

The authoritative reference and input builder live on the scoring server;
editing this copy changes nothing except your own understanding.
"""

import jax, jax.numpy as jnp
import numpy as np

N_NODES = 10000
N_EDGES = 320000
D_IN = 128
D_OUT = 128


def setup_inputs(seed: int = 0) -> dict:
    key = jax.random.key(seed)
    k1, k2, k3, k4 = jax.random.split(key, 4)
    x = jax.random.normal(k1, (N_NODES, D_IN), dtype=jnp.float32)
    edge_index = jax.random.randint(k2, (2, N_EDGES), 0, N_NODES, dtype=jnp.int32)
    # GCNConv learned parameters (glorot weight + zero-init bias, matching PyG defaults)
    limit = float(np.sqrt(6.0 / (D_IN + D_OUT)))
    W = jax.random.uniform(k3, (D_IN, D_OUT), dtype=jnp.float32, minval=-limit, maxval=limit)
    b = jnp.zeros((D_OUT,), dtype=jnp.float32)
    return {"x": x, "edge_index": edge_index, "W": W, "b": b}


def reference(x, edge_index, W, b):
    # Dropout is identity in eval mode (deterministic reference).
    N = x.shape[0]
    # Add self-loops (PyG GCNConv default add_self_loops=True)
    loops = jnp.arange(N, dtype=edge_index.dtype)
    ei = jnp.concatenate([edge_index, jnp.stack([loops, loops], axis=0)], axis=1)
    row, col = ei[0], ei[1]
    # Symmetric normalization deg^{-1/2} A_hat deg^{-1/2}
    deg = jnp.zeros((N,), dtype=x.dtype).at[col].add(1.0)
    deg_inv_sqrt = jnp.where(deg > 0, 1.0 / jnp.sqrt(deg), 0.0)
    norm = deg_inv_sqrt[row] * deg_inv_sqrt[col]
    # Linear transform then gather-message-scatter aggregate
    h = x @ W
    msgs = h[row] * norm[:, None]
    out = jnp.zeros((N, h.shape[1]), dtype=x.dtype).at[col].add(msgs)
    return out + b

if __name__ == "__main__":
    import jax
    _d = setup_inputs()
    print(jax.jit(kernel)(*tuple(_d.values())))

</pallas_src>

<mosaic_0001>
#map = affine_map<(d0, d1) -> (0, 0)>
#map1 = affine_map<(d0, d1) -> (0, 0, 0)>
module attributes {stable_mosaic.version = 14 : i64} {
  func.func @_agg(%arg0: i32, %arg1: i32, %arg2: memref<10000x128xf32, #tpu.memory_space<hbm>>, %arg3: memref<2x2568x128xi32, #tpu.memory_space<hbm>>, %arg4: memref<640x128xf32, #tpu.memory_space<hbm>>, %arg5: memref<10240x128xf32, #tpu.memory_space<hbm>>, %arg6: memref<10240x128xf32, #tpu.memory_space<hbm>>, %arg7: memref<2x8x128xi32, #tpu.memory_space<vmem>>, %arg8: memref<2x8x128xi32, #tpu.memory_space<vmem>>, %arg9: memref<2x128x128xf32, #tpu.memory_space<vmem>>, %arg10: memref<!tpu.dma_semaphore, #tpu.memory_space<semaphore_mem>>, %arg11: memref<!tpu.dma_semaphore, #tpu.memory_space<semaphore_mem>>, %arg12: memref<!tpu.dma_semaphore, #tpu.memory_space<semaphore_mem>>, %arg13: memref<!tpu.dma_semaphore, #tpu.memory_space<semaphore_mem>>, %arg14: memref<!tpu.dma_semaphore, #tpu.memory_space<semaphore_mem>>, %arg15: memref<!tpu.dma_semaphore, #tpu.memory_space<semaphore_mem>>, %arg16: memref<10240x128xf32, #tpu.memory_space<vmem_shared>>) attributes {dimension_semantics = [#tpu.dimension_semantics<core_parallel>, #tpu.dimension_semantics<subcore_parallel>], iteration_bounds = array<i64: 2, 16>, scalar_prefetch = 0 : i64, scratch_operands = 10 : i64, tpu.core_type = #tpu.core_type<sc_vector_subcore>, window_params = [{transform_indices = #map}, {transform_indices = #map1}, {transform_indices = #map}, {transform_indices = #map}, {transform_indices = #map}]} {
    %mul3A = arith.constant 2 : i32
    %mul3A_0 = arith.muli %arg1, %mul3A : i32
    %add3A = arith.addi %mul3A_0, %arg0 : i32
    %mul3A_1 = arith.constant 640 : i32
    %mul3A_2 = arith.muli %arg1, %mul3A_1 : i32
    %dma_start3A = arith.constant 0 : i32
    %dma_start3A_3 = tpu.memref_slice %arg16[%mul3A_2, %dma_start3A] : memref<10240x128xf32, #tpu.memory_space<vmem_shared>> -> memref<640x128xf32, #tpu.memory_space<vmem_shared>>
    tpu.enqueue_dma source(%arg4 : memref<640x128xf32, #tpu.memory_space<hbm>>) target(%dma_start3A_3 : memref<640x128xf32, #tpu.memory_space<vmem_shared>>) target_semaphore(%arg14 : memref<!tpu.dma_semaphore, #tpu.memory_space<semaphore_mem>>)
    %mul3A_4 = arith.constant 10 : i32
    %mul3A_5 = arith.muli %add3A, %mul3A_4 : i32
    %add3A_6 = arith.constant 0 : i32
    %add3A_7 = arith.addi %mul3A_5, %add3A_6 : i32
    %mul3A_8 = arith.constant 8 : i32
    %mul3A_9 = arith.muli %add3A_7, %mul3A_8 : i32
    %run_scoped3A = arith.constant 0 : i32
    %run_scoped3A_10 = arith.constant 0 : i32
    "tpu.region"() ({
      %run_scoped3A_72 = tpu.sem_alloc : memref<!tpu.dma_semaphore, #tpu.memory_space<semaphore_mem>>
      %dma_start3A_73 = arith.constant 0 : i32
      %dma_start3A_74 = arith.constant 0 : i32
      %dma_start3A_75 = tpu.memref_slice %arg7[%run_scoped3A_10, %dma_start3A_73, %dma_start3A_74] : memref<2x8x128xi32, #tpu.memory_space<vmem>> -> memref<1x8x128xi32, #tpu.memory_space<vmem>>
      %dma_start3A_76 = tpu.memref_squeeze %dma_start3A_75 : memref<1x8x128xi32, #tpu.memory_space<vmem>> -> memref<8x128xi32, #tpu.memory_space<vmem>>
      %dma_start3A_77 = arith.constant 0 : i32
      %dma_start3A_78 = tpu.memref_slice %arg3[%run_scoped3A, %mul3A_9, %dma_start3A_77] : memref<2x2568x128xi32, #tpu.memory_space<hbm>> -> memref<1x8x128xi32, #tpu.memory_space<hbm>>
      %dma_start3A_79 = tpu.memref_squeeze %dma_start3A_78 : memref<1x8x128xi32, #tpu.memory_space<hbm>> -> memref<8x128xi32, #tpu.memory_space<hbm>>
      %dma_start3A_80 = arith.constant 0 : i32
      %dma_start3A_81 = arith.constant 0 : i32
      %dma_start3A_82 = tpu.memref_slice %arg7[%run_scoped3A_10, %dma_start3A_80, %dma_start3A_81] : memref<2x8x128xi32, #tpu.memory_space<vmem>> -> memref<1x8x128xi32, #tpu.memory_space<vmem>>
      %dma_start3A_83 = tpu.memref_squeeze %dma_start3A_82 : memref<1x8x128xi32, #tpu.memory_space<vmem>> -> memref<8x128xi32, #tpu.memory_space<vmem>>
      %dma_start3A_84 = arith.constant 0 : i32
      %dma_start3A_85 = tpu.memref_slice %arg3[%run_scoped3A, %mul3A_9, %dma_start3A_84] : memref<2x2568x128xi32, #tpu.memory_space<hbm>> -> memref<1x8x128xi32, #tpu.memory_space<hbm>>
      %dma_start3A_86 = tpu.memref_squeeze %dma_start3A_85 : memref<1x8x128xi32, #tpu.memory_space<hbm>> -> memref<8x128xi32, #tpu.memory_space<hbm>>
      tpu.enqueue_dma source(%dma_start3A_86 : memref<8x128xi32, #tpu.memory_space<hbm>>) target(%dma_start3A_83 : memref<8x128xi32, #tpu.memory_space<vmem>>) target_semaphore(%run_scoped3A_72 : memref<!tpu.dma_semaphore, #tpu.memory_space<semaphore_mem>>)
      %dma_wait3A_87 = arith.constant 0 : i32
      %dma_wait3A_88 = arith.constant 0 : i32
      %dma_wait3A_89 = tpu.memref_slice %arg7[%run_scoped3A_10, %dma_wait3A_87, %dma_wait3A_88] : memref<2x8x128xi32, #tpu.memory_space<vmem>> -> memref<1x8x128xi32, #tpu.memory_space<vmem>>
      %dma_wait3A_90 = tpu.memref_squeeze %dma_wait3A_89 : memref<1x8x128xi32, #tpu.memory_space<vmem>> -> memref<8x128xi32, #tpu.memory_space<vmem>>
      %dma_wait3A_91 = arith.constant 0 : i32
      %dma_wait3A_92 = tpu.memref_slice %arg3[%run_scoped3A, %mul3A_9, %dma_wait3A_91] : memref<2x2568x128xi32, #tpu.memory_space<hbm>> -> memref<1x8x128xi32, #tpu.memory_space<hbm>>
      %dma_wait3A_93 = tpu.memref_squeeze %dma_wait3A_92 : memref<1x8x128xi32, #tpu.memory_space<hbm>> -> memref<8x128xi32, #tpu.memory_space<hbm>>
      %dma_wait3A_94 = arith.constant 0 : i32
      %dma_wait3A_95 = arith.constant 0 : i32
      %dma_wait3A_96 = tpu.memref_slice %arg7[%run_scoped3A_10, %dma_wait3A_94, %dma_wait3A_95] : memref<2x8x128xi32, #tpu.memory_space<vmem>> -> memref<1x8x128xi32, #tpu.memory_space<vmem>>
      %dma_wait3A_97 = tpu.memref_squeeze %dma_wait3A_96 : memref<1x8x128xi32, #tpu.memory_space<vmem>> -> memref<8x128xi32, #tpu.memory_space<vmem>>
      %dma_wait3A_98 = arith.constant 0 : i32
      %dma_wait3A_99 = tpu.memref_slice %arg3[%run_scoped3A, %mul3A_9, %dma_wait3A_98] : memref<2x2568x128xi32, #tpu.memory_space<hbm>> -> memref<1x8x128xi32, #tpu.memory_space<hbm>>
      %dma_wait3A_100 = tpu.memref_squeeze %dma_wait3A_99 : memref<1x8x128xi32, #tpu.memory_space<hbm>> -> memref<8x128xi32, #tpu.memory_space<hbm>>
      tpu.wait_dma2 semaphore(%run_scoped3A_72 : memref<!tpu.dma_semaphore, #tpu.memory_space<semaphore_mem>>) src(%dma_wait3A_100 : memref<8x128xi32, #tpu.memory_space<hbm>>) dst(%dma_wait3A_97 : memref<8x128xi32, #tpu.memory_space<vmem>>)
      tpu.yield
    }) : () -> ()
    %add3A_11 = arith.constant 0 : i32
    %add3A_12 = arith.addi %mul3A_5, %add3A_11 : i32
    %mul3A_13 = arith.constant 8 : i32
    %mul3A_14 = arith.muli %add3A_12, %mul3A_13 : i32
    %run_scoped3A_15 = arith.constant 1 : i32
    %run_scoped3A_16 = arith.constant 0 : i32
    "tpu.region"() ({
      %run_scoped3A_72 = tpu.sem_alloc : memref<!tpu.dma_semaphore, #tpu.memory_space<semaphore_mem>>
      %dma_start3A_73 = arith.constant 0 : i32
      %dma_start3A_74 = arith.constant 0 : i32
      %dma_start3A_75 = tpu.memref_slice %arg8[%run_scoped3A_16, %dma_start3A_73, %dma_start3A_74] : memref<2x8x128xi32, #tpu.memory_space<vmem>> -> memref<1x8x128xi32, #tpu.memory_space<vmem>>
      %dma_start3A_76 = tpu.memref_squeeze %dma_start3A_75 : memref<1x8x128xi32, #tpu.memory_space<vmem>> -> memref<8x128xi32, #tpu.memory_space<vmem>>
      %dma_start3A_77 = arith.constant 0 : i32
      %dma_start3A_78 = tpu.memref_slice %arg3[%run_scoped3A_15, %mul3A_14, %dma_start3A_77] : memref<2x2568x128xi32, #tpu.memory_space<hbm>> -> memref<1x8x128xi32, #tpu.memory_space<hbm>>
      %dma_start3A_79 = tpu.memref_squeeze %dma_start3A_78 : memref<1x8x128xi32, #tpu.memory_space<hbm>> -> memref<8x128xi32, #tpu.memory_space<hbm>>
      %dma_start3A_80 = arith.constant 0 : i32
      %dma_start3A_81 = arith.constant 0 : i32
      %dma_start3A_82 = tpu.memref_slice %arg8[%run_scoped3A_16, %dma_start3A_80, %dma_start3A_81] : memref<2x8x128xi32, #tpu.memory_space<vmem>> -> memref<1x8x128xi32, #tpu.memory_space<vmem>>
      %dma_start3A_83 = tpu.memref_squeeze %dma_start3A_82 : memref<1x8x128xi32, #tpu.memory_space<vmem>> -> memref<8x128xi32, #tpu.memory_space<vmem>>
      %dma_start3A_84 = arith.constant 0 : i32
      %dma_start3A_85 = tpu.memref_slice %arg3[%run_scoped3A_15, %mul3A_14, %dma_start3A_84] : memref<2x2568x128xi32, #tpu.memory_space<hbm>> -> memref<1x8x128xi32, #tpu.memory_space<hbm>>
      %dma_start3A_86 = tpu.memref_squeeze %dma_start3A_85 : memref<1x8x128xi32, #tpu.memory_space<hbm>> -> memref<8x128xi32, #tpu.memory_space<hbm>>
      tpu.enqueue_dma source(%dma_start3A_86 : memref<8x128xi32, #tpu.memory_space<hbm>>) target(%dma_start3A_83 : memref<8x128xi32, #tpu.memory_space<vmem>>) target_semaphore(%run_scoped3A_72 : memref<!tpu.dma_semaphore, #tpu.memory_space<semaphore_mem>>)
      %dma_wait3A_87 = arith.constant 0 : i32
      %dma_wait3A_88 = arith.constant 0 : i32
      %dma_wait3A_89 = tpu.memref_slice %arg8[%run_scoped3A_16, %dma_wait3A_87, %dma_wait3A_88] : memref<2x8x128xi32, #tpu.memory_space<vmem>> -> memref<1x8x128xi32, #tpu.memory_space<vmem>>
      %dma_wait3A_90 = tpu.memref_squeeze %dma_wait3A_89 : memref<1x8x128xi32, #tpu.memory_space<vmem>> -> memref<8x128xi32, #tpu.memory_space<vmem>>
      %dma_wait3A_91 = arith.constant 0 : i32
      %dma_wait3A_92 = tpu.memref_slice %arg3[%run_scoped3A_15, %mul3A_14, %dma_wait3A_91] : memref<2x2568x128xi32, #tpu.memory_space<hbm>> -> memref<1x8x128xi32, #tpu.memory_space<hbm>>
      %dma_wait3A_93 = tpu.memref_squeeze %dma_wait3A_92 : memref<1x8x128xi32, #tpu.memory_space<hbm>> -> memref<8x128xi32, #tpu.memory_space<hbm>>
      %dma_wait3A_94 = arith.constant 0 : i32
      %dma_wait3A_95 = arith.constant 0 : i32
      %dma_wait3A_96 = tpu.memref_slice %arg8[%run_scoped3A_16, %dma_wait3A_94, %dma_wait3A_95] : memref<2x8x128xi32, #tpu.memory_space<vmem>> -> memref<1x8x128xi32, #tpu.memory_space<vmem>>
      %dma_wait3A_97 = tpu.memref_squeeze %dma_wait3A_96 : memref<1x8x128xi32, #tpu.memory_space<vmem>> -> memref<8x128xi32, #tpu.memory_space<vmem>>
      %dma_wait3A_98 = arith.constant 0 : i32
      %dma_wait3A_99 = tpu.memref_slice %arg3[%run_scoped3A_15, %mul3A_14, %dma_wait3A_98] : memref<2x2568x128xi32, #tpu.memory_space<hbm>> -> memref<1x8x128xi32, #tpu.memory_space<hbm>>
      %dma_wait3A_100 = tpu.memref_squeeze %dma_wait3A_99 : memref<1x8x128xi32, #tpu.memory_space<hbm>> -> memref<8x128xi32, #tpu.memory_space<hbm>>
      tpu.wait_dma2 semaphore(%run_scoped3A_72 : memref<!tpu.dma_semaphore, #tpu.memory_space<semaphore_mem>>) src(%dma_wait3A_100 : memref<8x128xi32, #tpu.memory_space<hbm>>) dst(%dma_wait3A_97 : memref<8x128xi32, #tpu.memory_space<vmem>>)
      tpu.yield
    }) : () -> ()
    %dma_start3A_17 = arith.constant 0 : i32
    %dma_start3A_18 = arith.constant 0 : i32
    %dma_start3A_19 = arith.constant 0 : i32
    %dma_start3A_20 = arith.constant 0 : i32
    %dma_start3A_21 = arith.constant 0 : i32
    %dma_start3A_22 = tpu.memref_slice %arg9[%dma_start3A_19, %dma_start3A_20, %dma_start3A_21] : memref<2x128x128xf32, #tpu.memory_space<vmem>> -> memref<1x128x128xf32, #tpu.memory_space<vmem>>
    %dma_start3A_23 = tpu.memref_squeeze %dma_start3A_22 : memref<1x128x128xf32, #tpu.memory_space<vmem>> -> memref<128x128xf32, #tpu.memory_space<vmem>>
    %dma_start3A_24 = arith.constant 0 : i32
    %dma_start3A_25 = tpu.memref_slice %arg7[%dma_start3A_17, %dma_start3A_18, %dma_start3A_24] : memref<2x8x128xi32, #tpu.memory_space<vmem>> -> memref<1x1x128xi32, #tpu.memory_space<vmem>>
    %dma_start3A_26 = tpu.memref_squeeze %dma_start3A_25 : memref<1x1x128xi32, #tpu.memory_space<vmem>> -> memref<128xi32, #tpu.memory_space<vmem>>
    %dma_start3A_27 = arith.constant 0 : i32
    %dma_start3A_28 = arith.constant 0 : i32
    %dma_start3A_29 = tpu.memref_slice %arg2[%dma_start3A_27, %dma_start3A_28] : memref<10000x128xf32, #tpu.memory_space<hbm>> -> memref<10000x128xf32, #tpu.memory_space<hbm>>
    tpu.enqueue_indirect_dma source(%dma_start3A_29 : memref<10000x128xf32, #tpu.memory_space<hbm>>) target(%dma_start3A_23 : memref<128x128xf32, #tpu.memory_space<vmem>>) offsets(%dma_start3A_26 : memref<128xi32, #tpu.memory_space<vmem>>) semaphore(%arg10 : memref<!tpu.dma_semaphore, #tpu.memory_space<semaphore_mem>>)
    %dma_wait3A = arith.constant 0 : i32
    %dma_wait3A_30 = tpu.memref_slice %arg16[%mul3A_2, %dma_wait3A] : memref<10240x128xf32, #tpu.memory_space<vmem_shared>> -> memref<640x128xf32, #tpu.memory_space<vmem_shared>>
    tpu.wait_dma2 semaphore(%arg14 : memref<!tpu.dma_semaphore, #tpu.memory_space<semaphore_mem>>) src(%arg4 : memref<640x128xf32, #tpu.memory_space<hbm>>) dst(%dma_wait3A_30 : memref<640x128xf32, #tpu.memory_space<vmem_shared>>)
    %barrier3A = arith.constant 0 : index
    tpu.barrier barrier_id(%barrier3A)
    %scan3A = arith.constant 0 : i32
    %scan3A_31 = arith.constant 0 : i32
    %scan3A_32 = arith.constant 5 : i32
    %scan3A_33 = arith.addi %scan3A_31, %scan3A_32 : i32
    %scan3A_34 = arith.constant 1 : i32
    scf.for %scan3A_72 = %scan3A_31 to %scan3A_33 step %scan3A_34  : i32 {
      %mul3A_73 = arith.constant 2 : i32
      %mul3A_74 = arith.muli %scan3A_72, %mul3A_73 : i32
      %add3A_75 = arith.constant 0 : i32
      %add3A_76 = arith.addi %mul3A_74, %add3A_75 : i32
      %mul3A_77 = arith.constant 8 : i32
      %mul3A_78 = arith.muli %add3A_76, %mul3A_77 : i32
      %add3A_79 = arith.constant 0 : i32
      %add3A_80 = arith.addi %mul3A_78, %add3A_79 : i32
      %dma_wait3A_81 = arith.constant 0 : i32
      %dma_wait3A_82 = arith.constant 0 : i32
      %dma_wait3A_83 = arith.constant 0 : i32
      %dma_wait3A_84 = arith.constant 0 : i32
      %dma_wait3A_85 = arith.constant 0 : i32
      %dma_wait3A_86 = tpu.memref_slice %arg9[%dma_wait3A_83, %dma_wait3A_84, %dma_wait3A_85] : memref<2x128x128xf32, #tpu.memory_space<vmem>> -> memref<1x128x128xf32, #tpu.memory_space<vmem>>
      %dma_wait3A_87 = tpu.memref_squeeze %dma_wait3A_86 : memref<1x128x128xf32, #tpu.memory_space<vmem>> -> memref<128x128xf32, #tpu.memory_space<vmem>>
      %dma_wait3A_88 = arith.constant 0 : i32
      %dma_wait3A_89 = tpu.memref_slice %arg7[%dma_wait3A_81, %dma_wait3A_82, %dma_wait3A_88] : memref<2x8x128xi32, #tpu.memory_space<vmem>> -> memref<1x1x128xi32, #tpu.memory_space<vmem>>
      %dma_wait3A_90 = tpu.memref_squeeze %dma_wait3A_89 : memref<1x1x128xi32, #tpu.memory_space<vmem>> -> memref<128xi32, #tpu.memory_space<vmem>>
      %dma_wait3A_91 = arith.constant 0 : i32
      %dma_wait3A_92 = arith.constant 0 : i32
      %dma_wait3A_93 = tpu.memref_slice %arg2[%dma_wait3A_91, %dma_wait3A_92] : memref<10000x128xf32, #tpu.memory_space<hbm>> -> memref<10000x128xf32, #tpu.memory_space<hbm>>
      tpu.wait_indirect_dma semaphore(%arg10 : memref<!tpu.dma_semaphore, #tpu.memory_space<semaphore_mem>>) src(%dma_wait3A_93 : memref<10000x128xf32, #tpu.memory_space<hbm>>) dst(%dma_wait3A_87 : memref<128x128xf32, #tpu.memory_space<vmem>>)
      %dma_start3A_94 = arith.constant 0 : i32
      %dma_start3A_95 = arith.constant 0 : i32
      %dma_start3A_96 = arith.constant 0 : i32
      %dma_start3A_97 = arith.constant 0 : i32
      %dma_start3A_98 = arith.constant 0 : i32
      %dma_start3A_99 = tpu.memref_slice %arg9[%dma_start3A_94, %dma_start3A_97, %dma_start3A_98] : memref<2x128x128xf32, #tpu.memory_space<vmem>> -> memref<1x128x128xf32, #tpu.memory_space<vmem>>
      %dma_start3A_100 = tpu.memref_squeeze %dma_start3A_99 : memref<1x128x128xf32, #tpu.memory_space<vmem>> -> memref<128x128xf32, #tpu.memory_space<vmem>>
      %dma_start3A_101 = arith.constant 0 : i32
      %dma_start3A_102 = tpu.memref_slice %arg8[%dma_start3A_95, %dma_start3A_96, %dma_start3A_101] : memref<2x8x128xi32, #tpu.memory_space<vmem>> -> memref<1x1x128xi32, #tpu.memory_space<vmem>>
      %dma_start3A_103 = tpu.memref_squeeze %dma_start3A_102 : memref<1x1x128xi32, #tpu.memory_space<vmem>> -> memref<128xi32, #tpu.memory_space<vmem>>
      %dma_start3A_104 = arith.constant 0 : i32
      %dma_start3A_105 = arith.constant 0 : i32
      %dma_start3A_106 = tpu.memref_slice %arg16[%dma_start3A_104, %dma_start3A_105] : memref<10240x128xf32, #tpu.memory_space<vmem_shared>> -> memref<10240x128xf32, #tpu.memory_space<vmem_shared>>
      tpu.enqueue_indirect_dma source(%dma_start3A_100 : memref<128x128xf32, #tpu.memory_space<vmem>>) target(%dma_start3A_106 : memref<10240x128xf32, #tpu.memory_space<vmem_shared>>) offsets(%dma_start3A_103 : memref<128xi32, #tpu.memory_space<vmem>>) semaphore(%arg12 : memref<!tpu.dma_semaphore, #tpu.memory_space<semaphore_mem>>) {add = true}
      %gt3A = arith.constant 0 : i32
      %gt3A_107 = arith.cmpi sgt, %scan3A_72, %gt3A : i32
      %convert_element_type3A_108 = arith.extui %gt3A_107 : i1 to i32
      %cond3A_109 = arith.constant 0 : i32
      %cond3A_110 = arith.cmpi ne, %convert_element_type3A_108, %cond3A_109 : i32
      scf.if %cond3A_110 {
        %dma_wait3A_1128 = arith.constant 1 : i32
        %dma_wait3A_1129 = arith.constant 1 : i32
        %dma_wait3A_1130 = arith.constant 7 : i32
        %dma_wait3A_1131 = arith.constant 0 : i32
        %dma_wait3A_1132 = arith.constant 0 : i32
        %dma_wait3A_1133 = tpu.memref_slice %arg9[%dma_wait3A_1128, %dma_wait3A_1131, %dma_wait3A_1132] : memref<2x128x128xf32, #tpu.memory_space<vmem>> -> memref<1x128x128xf32, #tpu.memory_space<vmem>>
        %dma_wait3A_1134 = tpu.memref_squeeze %dma_wait3A_1133 : memref<1x128x128xf32, #tpu.memory_space<vmem>> -> memref<128x128xf32, #tpu.memory_space<vmem>>
        %dma_wait3A_1135 = arith.constant 0 : i32
        %dma_wait3A_1136 = tpu.memref_slice %arg8[%dma_wait3A_1129, %dma_wait3A_1130, %dma_wait3A_1135] : memref<2x8x128xi32, #tpu.memory_space<vmem>> -> memref<1x1x128xi32, #tpu.memory_space<vmem>>
        %dma_wait3A_1137 = tpu.memref_squeeze %dma_wait3A_1136 : memref<1x1x128xi32, #tpu.memory_space<vmem>> -> memref<128xi32, #tpu.memory_space<vmem>>
        %dma_wait3A_1138 = arith.constant 0 : i32
        %dma_wait3A_1139 = arith.constant 0 : i32
        %dma_wait3A_1140 = tpu.memref_slice %arg16[%dma_wait3A_1138, %dma_wait3A_1139] : memref<10240x128xf32, #tpu.memory_space<vmem_shared>> -> memref<10240x128xf32, #tpu.memory_space<vmem_shared>>
        tpu.wait_indirect_dma semaphore(%arg13 : memref<!tpu.dma_semaphore, #tpu.memory_space<semaphore_mem>>) src(%dma_wait3A_1134 : memref<128x128xf32, #tpu.memory_space<vmem>>) dst(%dma_wait3A_1140 : memref<10240x128xf32, #tpu.memory_space<vmem_shared>>)
      } else {
      }
      %add3A_111 = arith.constant 1 : i32
      %add3A_112 = arith.addi %add3A_76, %add3A_111 : i32
      %add3A_113 = arith.addi %mul3A_5, %add3A_112 : i32
      %mul3A_114 = arith.constant 8 : i32
      %mul3A_115 = arith.muli %add3A_113, %mul3A_114 : i32
      %dma_start3A_116 = arith.constant 0 : i32
      %dma_start3A_117 = arith.constant 1 : i32
      %dma_start3A_118 = arith.constant 0 : i32
      %dma_start3A_119 = arith.constant 0 : i32
      %dma_start3A_120 = tpu.memref_slice %arg7[%dma_start3A_117, %dma_start3A_118, %dma_start3A_119] : memref<2x8x128xi32, #tpu.memory_space<vmem>> -> memref<1x8x128xi32, #tpu.memory_space<vmem>>
      %dma_start3A_121 = tpu.memref_squeeze %dma_start3A_120 : memref<1x8x128xi32, #tpu.memory_space<vmem>> -> memref<8x128xi32, #tpu.memory_space<vmem>>
      %dma_start3A_122 = arith.constant 0 : i32
      %dma_start3A_123 = tpu.memref_slice %arg3[%dma_start3A_116, %mul3A_115, %dma_start3A_122] : memref<2x2568x128xi32, #tpu.memory_space<hbm>> -> memref<1x8x128xi32, #tpu.memory_space<hbm>>
      %dma_start3A_124 = tpu.memref_squeeze %dma_start3A_123 : memref<1x8x128xi32, #tpu.memory_space<hbm>> -> memref<8x128xi32, #tpu.memory_space<hbm>>
      %dma_start3A_125 = arith.constant 0 : i32
      %dma_start3A_126 = arith.constant 0 : i32
      %dma_start3A_127 = tpu.memref_slice %arg7[%dma_start3A_117, %dma_start3A_125, %dma_start3A_126] : memref<2x8x128xi32, #tpu.memory_space<vmem>> -> memref<1x8x128xi32, #tpu.memory_space<vmem>>
      %dma_start3A_128 = tpu.memref_squeeze %dma_start3A_127 : memref<1x8x128xi32, #tpu.memory_space<vmem>> -> memref<8x128xi32, #tpu.memory_space<vmem>>
      %dma_start3A_129 = arith.constant 0 : i32
      %dma_start3A_130 = tpu.memref_slice %arg3[%dma_start3A_116, %mul3A_115, %dma_start3A_129] : memref<2x2568x128xi32, #tpu.memory_space<hbm>> -> memref<1x8x128xi32, #tpu.memory_space<hbm>>
      %dma_start3A_131 = tpu.memref_squeeze %dma_start3A_130 : memref<1x8x128xi32, #tpu.memory_space<hbm>> -> memref<8x128xi32, #tpu.memory_space<hbm>>
      tpu.enqueue_dma source(%dma_start3A_131 : memref<8x128xi32, #tpu.memory_space<hbm>>) target(%dma_start3A_128 : memref<8x128xi32, #tpu.memory_space<vmem>>) target_semaphore(%arg15 : memref<!tpu.dma_semaphore, #tpu.memory_space<semaphore_mem>>)
      %add3A_132 = arith.addi %mul3A_5, %add3A_112 : i32
      %mul3A_133 = arith.constant 8 : i32
      %mul3A_134 = arith.muli %add3A_132, %mul3A_133 : i32
      %dma_start3A_135 = arith.constant 1 : i32
      %dma_start3A_136 = arith.constant 1 : i32
      %dma_start3A_137 = arith.constant 0 : i32
      %dma_start3A_138 = arith.constant 0 : i32
      %dma_start3A_139 = tpu.memref_slice %arg8[%dma_start3A_136, %dma_start3A_137, %dma_start3A_138] : memref<2x8x128xi32, #tpu.memory_space<vmem>> -> memref<1x8x128xi32, #tpu.memory_space<vmem>>
      %dma_start3A_140 = tpu.memref_squeeze %dma_start3A_139 : memref<1x8x128xi32, #tpu.memory_space<vmem>> -> memref<8x128xi32, #tpu.memory_space<vmem>>
      %dma_start3A_141 = arith.constant 0 : i32
      %dma_start3A_142 = tpu.memref_slice %arg3[%dma_start3A_135, %mul3A_134, %dma_start3A_141] : memref<2x2568x128xi32, #tpu.memory_space<hbm>> -> memref<1x8x128xi32, #tpu.memory_space<hbm>>
      %dma_start3A_143 = tpu.memref_squeeze %dma_start3A_142 : memref<1x8x128xi32, #tpu.memory_space<hbm>> -> memref<8x128xi32, #tpu.memory_space<hbm>>
      %dma_start3A_144 = arith.constant 0 : i32
      %dma_start3A_145 = arith.constant 0 : i32
      %dma_start3A_146 = tpu.memref_slice %arg8[%dma_start3A_136, %dma_start3A_144, %dma_start3A_145] : memref<2x8x128xi32, #tpu.memory_space<vmem>> -> memref<1x8x128xi32, #tpu.memory_space<vmem>>
      %dma_start3A_147 = tpu.memref_squeeze %dma_start3A_146 : memref<1x8x128xi32, #tpu.memory_space<vmem>> -> memref<8x128xi32, #tpu.memory_space<vmem>>
      %dma_start3A_148 = arith.constant 0 : i32
      %dma_start3A_149 = tpu.memref_slice %arg3[%dma_start3A_135, %mul3A_134, %dma_start3A_148] : memref<2x2568x128xi32, #tpu.memory_space<hbm>> -> memref<1x8x128xi32, #tpu.memory_space<hbm>>
      %dma_start3A_150 = tpu.memref_squeeze %dma_start3A_149 : memref<1x8x128xi32, #tpu.memory_space<hbm>> -> memref<8x128xi32, #tpu.memory_space<hbm>>
      tpu.enqueue_dma source(%dma_start3A_150 : memref<8x128xi32, #tpu.memory_space<hbm>>) target(%dma_start3A_147 : memref<8x128xi32, #tpu.memory_space<vmem>>) target_semaphore(%arg15 : memref<!tpu.dma_semaphore, #tpu.memory_space<semaphore_mem>>)
      %dma_start3A_151 = arith.constant 0 : i32
      %dma_start3A_152 = arith.constant 1 : i32
      %dma_start3A_153 = arith.constant 1 : i32
      %dma_start3A_154 = arith.constant 0 : i32
      %dma_start3A_155 = arith.constant 0 : i32
      %dma_start3A_156 = tpu.memref_slice %arg9[%dma_start3A_153, %dma_start3A_154, %dma_start3A_155] : memref<2x128x128xf32, #tpu.memory_space<vmem>> -> memref<1x128x128xf32, #tpu.memory_space<vmem>>
      %dma_start3A_157 = tpu.memref_squeeze %dma_start3A_156 : memref<1x128x128xf32, #tpu.memory_space<vmem>> -> memref<128x128xf32, #tpu.memory_space<vmem>>
      %dma_start3A_158 = arith.constant 0 : i32
      %dma_start3A_159 = tpu.memref_slice %arg7[%dma_start3A_151, %dma_start3A_152, %dma_start3A_158] : memref<2x8x128xi32, #tpu.memory_space<vmem>> -> memref<1x1x128xi32, #tpu.memory_space<vmem>>
      %dma_start3A_160 = tpu.memref_squeeze %dma_start3A_159 : memref<1x1x128xi32, #tpu.memory_space<vmem>> -> memref<128xi32, #tpu.memory_space<vmem>>
      %dma_start3A_161 = arith.constant 0 : i32
      %dma_start3A_162 = arith.constant 0 : i32
      %dma_start3A_163 = tpu.memref_slice %arg2[%dma_start3A_161, %dma_start3A_162] : memref<10000x128xf32, #tpu.memory_space<hbm>> -> memref<10000x128xf32, #tpu.memory_space<hbm>>
      tpu.enqueue_indirect_dma source(%dma_start3A_163 : memref<10000x128xf32, #tpu.memory_space<hbm>>) target(%dma_start3A_157 : memref<128x128xf32, #tpu.memory_space<vmem>>) offsets(%dma_start3A_160 : memref<128xi32, #tpu.memory_space<vmem>>) semaphore(%arg11 : memref<!tpu.dma_semaphore, #tpu.memory_space<semaphore_mem>>)
      %mul3A_164 = arith.constant 8 : i32
      %mul3A_165 = arith.muli %add3A_76, %mul3A_164 : i32
      %add3A_166 = arith.constant 1 : i32
      %add3A_167 = arith.addi %mul3A_165, %add3A_166 : i32
      %dma_wait3A_168 = arith.constant 0 : i32
      %dma_wait3A_169 = arith.constant 1 : i32
      %dma_wait3A_170 = arith.constant 1 : i32
      %dma_wait3A_171 = arith.constant 0 : i32
      %dma_wait3A_172 = arith.constant 0 : i32
      %dma_wait3A_173 = tpu.memref_slice %arg9[%dma_wait3A_170, %dma_wait3A_171, %dma_wait3A_172] : memref<2x128x128xf32, #tpu.memory_space<vmem>> -> memref<1x128x128xf32, #tpu.memory_space<vmem>>
      %dma_wait3A_174 = tpu.memref_squeeze %dma_wait3A_173 : memref<1x128x128xf32, #tpu.memory_space<vmem>> -> memref<128x128xf32, #tpu.memory_space<vmem>>
      %dma_wait3A_175 = arith.constant 0 : i32
      %dma_wait3A_176 = tpu.memref_slice %arg7[%dma_wait3A_168, %dma_wait3A_169, %dma_wait3A_175] : memref<2x8x128xi32, #tpu.memory_space<vmem>> -> memref<1x1x128xi32, #tpu.memory_space<vmem>>
      %dma_wait3A_177 = tpu.memref_squeeze %dma_wait3A_176 : memref<1x1x128xi32, #tpu.memory_space<vmem>> -> memref<128xi32, #tpu.memory_space<vmem>>
      %dma_wait3A_178 = arith.constant 0 : i32
      %dma_wait3A_179 = arith.constant 0 : i32
      %dma_wait3A_180 = tpu.memref_slice %arg2[%dma_wait3A_178, %dma_wait3A_179] : memref<10000x128xf32, #tpu.memory_space<hbm>> -> memref<10000x128xf32, #tpu.memory_space<hbm>>
      tpu.wait_indirect_dma semaphore(%arg11 : memref<!tpu.dma_semaphore, #tpu.memory_space<semaphore_mem>>) src(%dma_wait3A_180 : memref<10000x128xf32, #tpu.memory_space<hbm>>) dst(%dma_wait3A_174 : memref<128x128xf32, #tpu.memory_space<vmem>>)
      %dma_start3A_181 = arith.constant 1 : i32
      %dma_start3A_182 = arith.constant 0 : i32
      %dma_start3A_183 = arith.constant 1 : i32
      %dma_start3A_184 = arith.constant 0 : i32
      %dma_start3A_185 = arith.constant 0 : i32
      %dma_start3A_186 = tpu.memref_slice %arg9[%dma_start3A_181, %dma_start3A_184, %dma_start3A_185] : memref<2x128x128xf32, #tpu.memory_space<vmem>> -> memref<1x128x128xf32, #tpu.memory_space<vmem>>
      %dma_start3A_187 = tpu.memref_squeeze %dma_start3A_186 : memref<1x128x128xf32, #tpu.memory_space<vmem>> -> memref<128x128xf32, #tpu.memory_space<vmem>>
      %dma_start3A_188 = arith.constant 0 : i32
      %dma_start3A_189 = tpu.memref_slice %arg8[%dma_start3A_182, %dma_start3A_183, %dma_start3A_188] : memref<2x8x128xi32, #tpu.memory_space<vmem>> -> memref<1x1x128xi32, #tpu.memory_space<vmem>>
      %dma_start3A_190 = tpu.memref_squeeze %dma_start3A_189 : memref<1x1x128xi32, #tpu.memory_space<vmem>> -> memref<128xi32, #tpu.memory_space<vmem>>
      %dma_start3A_191 = arith.constant 0 : i32
      %dma_start3A_192 = arith.constant 0 : i32
      %dma_start3A_193 = tpu.memref_slice %arg16[%dma_start3A_191, %dma_start3A_192] : memref<10240x128xf32, #tpu.memory_space<vmem_shared>> -> memref<10240x128xf32, #tpu.memory_space<vmem_shared>>
      tpu.enqueue_indirect_dma source(%dma_start3A_187 : memref<128x128xf32, #tpu.memory_space<vmem>>) target(%dma_start3A_193 : memref<10240x128xf32, #tpu.memory_space<vmem_shared>>) offsets(%dma_start3A_190 : memref<128xi32, #tpu.memory_space<vmem>>) semaphore(%arg13 : memref<!tpu.dma_semaphore, #tpu.memory_space<semaphore_mem>>) {add = true}
      %dma_wait3A_194 = arith.constant 0 : i32
      %dma_wait3A_195 = arith.constant 0 : i32
      %dma_wait3A_196 = arith.constant 0 : i32
      %dma_wait3A_197 = arith.constant 0 : i32
      %dma_wait3A_198 = arith.constant 0 : i32
      %dma_wait3A_199 = tpu.memref_slice %arg9[%dma_wait3A_194, %dma_wait3A_197, %dma_wait3A_198] : memref<2x128x128xf32, #tpu.memory_space<vmem>> -> memref<1x128x128xf32, #tpu.memory_space<vmem>>
      %dma_wait3A_200 = tpu.memref_squeeze %dma_wait3A_199 : memref<1x128x128xf32, #tpu.memory_space<vmem>> -> memref<128x128xf32, #tpu.memory_space<vmem>>
      %dma_wait3A_201 = arith.constant 0 : i32
      %dma_wait3A_202 = tpu.memref_slice %arg8[%dma_wait3A_195, %dma_wait3A_196, %dma_wait3A_201] : memref<2x8x128xi32, #tpu.memory_space<vmem>> -> memref<1x1x128xi32, #tpu.memory_space<vmem>>
      %dma_wait3A_203 = tpu.memref_squeeze %dma_wait3A_202 : memref<1x1x128xi32, #tpu.memory_space<vmem>> -> memref<128xi32, #tpu.memory_space<vmem>>
      %dma_wait3A_204 = arith.constant 0 : i32
      %dma_wait3A_205 = arith.constant 0 : i32
      %dma_wait3A_206 = tpu.memref_slice %arg16[%dma_wait3A_204, %dma_wait3A_205] : memref<10240x128xf32, #tpu.memory_space<vmem_shared>> -> memref<10240x128xf32, #tpu.memory_space<vmem_shared>>
      tpu.wait_indirect_dma semaphore(%arg12 : memref<!tpu.dma_semaphore, #tpu.memory_space<semaphore_mem>>) src(%dma_wait3A_200 : memref<128x128xf32, #tpu.memory_space<vmem>>) dst(%dma_wait3A_206 : memref<10240x128xf32, #tpu.memory_space<vmem_shared>>)
      %dma_start3A_207 = arith.constant 0 : i32
      %dma_start3A_208 = arith.constant 2 : i32
      %dma_start3A_209 = arith.constant 0 : i32
      %dma_start3A_210 = arith.constant 0 : i32
      %dma_start3A_211 = arith.constant 0 : i32
      %dma_start3A_212 = tpu.memref_slice %arg9[%dma_start3A_209, %dma_start3A_210, %dma_start3A_211] : memref<2x128x128xf32, #tpu.memory_space<vmem>> -> memref<1x128x128xf32, #tpu.memory_space<vmem>>
      %dma_start3A_213 = tpu.memref_squeeze %dma_start3A_212 : memref<1x128x128xf32, #tpu.memory_space<vmem>> -> memref<128x128xf32, #tpu.memory_space<vmem>>
      %dma_start3A_214 = arith.constant 0 : i32
      %dma_start3A_215 = tpu.memref_slice %arg7[%dma_start3A_207, %dma_start3A_208, %dma_start3A_214] : memref<2x8x128xi32, #tpu.memory_space<vmem>> -> memref<1x1x128xi32, #tpu.memory_space<vmem>>
      %dma_start3A_216 = tpu.memref_squeeze %dma_start3A_215 : memref<1x1x128xi32, #tpu.memory_space<vmem>> -> memref<128xi32, #tpu.memory_space<vmem>>
      %dma_start3A_217 = arith.constant 0 : i32
      %dma_start3A_218 = arith.constant 0 : i32
      %dma_start3A_219 = tpu.memref_slice %arg2[%dma_start3A_217, %dma_start3A_218] : memref<10000x128xf32, #tpu.memory_space<hbm>> -> memref<10000x128xf32, #tpu.memory_space<hbm>>
      tpu.enqueue_indirect_dma source(%dma_start3A_219 : memref<10000x128xf32, #tpu.memory_space<hbm>>) target(%dma_start3A_213 : memref<128x128xf32, #tpu.memory_space<vmem>>) offsets(%dma_start3A_216 : memref<128xi32, #tpu.memory_space<vmem>>) semaphore(%arg10 : memref<!tpu.dma_semaphore, #tpu.memory_space<semaphore_mem>>)
      %mul3A_220 = arith.constant 8 : i32
      %mul3A_221 = arith.muli %add3A_76, %mul3A_220 : i32
      %add3A_222 = arith.constant 2 : i32
      %add3A_223 = arith.addi %mul3A_221, %add3A_222 : i32
      %dma_wait3A_224 = arith.constant 0 : i32
      %dma_wait3A_225 = arith.constant 2 : i32
      %dma_wait3A_226 = arith.constant 0 : i32
      %dma_wait3A_227 = arith.constant 0 : i32
      %dma_wait3A_228 = arith.constant 0 : i32
      %dma_wait3A_229 = tpu.memref_slice %arg9[%dma_wait3A_226, %dma_wait3A_227, %dma_wait3A_228] : memref<2x128x128xf32, #tpu.memory_space<vmem>> -> memref<1x128x128xf32, #tpu.memory_space<vmem>>
      %dma_wait3A_230 = tpu.memref_squeeze %dma_wait3A_229 : memref<1x128x128xf32, #tpu.memory_space<vmem>> -> memref<128x128xf32, #tpu.memory_space<vmem>>
      %dma_wait3A_231 = arith.constant 0 : i32
      %dma_wait3A_232 = tpu.memref_slice %arg7[%dma_wait3A_224, %dma_wait3A_225, %dma_wait3A_231] : memref<2x8x128xi32, #tpu.memory_space<vmem>> -> memref<1x1x128xi32, #tpu.memory_space<vmem>>
      %dma_wait3A_233 = tpu.memref_squeeze %dma_wait3A_232 : memref<1x1x128xi32, #tpu.memory_space<vmem>> -> memref<128xi32, #tpu.memory_space<vmem>>
      %dma_wait3A_234 = arith.constant 0 : i32
      %dma_wait3A_235 = arith.constant 0 : i32
      %dma_wait3A_236 = tpu.memref_slice %arg2[%dma_wait3A_234, %dma_wait3A_235] : memref<10000x128xf32, #tpu.memory_space<hbm>> -> memref<10000x128xf32, #tpu.memory_space<hbm>>
      tpu.wait_indirect_dma semaphore(%arg10 : memref<!tpu.dma_semaphore, #tpu.memory_space<semaphore_mem>>) src(%dma_wait3A_236 : memref<10000x128xf32, #tpu.memory_space<hbm>>) dst(%dma_wait3A_230 : memref<128x128xf32, #tpu.memory_space<vmem>>)
      %dma_start3A_237 = arith.constant 0 : i32
      %dma_start3A_238 = arith.constant 0 : i32
      %dma_start3A_239 = arith.constant 2 : i32
      %dma_start3A_240 = arith.constant 0 : i32
      %dma_start3A_241 = arith.constant 0 : i32
      %dma_start3A_242 = tpu.memref_slice %arg9[%dma_start3A_237, %dma_start3A_240, %dma_start3A_241] : memref<2x128x128xf32, #tpu.memory_space<vmem>> -> memref<1x128x128xf32, #tpu.memory_space<vmem>>
      %dma_start3A_243 = tpu.memref_squeeze %dma_start3A_242 : memref<1x128x128xf32, #tpu.memory_space<vmem>> -> memref<128x128xf32, #tpu.memory_space<vmem>>
      %dma_start3A_244 = arith.constant 0 : i32
      %dma_start3A_245 = tpu.memref_slice %arg8[%dma_start3A_238, %dma_start3A_239, %dma_start3A_244] : memref<2x8x128xi32, #tpu.memory_space<vmem>> -> memref<1x1x128xi32, #tpu.memory_space<vmem>>
      %dma_start3A_246 = tpu.memref_squeeze %dma_start3A_245 : memref<1x1x128xi32, #tpu.memory_space<vmem>> -> memref<128xi32, #tpu.memory_space<vmem>>
      %dma_start3A_247 = arith.constant 0 : i32
      %dma_start3A_248 = arith.constant 0 : i32
      %dma_start3A_249 = tpu.memref_slice %arg16[%dma_start3A_247, %dma_start3A_248] : memref<10240x128xf32, #tpu.memory_space<vmem_shared>> -> memref<10240x128xf32, #tpu.memory_space<vmem_shared>>
      tpu.enqueue_indirect_dma source(%dma_start3A_243 : memref<128x128xf32, #tpu.memory_space<vmem>>) target(%dma_start3A_249 : memref<10240x128xf32, #tpu.memory_space<vmem_shared>>) offsets(%dma_start3A_246 : memref<128xi32, #tpu.memory_space<vmem>>) semaphore(%arg12 : memref<!tpu.dma_semaphore, #tpu.memory_space<semaphore_mem>>) {add = true}
      %dma_wait3A_250 = arith.constant 1 : i32
      %dma_wait3A_251 = arith.constant 0 : i32
      %dma_wait3A_252 = arith.constant 1 : i32
      %dma_wait3A_253 = arith.constant 0 : i32
      %dma_wait3A_254 = arith.constant 0 : i32
      %dma_wait3A_255 = tpu.memref_slice %arg9[%dma_wait3A_250, %dma_wait3A_253, %dma_wait3A_254] : memref<2x128x128xf32, #tpu.memory_space<vmem>> -> memref<1x128x128xf32, #tpu.memory_space<vmem>>
      %dma_wait3A_256 = tpu.memref_squeeze %dma_wait3A_255 : memref<1x128x128xf32, #tpu.memory_space<vmem>> -> memref<128x128xf32, #tpu.memory_space<vmem>>
      %dma_wait3A_257 = arith.constant 0 : i32
      %dma_wait3A_258 = tpu.memref_slice %arg8[%dma_wait3A_251, %dma_wait3A_252, %dma_wait3A_257] : memref<2x8x128xi32, #tpu.memory_space<vmem>> -> memref<1x1x128xi32, #tpu.memory_space<vmem>>
      %dma_wait3A_259 = tpu.memref_squeeze %dma_wait3A_258 : memref<1x1x128xi32, #tpu.memory_space<vmem>> -> memref<128xi32, #tpu.memory_space<vmem>>
      %dma_wait3A_260 = arith.constant 0 : i32
      %dma_wait3A_261 = arith.constant 0 : i32
      %dma_wait3A_262 = tpu.memref_slice %arg16[%dma_wait3A_260, %dma_wait3A_261] : memref<10240x128xf32, #tpu.memory_space<vmem_shared>> -> memref<10240x128xf32, #tpu.memory_space<vmem_shared>>
      tpu.wait_indirect_dma semaphore(%arg13 : memref<!tpu.dma_semaphore, #tpu.memory_space<semaphore_mem>>) src(%dma_wait3A_256 : memref<128x128xf32, #tpu.memory_space<vmem>>) dst(%dma_wait3A_262 : memref<10240x128xf32, #tpu.memory_space<vmem_shared>>)
      %dma_start3A_263 = arith.constant 0 : i32
      %dma_start3A_264 = arith.constant 3 : i32
      %dma_start3A_265 = arith.constant 1 : i32
      %dma_start3A_266 = arith.constant 0 : i32
      %dma_start3A_267 = arith.constant 0 : i32
      %dma_start3A_268 = tpu.memref_slice %arg9[%dma_start3A_265, %dma_start3A_266, %dma_start3A_267] : memref<2x128x128xf32, #tpu.memory_space<vmem>> -> memref<1x128x128xf32, #tpu.memory_space<vmem>>
      %dma_start3A_269 = tpu.memref_squeeze %dma_start3A_268 : memref<1x128x128xf32, #tpu.memory_space<vmem>> -> memref<128x128xf32, #tpu.memory_space<vmem>>
      %dma_start3A_270 = arith.constant 0 : i32
      %dma_start3A_271 = tpu.memref_slice %arg7[%dma_start3A_263, %dma_start3A_264, %dma_start3A_270] : memref<2x8x128xi32, #tpu.memory_space<vmem>> -> memref<1x1x128xi32, #tpu.memory_space<vmem>>
      %dma_start3A_272 = tpu.memref_squeeze %dma_start3A_271 : memref<1x1x128xi32, #tpu.memory_space<vmem>> -> memref<128xi32, #tpu.memory_space<vmem>>
      %dma_start3A_273 = arith.constant 0 : i32
      %dma_start3A_274 = arith.constant 0 : i32
      %dma_start3A_275 = tpu.memref_slice %arg2[%dma_start3A_273, %dma_start3A_274] : memref<10000x128xf32, #tpu.memory_space<hbm>> -> memref<10000x128xf32, #tpu.memory_space<hbm>>
      tpu.enqueue_indirect_dma source(%dma_start3A_275 : memref<10000x128xf32, #tpu.memory_space<hbm>>) target(%dma_start3A_269 : memref<128x128xf32, #tpu.memory_space<vmem>>) offsets(%dma_start3A_272 : memref<128xi32, #tpu.memory_space<vmem>>) semaphore(%arg11 : memref<!tpu.dma_semaphore, #tpu.memory_space<semaphore_mem>>)
      %mul3A_276 = arith.constant 8 : i32
      %mul3A_277 = arith.muli %add3A_76, %mul3A_276 : i32
      %add3A_278 = arith.constant 3 : i32
      %add3A_279 = arith.addi %mul3A_277, %add3A_278 : i32
      %dma_wait3A_280 = arith.constant 0 : i32
      %dma_wait3A_281 = arith.constant 3 : i32
      %dma_wait3A_282 = arith.constant 1 : i32
      %dma_wait3A_283 = arith.constant 0 : i32
      %dma_wait3A_284 = arith.constant 0 : i32
      %dma_wait3A_285 = tpu.memref_slice %arg9[%dma_wait3A_282, %dma_wait3A_283, %dma_wait3A_284] : memref<2x128x128xf32, #tpu.memory_space<vmem>> -> memref<1x128x128xf32, #tpu.memory_space<vmem>>
      %dma_wait3A_286 = tpu.memref_squeeze %dma_wait3A_285 : memref<1x128x128xf32, #tpu.memory_space<vmem>> -> memref<128x128xf32, #tpu.memory_space<vmem>>
      %dma_wait3A_287 = arith.constant 0 : i32
      %dma_wait3A_288 = tpu.memref_slice %arg7[%dma_wait3A_280, %dma_wait3A_281, %dma_wait3A_287] : memref<2x8x128xi32, #tpu.memory_space<vmem>> -> memref<1x1x128xi32, #tpu.memory_space<vmem>>
      %dma_wait3A_289 = tpu.memref_squeeze %dma_wait3A_288 : memref<1x1x128xi32, #tpu.memory_space<vmem>> -> memref<128xi32, #tpu.memory_space<vmem>>
      %dma_wait3A_290 = arith.constant 0 : i32
      %dma_wait3A_291 = arith.constant 0 : i32
      %dma_wait3A_292 = tpu.memref_slice %arg2[%dma_wait3A_290, %dma_wait3A_291] : memref<10000x128xf32, #tpu.memory_space<hbm>> -> memref<10000x128xf32, #tpu.memory_space<hbm>>
      tpu.wait_indirect_dma semaphore(%arg11 : memref<!tpu.dma_semaphore, #tpu.memory_space<semaphore_mem>>) src(%dma_wait3A_292 : memref<10000x128xf32, #tpu.memory_space<hbm>>) dst(%dma_wait3A_286 : memref<128x128xf32, #tpu.memory_space<vmem>>)
      %dma_start3A_293 = arith.constant 1 : i32
      %dma_start3A_294 = arith.constant 0 : i32
      %dma_start3A_295 = arith.constant 3 : i32
      %dma_start3A_296 = arith.constant 0 : i32
      %dma_start3A_297 = arith.constant 0 : i32
      %dma_start3A_298 = tpu.memref_slice %arg9[%dma_start3A_293, %dma_start3A_296, %dma_start3A_297] : memref<2x128x128xf32, #tpu.memory_space<vmem>> -> memref<1x128x128xf32, #tpu.memory_space<vmem>>
      %dma_start3A_299 = tpu.memref_squeeze %dma_start3A_298 : memref<1x128x128xf32, #tpu.memory_space<vmem>> -> memref<128x128xf32, #tpu.memory_space<vmem>>
      %dma_start3A_300 = arith.constant 0 : i32
      %dma_start3A_301 = tpu.memref_slice %arg8[%dma_start3A_294, %dma_start3A_295, %dma_start3A_300] : memref<2x8x128xi32, #tpu.memory_space<vmem>> -> memref<1x1x128xi32, #tpu.memory_space<vmem>>
      %dma_start3A_302 = tpu.memref_squeeze %dma_start3A_301 : memref<1x1x128xi32, #tpu.memory_space<vmem>> -> memref<128xi32, #tpu.memory_space<vmem>>
      %dma_start3A_303 = arith.constant 0 : i32
      %dma_start3A_304 = arith.constant 0 : i32
      %dma_start3A_305 = tpu.memref_slice %arg16[%dma_start3A_303, %dma_start3A_304] : memref<10240x128xf32, #tpu.memory_space<vmem_shared>> -> memref<10240x128xf32, #tpu.memory_space<vmem_shared>>
      tpu.enqueue_indirect_dma source(%dma_start3A_299 : memref<128x128xf32, #tpu.memory_space<vmem>>) target(%dma_start3A_305 : memref<10240x128xf32, #tpu.memory_space<vmem_shared>>) offsets(%dma_start3A_302 : memref<128xi32, #tpu.memory_space<vmem>>) semaphore(%arg13 : memref<!tpu.dma_semaphore, #tpu.memory_space<semaphore_mem>>) {add = true}
      %dma_wait3A_306 = arith.constant 0 : i32
      %dma_wait3A_307 = arith.constant 0 : i32
      %dma_wait3A_308 = arith.constant 2 : i32
      %dma_wait3A_309 = arith.constant 0 : i32
      %dma_wait3A_310 = arith.constant 0 : i32
      %dma_wait3A_311 = tpu.memref_slice %arg9[%dma_wait3A_306, %dma_wait3A_309, %dma_wait3A_310] : memref<2x128x128xf32, #tpu.memory_space<vmem>> -> memref<1x128x128xf32, #tpu.memory_space<vmem>>
      %dma_wait3A_312 = tpu.memref_squeeze %dma_wait3A_311 : memref<1x128x128xf32, #tpu.memory_space<vmem>> -> memref<128x128xf32, #tpu.memory_space<vmem>>
      %dma_wait3A_313 = arith.constant 0 : i32
      %dma_wait3A_314 = tpu.memref_slice %arg8[%dma_wait3A_307, %dma_wait3A_308, %dma_wait3A_313] : memref<2x8x128xi32, #tpu.memory_space<vmem>> -> memref<1x1x128xi32, #tpu.memory_space<vmem>>
      %dma_wait3A_315 = tpu.memref_squeeze %dma_wait3A_314 : memref<1x1x128xi32, #tpu.memory_space<vmem>> -> memref<128xi32, #tpu.memory_space<vmem>>
      %dma_wait3A_316 = arith.constant 0 : i32
      %dma_wait3A_317 = arith.constant 0 : i32
      %dma_wait3A_318 = tpu.memref_slice %arg16[%dma_wait3A_316, %dma_wait3A_317] : memref<10240x128xf32, #tpu.memory_space<vmem_shared>> -> memref<10240x128xf32, #tpu.memory_space<vmem_shared>>
      tpu.wait_indirect_dma semaphore(%arg12 : memref<!tpu.dma_semaphore, #tpu.memory_space<semaphore_mem>>) src(%dma_wait3A_312 : memref<128x128xf32, #tpu.memory_space<vmem>>) dst(%dma_wait3A_318 : memref<10240x128xf32, #tpu.memory_space<vmem_shared>>)
      %dma_start3A_319 = arith.constant 0 : i32
      %dma_start3A_320 = arith.constant 4 : i32
      %dma_start3A_321 = arith.constant 0 : i32
      %dma_start3A_322 = arith.constant 0 : i32
      %dma_start3A_323 = arith.constant 0 : i32
      %dma_start3A_324 = tpu.memref_slice %arg9[%dma_start3A_321, %dma_start3A_322, %dma_start3A_323] : memref<2x128x128xf32, #tpu.memory_space<vmem>> -> memref<1x128x128xf32, #tpu.memory_space<vmem>>
      %dma_start3A_325 = tpu.memref_squeeze %dma_start3A_324 : memref<1x128x128xf32, #tpu.memory_space<vmem>> -> memref<128x128xf32, #tpu.memory_space<vmem>>
      %dma_start3A_326 = arith.constant 0 : i32
      %dma_start3A_327 = tpu.memref_slice %arg7[%dma_start3A_319, %dma_start3A_320, %dma_start3A_326] : memref<2x8x128xi32, #tpu.memory_space<vmem>> -> memref<1x1x128xi32, #tpu.memory_space<vmem>>
      %dma_start3A_328 = tpu.memref_squeeze %dma_start3A_327 : memref<1x1x128xi32, #tpu.memory_space<vmem>> -> memref<128xi32, #tpu.memory_space<vmem>>
      %dma_start3A_329 = arith.constant 0 : i32
      %dma_start3A_330 = arith.constant 0 : i32
      %dma_start3A_331 = tpu.memref_slice %arg2[%dma_start3A_329, %dma_start3A_330] : memref<10000x128xf32, #tpu.memory_space<hbm>> -> memref<10000x128xf32, #tpu.memory_space<hbm>>
      tpu.enqueue_indirect_dma source(%dma_start3A_331 : memref<10000x128xf32, #tpu.memory_space<hbm>>) target(%dma_start3A_325 : memref<128x128xf32, #tpu.memory_space<vmem>>) offsets(%dma_start3A_328 : memref<128xi32, #tpu.memory_space<vmem>>) semaphore(%arg10 : memref<!tpu.dma_semaphore, #tpu.memory_space<semaphore_mem>>)
      %mul3A_332 = arith.constant 8 : i32
      %mul3A_333 = arith.muli %add3A_76, %mul3A_332 : i32
      %add3A_334 = arith.constant 4 : i32
      %add3A_335 = arith.addi %mul3A_333, %add3A_334 : i32
      %dma_wait3A_336 = arith.constant 0 : i32
      %dma_wait3A_337 = arith.constant 4 : i32
      %dma_wait3A_338 = arith.constant 0 : i32
      %dma_wait3A_339 = arith.constant 0 : i32
      %dma_wait3A_340 = arith.constant 0 : i32
      %dma_wait3A_341 = tpu.memref_slice %arg9[%dma_wait3A_338, %dma_wait3A_339, %dma_wait3A_340] : memref<2x128x128xf32, #tpu.memory_space<vmem>> -> memref<1x128x128xf32, #tpu.memory_space<vmem>>
      %dma_wait3A_342 = tpu.memref_squeeze %dma_wait3A_341 : memref<1x128x128xf32, #tpu.memory_space<vmem>> -> memref<128x128xf32, #tpu.memory_space<vmem>>
      %dma_wait3A_343 = arith.constant 0 : i32
      %dma_wait3A_344 = tpu.memref_slice %arg7[%dma_wait3A_336, %dma_wait3A_337, %dma_wait3A_343] : memref<2x8x128xi32, #tpu.memory_space<vmem>> -> memref<1x1x128xi32, #tpu.memory_space<vmem>>
      %dma_wait3A_345 = tpu.memref_squeeze %dma_wait3A_344 : memref<1x1x128xi32, #tpu.memory_space<vmem>> -> memref<128xi32, #tpu.memory_space<vmem>>
      %dma_wait3A_346 = arith.constant 0 : i32
      %dma_wait3A_347 = arith.constant 0 : i32
      %dma_wait3A_348 = tpu.memref_slice %arg2[%dma_wait3A_346, %dma_wait3A_347] : memref<10000x128xf32, #tpu.memory_space<hbm>> -> memref<10000x128xf32, #tpu.memory_space<hbm>>
      tpu.wait_indirect_dma semaphore(%arg10 : memref<!tpu.dma_semaphore, #tpu.memory_space<semaphore_mem>>) src(%dma_wait3A_348 : memref<10000x128xf32, #tpu.memory_space<hbm>>) dst(%dma_wait3A_342 : memref<128x128xf32, #tpu.memory_space<vmem>>)
      %dma_start3A_349 = arith.constant 0 : i32
      %dma_start3A_350 = arith.constant 0 : i32
      %dma_start3A_351 = arith.constant 4 : i32
      %dma_start3A_352 = arith.constant 0 : i32
      %dma_start3A_353 = arith.constant 0 : i32
      %dma_start3A_354 = tpu.memref_slice %arg9[%dma_start3A_349, %dma_start3A_352, %dma_start3A_353] : memref<2x128x128xf32, #tpu.memory_space<vmem>> -> memref<1x128x128xf32, #tpu.memory_space<vmem>>
      %dma_start3A_355 = tpu.memref_squeeze %dma_start3A_354 : memref<1x128x128xf32, #tpu.memory_space<vmem>> -> memref<128x128xf32, #tpu.memory_space<vmem>>
      %dma_start3A_356 = arith.constant 0 : i32
      %dma_start3A_357 = tpu.memref_slice %arg8[%dma_start3A_350, %dma_start3A_351, %dma_start3A_356] : memref<2x8x128xi32, #tpu.memory_space<vmem>> -> memref<1x1x128xi32, #tpu.memory_space<vmem>>
      %dma_start3A_358 = tpu.memref_squeeze %dma_start3A_357 : memref<1x1x128xi32, #tpu.memory_space<vmem>> -> memref<128xi32, #tpu.memory_space<vmem>>
      %dma_start3A_359 = arith.constant 0 : i32
      %dma_start3A_360 = arith.constant 0 : i32
      %dma_start3A_361 = tpu.memref_slice %arg16[%dma_start3A_359, %dma_start3A_360] : memref<10240x128xf32, #tpu.memory_space<vmem_shared>> -> memref<10240x128xf32, #tpu.memory_space<vmem_shared>>
      tpu.enqueue_indirect_dma source(%dma_start3A_355 : memref<128x128xf32, #tpu.memory_space<vmem>>) target(%dma_start3A_361 : memref<10240x128xf32, #tpu.memory_space<vmem_shared>>) offsets(%dma_start3A_358 : memref<128xi32, #tpu.memory_space<vmem>>) semaphore(%arg12 : memref<!tpu.dma_semaphore, #tpu.memory_space<semaphore_mem>>) {add = true}
      %dma_wait3A_362 = arith.constant 1 : i32
      %dma_wait3A_363 = arith.constant 0 : i32
      %dma_wait3A_364 = arith.constant 3 : i32
      %dma_wait3A_365 = arith.constant 0 : i32
      %dma_wait3A_366 = arith.constant 0 : i32
      %dma_wait3A_367 = tpu.memref_slice %arg9[%dma_wait3A_362, %dma_wait3A_365, %dma_wait3A_366] : memref<2x128x128xf32, #tpu.memory_space<vmem>> -> memref<1x128x128xf32, #tpu.memory_space<vmem>>
      %dma_wait3A_368 = tpu.memref_squeeze %dma_wait3A_367 : memref<1x128x128xf32, #tpu.memory_space<vmem>> -> memref<128x128xf32, #tpu.memory_space<vmem>>
      %dma_wait3A_369 = arith.constant 0 : i32
      %dma_wait3A_370 = tpu.memref_slice %arg8[%dma_wait3A_363, %dma_wait3A_364, %dma_wait3A_369] : memref<2x8x128xi32, #tpu.memory_space<vmem>> -> memref<1x1x128xi32, #tpu.memory_space<vmem>>
      %dma_wait3A_371 = tpu.memref_squeeze %dma_wait3A_370 : memref<1x1x128xi32, #tpu.memory_space<vmem>> -> memref<128xi32, #tpu.memory_space<vmem>>
      %dma_wait3A_372 = arith.constant 0 : i32
      %dma_wait3A_373 = arith.constant 0 : i32
      %dma_wait3A_374 = tpu.memref_slice %arg16[%dma_wait3A_372, %dma_wait3A_373] : memref<10240x128xf32, #tpu.memory_space<vmem_shared>> -> memref<10240x128xf32, #tpu.memory_space<vmem_shared>>
      tpu.wait_indirect_dma semaphore(%arg13 : memref<!tpu.dma_semaphore, #tpu.memory_space<semaphore_mem>>) src(%dma_wait3A_368 : memref<128x128xf32, #tpu.memory_space<vmem>>) dst(%dma_wait3A_374 : memref<10240x128xf32, #tpu.memory_space<vmem_shared>>)
      %dma_start3A_375 = arith.constant 0 : i32
      %dma_start3A_376 = arith.constant 5 : i32
      %dma_start3A_377 = arith.constant 1 : i32
      %dma_start3A_378 = arith.constant 0 : i32
      %dma_start3A_379 = arith.constant 0 : i32
      %dma_start3A_380 = tpu.memref_slice %arg9[%dma_start3A_377, %dma_start3A_378, %dma_start3A_379] : memref<2x128x128xf32, #tpu.memory_space<vmem>> -> memref<1x128x128xf32, #tpu.memory_space<vmem>>
      %dma_start3A_381 = tpu.memref_squeeze %dma_start3A_380 : memref<1x128x128xf32, #tpu.memory_space<vmem>> -> memref<128x128xf32, #tpu.memory_space<vmem>>
      %dma_start3A_382 = arith.constant 0 : i32
      %dma_start3A_383 = tpu.memref_slice %arg7[%dma_start3A_375, %dma_start3A_376, %dma_start3A_382] : memref<2x8x128xi32, #tpu.memory_space<vmem>> -> memref<1x1x128xi32, #tpu.memory_space<vmem>>
      %dma_start3A_384 = tpu.memref_squeeze %dma_start3A_383 : memref<1x1x128xi32, #tpu.memory_space<vmem>> -> memref<128xi32, #tpu.memory_space<vmem>>
      %dma_start3A_385 = arith.constant 0 : i32
      %dma_start3A_386 = arith.constant 0 : i32
      %dma_start3A_387 = tpu.memref_slice %arg2[%dma_start3A_385, %dma_start3A_386] : memref<10000x128xf32, #tpu.memory_space<hbm>> -> memref<10000x128xf32, #tpu.memory_space<hbm>>
      tpu.enqueue_indirect_dma source(%dma_start3A_387 : memref<10000x128xf32, #tpu.memory_space<hbm>>) target(%dma_start3A_381 : memref<128x128xf32, #tpu.memory_space<vmem>>) offsets(%dma_start3A_384 : memref<128xi32, #tpu.memory_space<vmem>>) semaphore(%arg11 : memref<!tpu.dma_semaphore, #tpu.memory_space<semaphore_mem>>)
      %mul3A_388 = arith.constant 8 : i32
      %mul3A_389 = arith.muli %add3A_76, %mul3A_388 : i32
      %add3A_390 = arith.constant 5 : i32
      %add3A_391 = arith.addi %mul3A_389, %add3A_390 : i32
      %dma_wait3A_392 = arith.constant 0 : i32
      %dma_wait3A_393 = arith.constant 5 : i32
      %dma_wait3A_394 = arith.constant 1 : i32
      %dma_wait3A_395 = arith.constant 0 : i32
      %dma_wait3A_396 = arith.constant 0 : i32
      %dma_wait3A_397 = tpu.memref_slice %arg9[%dma_wait3A_394, %dma_wait3A_395, %dma_wait3A_396] : memref<2x128x128xf32, #tpu.memory_space<vmem>> -> memref<1x128x128xf32, #tpu.memory_space<vmem>>
      %dma_wait3A_398 = tpu.memref_squeeze %dma_wait3A_397 : memref<1x128x128xf32, #tpu.memory_space<vmem>> -> memref<128x128xf32, #tpu.memory_space<vmem>>
      %dma_wait3A_399 = arith.constant 0 : i32
      %dma_wait3A_400 = tpu.memref_slice %arg7[%dma_wait3A_392, %dma_wait3A_393, %dma_wait3A_399] : memref<2x8x128xi32, #tpu.memory_space<vmem>> -> memref<1x1x128xi32, #tpu.memory_space<vmem>>
      %dma_wait3A_401 = tpu.memref_squeeze %dma_wait3A_400 : memref<1x1x128xi32, #tpu.memory_space<vmem>> -> memref<128xi32, #tpu.memory_space<vmem>>
      %dma_wait3A_402 = arith.constant 0 : i32
      %dma_wait3A_403 = arith.constant 0 : i32
      %dma_wait3A_404 = tpu.memref_slice %arg2[%dma_wait3A_402, %dma_wait3A_403] : memref<10000x128xf32, #tpu.memory_space<hbm>> -> memref<10000x128xf32, #tpu.memory_space<hbm>>
      tpu.wait_indirect_dma semaphore(%arg11 : memref<!tpu.dma_semaphore, #tpu.memory_space<semaphore_mem>>) src(%dma_wait3A_404 : memref<10000x128xf32, #tpu.memory_space<hbm>>) dst(%dma_wait3A_398 : memref<128x128xf32, #tpu.memory_space<vmem>>)
      %dma_start3A_405 = arith.constant 1 : i32
      %dma_start3A_406 = arith.constant 0 : i32
      %dma_start3A_407 = arith.constant 5 : i32
      %dma_start3A_408 = arith.constant 0 : i32
      %dma_start3A_409 = arith.constant 0 : i32
      %dma_start3A_410 = tpu.memref_slice %arg9[%dma_start3A_405, %dma_start3A_408, %dma_start3A_409] : memref<2x128x128xf32, #tpu.memory_space<vmem>> -> memref<1x128x128xf32, #tpu.memory_space<vmem>>
      %dma_start3A_411 = tpu.memref_squeeze %dma_start3A_410 : memref<1x128x128xf32, #tpu.memory_space<vmem>> -> memref<128x128xf32, #tpu.memory_space<vmem>>
      %dma_start3A_412 = arith.constant 0 : i32
      %dma_start3A_413 = tpu.memref_slice %arg8[%dma_start3A_406, %dma_start3A_407, %dma_start3A_412] : memref<2x8x128xi32, #tpu.memory_space<vmem>> -> memref<1x1x128xi32, #tpu.memory_space<vmem>>
      %dma_start3A_414 = tpu.memref_squeeze %dma_start3A_413 : memref<1x1x128xi32, #tpu.memory_space<vmem>> -> memref<128xi32, #tpu.memory_space<vmem>>
      %dma_start3A_415 = arith.constant 0 : i32
      %dma_start3A_416 = arith.constant 0 : i32
      %dma_start3A_417 = tpu.memref_slice %arg16[%dma_start3A_415, %dma_start3A_416] : memref<10240x128xf32, #tpu.memory_space<vmem_shared>> -> memref<10240x128xf32, #tpu.memory_space<vmem_shared>>
      tpu.enqueue_indirect_dma source(%dma_start3A_411 : memref<128x128xf32, #tpu.memory_space<vmem>>) target(%dma_start3A_417 : memref<10240x128xf32, #tpu.memory_space<vmem_shared>>) offsets(%dma_start3A_414 : memref<128xi32, #tpu.memory_space<vmem>>) semaphore(%arg13 : memref<!tpu.dma_semaphore, #tpu.memory_space<semaphore_mem>>) {add = true}
      %dma_wait3A_418 = arith.constant 0 : i32
      %dma_wait3A_419 = arith.constant 0 : i32
      %dma_wait3A_420 = arith.constant 4 : i32
      %dma_wait3A_421 = arith.constant 0 : i32
      %dma_wait3A_422 = arith.constant 0 : i32
      %dma_wait3A_423 = tpu.memref_slice %arg9[%dma_wait3A_418, %dma_wait3A_421, %dma_wait3A_422] : memref<2x128x128xf32, #tpu.memory_space<vmem>> -> memref<1x128x128xf32, #tpu.memory_space<vmem>>
      %dma_wait3A_424 = tpu.memref_squeeze %dma_wait3A_423 : memref<1x128x128xf32, #tpu.memory_space<vmem>> -> memref<128x128xf32, #tpu.memory_space<vmem>>
      %dma_wait3A_425 = arith.constant 0 : i32
      %dma_wait3A_426 = tpu.memref_slice %arg8[%dma_wait3A_419, %dma_wait3A_420, %dma_wait3A_425] : memref<2x8x128xi32, #tpu.memory_space<vmem>> -> memref<1x1x128xi32, #tpu.memory_space<vmem>>
      %dma_wait3A_427 = tpu.memref_squeeze %dma_wait3A_426 : memref<1x1x128xi32, #tpu.memory_space<vmem>> -> memref<128xi32, #tpu.memory_space<vmem>>
      %dma_wait3A_428 = arith.constant 0 : i32
      %dma_wait3A_429 = arith.constant 0 : i32
      %dma_wait3A_430 = tpu.memref_slice %arg16[%dma_wait3A_428, %dma_wait3A_429] : memref<10240x128xf32, #tpu.memory_space<vmem_shared>> -> memref<10240x128xf32, #tpu.memory_space<vmem_shared>>
      tpu.wait_indirect_dma semaphore(%arg12 : memref<!tpu.dma_semaphore, #tpu.memory_space<semaphore_mem>>) src(%dma_wait3A_424 : memref<128x128xf32, #tpu.memory_space<vmem>>) dst(%dma_wait3A_430 : memref<10240x128xf32, #tpu.memory_space<vmem_shared>>)
      %dma_start3A_431 = arith.constant 0 : i32
      %dma_start3A_432 = arith.constant 6 : i32
      %dma_start3A_433 = arith.constant 0 : i32
      %dma_start3A_434 = arith.constant 0 : i32
      %dma_start3A_435 = arith.constant 0 : i32
      %dma_start3A_436 = tpu.memref_slice %arg9[%dma_start3A_433, %dma_start3A_434, %dma_start3A_435] : memref<2x128x128xf32, #tpu.memory_space<vmem>> -> memref<1x128x128xf32, #tpu.memory_space<vmem>>
      %dma_start3A_437 = tpu.memref_squeeze %dma_start3A_436 : memref<1x128x128xf32, #tpu.memory_space<vmem>> -> memref<128x128xf32, #tpu.memory_space<vmem>>
      %dma_start3A_438 = arith.constant 0 : i32
      %dma_start3A_439 = tpu.memref_slice %arg7[%dma_start3A_431, %dma_start3A_432, %dma_start3A_438] : memref<2x8x128xi32, #tpu.memory_space<vmem>> -> memref<1x1x128xi32, #tpu.memory_space<vmem>>
      %dma_start3A_440 = tpu.memref_squeeze %dma_start3A_439 : memref<1x1x128xi32, #tpu.memory_space<vmem>> -> memref<128xi32, #tpu.memory_space<vmem>>
      %dma_start3A_441 = arith.constant 0 : i32
      %dma_start3A_442 = arith.constant 0 : i32
      %dma_start3A_443 = tpu.memref_slice %arg2[%dma_start3A_441, %dma_start3A_442] : memref<10000x128xf32, #tpu.memory_space<hbm>> -> memref<10000x128xf32, #tpu.memory_space<hbm>>
      tpu.enqueue_indirect_dma source(%dma_start3A_443 : memref<10000x128xf32, #tpu.memory_space<hbm>>) target(%dma_start3A_437 : memref<128x128xf32, #tpu.memory_space<vmem>>) offsets(%dma_start3A_440 : memref<128xi32, #tpu.memory_space<vmem>>) semaphore(%arg10 : memref<!tpu.dma_semaphore, #tpu.memory_space<semaphore_mem>>)
      %mul3A_444 = arith.constant 8 : i32
      %mul3A_445 = arith.muli %add3A_76, %mul3A_444 : i32
      %add3A_446 = arith.constant 6 : i32
      %add3A_447 = arith.addi %mul3A_445, %add3A_446 : i32
      %dma_wait3A_448 = arith.constant 0 : i32
      %dma_wait3A_449 = arith.constant 6 : i32
      %dma_wait3A_450 = arith.constant 0 : i32
      %dma_wait3A_451 = arith.constant 0 : i32
      %dma_wait3A_452 = arith.constant 0 : i32
      %dma_wait3A_453 = tpu.memref_slice %arg9[%dma_wait3A_450, %dma_wait3A_451, %dma_wait3A_452] : memref<2x128x128xf32, #tpu.memory_space<vmem>> -> memref<1x128x128xf32, #tpu.memory_space<vmem>>
      %dma_wait3A_454 = tpu.memref_squeeze %dma_wait3A_453 : memref<1x128x128xf32, #tpu.memory_space<vmem>> -> memref<128x128xf32, #tpu.memory_space<vmem>>
      %dma_wait3A_455 = arith.constant 0 : i32
      %dma_wait3A_456 = tpu.memref_slice %arg7[%dma_wait3A_448, %dma_wait3A_449, %dma_wait3A_455] : memref<2x8x128xi32, #tpu.memory_space<vmem>> -> memref<1x1x128xi32, #tpu.memory_space<vmem>>
      %dma_wait3A_457 = tpu.memref_squeeze %dma_wait3A_456 : memref<1x1x128xi32, #tpu.memory_space<vmem>> -> memref<128xi32, #tpu.memory_space<vmem>>
      %dma_wait3A_458 = arith.constant 0 : i32
      %dma_wait3A_459 = arith.constant 0 : i32
      %dma_wait3A_460 = tpu.memref_slice %arg2[%dma_wait3A_458, %dma_wait3A_459] : memref<10000x128xf32, #tpu.memory_space<hbm>> -> memref<10000x128xf32, #tpu.memory_space<hbm>>
      tpu.wait_indirect_dma semaphore(%arg10 : memref<!tpu.dma_semaphore, #tpu.memory_space<semaphore_mem>>) src(%dma_wait3A_460 : memref<10000x128xf32, #tpu.memory_space<hbm>>) dst(%dma_wait3A_454 : memref<128x128xf32, #tpu.memory_space<vmem>>)
      %dma_start3A_461 = arith.constant 0 : i32
      %dma_start3A_462 = arith.constant 0 : i32
      %dma_start3A_463 = arith.constant 6 : i32
      %dma_start3A_464 = arith.constant 0 : i32
      %dma_start3A_465 = arith.constant 0 : i32
      %dma_start3A_466 = tpu.memref_slice %arg9[%dma_start3A_461, %dma_start3A_464, %dma_start3A_465] : memref<2x128x128xf32, #tpu.memory_space<vmem>> -> memref<1x128x128xf32, #tpu.memory_space<vmem>>
      %dma_start3A_467 = tpu.memref_squeeze %dma_start3A_466 : memref<1x128x128xf32, #tpu.memory_space<vmem>> -> memref<128x128xf32, #tpu.memory_space<vmem>>
      %dma_start3A_468 = arith.constant 0 : i32
      %dma_start3A_469 = tpu.memref_slice %arg8[%dma_start3A_462, %dma_start3A_463, %dma_start3A_468] : memref<2x8x128xi32, #tpu.memory_space<vmem>> -> memref<1x1x128xi32, #tpu.memory_space<vmem>>
      %dma_start3A_470 = tpu.memref_squeeze %dma_start3A_469 : memref<1x1x128xi32, #tpu.memory_space<vmem>> -> memref<128xi32, #tpu.memory_space<vmem>>
      %dma_start3A_471 = arith.constant 0 : i32
      %dma_start3A_472 = arith.constant 0 : i32
      %dma_start3A_473 = tpu.memref_slice %arg16[%dma_start3A_471, %dma_start3A_472] : memref<10240x128xf32, #tpu.memory_space<vmem_shared>> -> memref<10240x128xf32, #tpu.memory_space<vmem_shared>>
      tpu.enqueue_indirect_dma source(%dma_start3A_467 : memref<128x128xf32, #tpu.memory_space<vmem>>) target(%dma_start3A_473 : memref<10240x128xf32, #tpu.memory_space<vmem_shared>>) offsets(%dma_start3A_470 : memref<128xi32, #tpu.memory_space<vmem>>) semaphore(%arg12 : memref<!tpu.dma_semaphore, #tpu.memory_space<semaphore_mem>>) {add = true}
      %dma_wait3A_474 = arith.constant 1 : i32
      %dma_wait3A_475 = arith.constant 0 : i32
      %dma_wait3A_476 = arith.constant 5 : i32
      %dma_wait3A_477 = arith.constant 0 : i32
      %dma_wait3A_478 = arith.constant 0 : i32
      %dma_wait3A_479 = tpu.memref_slice %arg9[%dma_wait3A_474, %dma_wait3A_477, %dma_wait3A_478] : memref<2x128x128xf32, #tpu.memory_space<vmem>> -> memref<1x128x128xf32, #tpu.memory_space<vmem>>
      %dma_wait3A_480 = tpu.memref_squeeze %dma_wait3A_479 : memref<1x128x128xf32, #tpu.memory_space<vmem>> -> memref<128x128xf32, #tpu.memory_space<vmem>>
      %dma_wait3A_481 = arith.constant 0 : i32
      %dma_wait3A_482 = tpu.memref_slice %arg8[%dma_wait3A_475, %dma_wait3A_476, %dma_wait3A_481] : memref<2x8x128xi32, #tpu.memory_space<vmem>> -> memref<1x1x128xi32, #tpu.memory_space<vmem>>
      %dma_wait3A_483 = tpu.memref_squeeze %dma_wait3A_482 : memref<1x1x128xi32, #tpu.memory_space<vmem>> -> memref<128xi32, #tpu.memory_space<vmem>>
      %dma_wait3A_484 = arith.constant 0 : i32
      %dma_wait3A_485 = arith.constant 0 : i32
      %dma_wait3A_486 = tpu.memref_slice %arg16[%dma_wait3A_484, %dma_wait3A_485] : memref<10240x128xf32, #tpu.memory_space<vmem_shared>> -> memref<10240x128xf32, #tpu.memory_space<vmem_shared>>
      tpu.wait_indirect_dma semaphore(%arg13 : memref<!tpu.dma_semaphore, #tpu.memory_space<semaphore_mem>>) src(%dma_wait3A_480 : memref<128x128xf32, #tpu.memory_space<vmem>>) dst(%dma_wait3A_486 : memref<10240x128xf32, #tpu.memory_space<vmem_shared>>)
      %dma_start3A_487 = arith.constant 0 : i32
      %dma_start3A_488 = arith.constant 7 : i32
      %dma_start3A_489 = arith.constant 1 : i32
      %dma_start3A_490 = arith.constant 0 : i32
      %dma_start3A_491 = arith.constant 0 : i32
      %dma_start3A_492 = tpu.memref_slice %arg9[%dma_start3A_489, %dma_start3A_490, %dma_start3A_491] : memref<2x128x128xf32, #tpu.memory_space<vmem>> -> memref<1x128x128xf32, #tpu.memory_space<vmem>>
      %dma_start3A_493 = tpu.memref_squeeze %dma_start3A_492 : memref<1x128x128xf32, #tpu.memory_space<vmem>> -> memref<128x128xf32, #tpu.memory_space<vmem>>
      %dma_start3A_494 = arith.constant 0 : i32
      %dma_start3A_495 = tpu.memref_slice %arg7[%dma_start3A_487, %dma_start3A_488, %dma_start3A_494] : memref<2x8x128xi32, #tpu.memory_space<vmem>> -> memref<1x1x128xi32, #tpu.memory_space<vmem>>
      %dma_start3A_496 = tpu.memref_squeeze %dma_start3A_495 : memref<1x1x128xi32, #tpu.memory_space<vmem>> -> memref<128xi32, #tpu.memory_space<vmem>>
      %dma_start3A_497 = arith.constant 0 : i32
      %dma_start3A_498 = arith.constant 0 : i32
      %dma_start3A_499 = tpu.memref_slice %arg2[%dma_start3A_497, %dma_start3A_498] : memref<10000x128xf32, #tpu.memory_space<hbm>> -> memref<10000x128xf32, #tpu.memory_space<hbm>>
      tpu.enqueue_indirect_dma source(%dma_start3A_499 : memref<10000x128xf32, #tpu.memory_space<hbm>>) target(%dma_start3A_493 : memref<128x128xf32, #tpu.memory_space<vmem>>) offsets(%dma_start3A_496 : memref<128xi32, #tpu.memory_space<vmem>>) semaphore(%arg11 : memref<!tpu.dma_semaphore, #tpu.memory_space<semaphore_mem>>)
      %mul3A_500 = arith.constant 8 : i32
      %mul3A_501 = arith.muli %add3A_76, %mul3A_500 : i32
      %add3A_502 = arith.constant 7 : i32
      %add3A_503 = arith.addi %mul3A_501, %add3A_502 : i32
      %dma_wait3A_504 = arith.constant 0 : i32
      %dma_wait3A_505 = arith.constant 7 : i32
      %dma_wait3A_506 = arith.constant 1 : i32
      %dma_wait3A_507 = arith.constant 0 : i32
      %dma_wait3A_508 = arith.constant 0 : i32
      %dma_wait3A_509 = tpu.memref_slice %arg9[%dma_wait3A_506, %dma_wait3A_507, %dma_wait3A_508] : memref<2x128x128xf32, #tpu.memory_space<vmem>> -> memref<1x128x128xf32, #tpu.memory_space<vmem>>
      %dma_wait3A_510 = tpu.memref_squeeze %dma_wait3A_509 : memref<1x128x128xf32, #tpu.memory_space<vmem>> -> memref<128x128xf32, #tpu.memory_space<vmem>>
      %dma_wait3A_511 = arith.constant 0 : i32
      %dma_wait3A_512 = tpu.memref_slice %arg7[%dma_wait3A_504, %dma_wait3A_505, %dma_wait3A_511] : memref<2x8x128xi32, #tpu.memory_space<vmem>> -> memref<1x1x128xi32, #tpu.memory_space<vmem>>
      %dma_wait3A_513 = tpu.memref_squeeze %dma_wait3A_512 : memref<1x1x128xi32, #tpu.memory_space<vmem>> -> memref<128xi32, #tpu.memory_space<vmem>>
      %dma_wait3A_514 = arith.constant 0 : i32
      %dma_wait3A_515 = arith.constant 0 : i32
      %dma_wait3A_516 = tpu.memref_slice %arg2[%dma_wait3A_514, %dma_wait3A_515] : memref<10000x128xf32, #tpu.memory_space<hbm>> -> memref<10000x128xf32, #tpu.memory_space<hbm>>
      tpu.wait_indirect_dma semaphore(%arg11 : memref<!tpu.dma_semaphore, #tpu.memory_space<semaphore_mem>>) src(%dma_wait3A_516 : memref<10000x128xf32, #tpu.memory_space<hbm>>) dst(%dma_wait3A_510 : memref<128x128xf32, #tpu.memory_space<vmem>>)
      %dma_start3A_517 = arith.constant 1 : i32
      %dma_start3A_518 = arith.constant 0 : i32
      %dma_start3A_519 = arith.constant 7 : i32
      %dma_start3A_520 = arith.constant 0 : i32
      %dma_start3A_521 = arith.constant 0 : i32
      %dma_start3A_522 = tpu.memref_slice %arg9[%dma_start3A_517, %dma_start3A_520, %dma_start3A_521] : memref<2x128x128xf32, #tpu.memory_space<vmem>> -> memref<1x128x128xf32, #tpu.memory_space<vmem>>
      %dma_start3A_523 = tpu.memref_squeeze %dma_start3A_522 : memref<1x128x128xf32, #tpu.memory_space<vmem>> -> memref<128x128xf32, #tpu.memory_space<vmem>>
      %dma_start3A_524 = arith.constant 0 : i32
      %dma_start3A_525 = tpu.memref_slice %arg8[%dma_start3A_518, %dma_start3A_519, %dma_start3A_524] : memref<2x8x128xi32, #tpu.memory_space<vmem>> -> memref<1x1x128xi32, #tpu.memory_space<vmem>>
      %dma_start3A_526 = tpu.memref_squeeze %dma_start3A_525 : memref<1x1x128xi32, #tpu.memory_space<vmem>> -> memref<128xi32, #tpu.memory_space<vmem>>
      %dma_start3A_527 = arith.constant 0 : i32
      %dma_start3A_528 = arith.constant 0 : i32
      %dma_start3A_529 = tpu.memref_slice %arg16[%dma_start3A_527, %dma_start3A_528] : memref<10240x128xf32, #tpu.memory_space<vmem_shared>> -> memref<10240x128xf32, #tpu.memory_space<vmem_shared>>
      tpu.enqueue_indirect_dma source(%dma_start3A_523 : memref<128x128xf32, #tpu.memory_space<vmem>>) target(%dma_start3A_529 : memref<10240x128xf32, #tpu.memory_space<vmem_shared>>) offsets(%dma_start3A_526 : memref<128xi32, #tpu.memory_space<vmem>>) semaphore(%arg13 : memref<!tpu.dma_semaphore, #tpu.memory_space<semaphore_mem>>) {add = true}
      %dma_wait3A_530 = arith.constant 0 : i32
      %dma_wait3A_531 = arith.constant 0 : i32
      %dma_wait3A_532 = arith.constant 6 : i32
      %dma_wait3A_533 = arith.constant 0 : i32
      %dma_wait3A_534 = arith.constant 0 : i32
      %dma_wait3A_535 = tpu.memref_slice %arg9[%dma_wait3A_530, %dma_wait3A_533, %dma_wait3A_534] : memref<2x128x128xf32, #tpu.memory_space<vmem>> -> memref<1x128x128xf32, #tpu.memory_space<vmem>>
      %dma_wait3A_536 = tpu.memref_squeeze %dma_wait3A_535 : memref<1x128x128xf32, #tpu.memory_space<vmem>> -> memref<128x128xf32, #tpu.memory_space<vmem>>
      %dma_wait3A_537 = arith.constant 0 : i32
      %dma_wait3A_538 = tpu.memref_slice %arg8[%dma_wait3A_531, %dma_wait3A_532, %dma_wait3A_537] : memref<2x8x128xi32, #tpu.memory_space<vmem>> -> memref<1x1x128xi32, #tpu.memory_space<vmem>>
      %dma_wait3A_539 = tpu.memref_squeeze %dma_wait3A_538 : memref<1x1x128xi32, #tpu.memory_space<vmem>> -> memref<128xi32, #tpu.memory_space<vmem>>
      %dma_wait3A_540 = arith.constant 0 : i32
      %dma_wait3A_541 = arith.constant 0 : i32
      %dma_wait3A_542 = tpu.memref_slice %arg16[%dma_wait3A_540, %dma_wait3A_541] : memref<10240x128xf32, #tpu.memory_space<vmem_shared>> -> memref<10240x128xf32, #tpu.memory_space<vmem_shared>>
      tpu.wait_indirect_dma semaphore(%arg12 : memref<!tpu.dma_semaphore, #tpu.memory_space<semaphore_mem>>) src(%dma_wait3A_536 : memref<128x128xf32, #tpu.memory_space<vmem>>) dst(%dma_wait3A_542 : memref<10240x128xf32, #tpu.memory_space<vmem_shared>>)
      %add3A_543 = arith.constant 1 : i32
      %add3A_544 = arith.addi %add3A_76, %add3A_543 : i32
      %add3A_545 = arith.addi %mul3A_5, %add3A_544 : i32
      %mul3A_546 = arith.constant 8 : i32
      %mul3A_547 = arith.muli %add3A_545, %mul3A_546 : i32
      %dma_wait3A_548 = arith.constant 0 : i32
      %dma_wait3A_549 = arith.constant 1 : i32
      %dma_wait3A_550 = arith.constant 0 : i32
      %dma_wait3A_551 = arith.constant 0 : i32
      %dma_wait3A_552 = tpu.memref_slice %arg7[%dma_wait3A_549, %dma_wait3A_550, %dma_wait3A_551] : memref<2x8x128xi32, #tpu.memory_space<vmem>> -> memref<1x8x128xi32, #tpu.memory_space<vmem>>
      %dma_wait3A_553 = tpu.memref_squeeze %dma_wait3A_552 : memref<1x8x128xi32, #tpu.memory_space<vmem>> -> memref<8x128xi32, #tpu.memory_space<vmem>>
      %dma_wait3A_554 = arith.constant 0 : i32
      %dma_wait3A_555 = tpu.memref_slice %arg3[%dma_wait3A_548, %mul3A_547, %dma_wait3A_554] : memref<2x2568x128xi32, #tpu.memory_space<hbm>> -> memref<1x8x128xi32, #tpu.memory_space<hbm>>
      %dma_wait3A_556 = tpu.memref_squeeze %dma_wait3A_555 : memref<1x8x128xi32, #tpu.memory_space<hbm>> -> memref<8x128xi32, #tpu.memory_space<hbm>>
      %dma_wait3A_557 = arith.constant 0 : i32
      %dma_wait3A_558 = arith.constant 0 : i32
      %dma_wait3A_559 = tpu.memref_slice %arg7[%dma_wait3A_549, %dma_wait3A_557, %dma_wait3A_558] : memref<2x8x128xi32, #tpu.memory_space<vmem>> -> memref<1x8x128xi32, #tpu.memory_space<vmem>>
      %dma_wait3A_560 = tpu.memref_squeeze %dma_wait3A_559 : memref<1x8x128xi32, #tpu.memory_space<vmem>> -> memref<8x128xi32, #tpu.memory_space<vmem>>
      %dma_wait3A_561 = arith.constant 0 : i32
      %dma_wait3A_562 = tpu.memref_slice %arg3[%dma_wait3A_548, %mul3A_547, %dma_wait3A_561] : memref<2x2568x128xi32, #tpu.memory_space<hbm>> -> memref<1x8x128xi32, #tpu.memory_space<hbm>>
      %dma_wait3A_563 = tpu.memref_squeeze %dma_wait3A_562 : memref<1x8x128xi32, #tpu.memory_space<hbm>> -> memref<8x128xi32, #tpu.memory_space<hbm>>
      tpu.wait_dma2 semaphore(%arg15 : memref<!tpu.dma_semaphore, #tpu.memory_space<semaphore_mem>>) src(%dma_wait3A_563 : memref<8x128xi32, #tpu.memory_space<hbm>>) dst(%dma_wait3A_560 : memref<8x128xi32, #tpu.memory_space<vmem>>)
      %add3A_564 = arith.addi %mul3A_5, %add3A_544 : i32
      %mul3A_565 = arith.constant 8 : i32
      %mul3A_566 = arith.muli %add3A_564, %mul3A_565 : i32
      %dma_wait3A_567 = arith.constant 1 : i32
      %dma_wait3A_568 = arith.constant 1 : i32
      %dma_wait3A_569 = arith.constant 0 : i32
      %dma_wait3A_570 = arith.constant 0 : i32
      %dma_wait3A_571 = tpu.memref_slice %arg8[%dma_wait3A_568, %dma_wait3A_569, %dma_wait3A_570] : memref<2x8x128xi32, #tpu.memory_space<vmem>> -> memref<1x8x128xi32, #tpu.memory_space<vmem>>
      %dma_wait3A_572 = tpu.memref_squeeze %dma_wait3A_571 : memref<1x8x128xi32, #tpu.memory_space<vmem>> -> memref<8x128xi32, #tpu.memory_space<vmem>>
      %dma_wait3A_573 = arith.constant 0 : i32
      %dma_wait3A_574 = tpu.memref_slice %arg3[%dma_wait3A_567, %mul3A_566, %dma_wait3A_573] : memref<2x2568x128xi32, #tpu.memory_space<hbm>> -> memref<1x8x128xi32, #tpu.memory_space<hbm>>
      %dma_wait3A_575 = tpu.memref_squeeze %dma_wait3A_574 : memref<1x8x128xi32, #tpu.memory_space<hbm>> -> memref<8x128xi32, #tpu.memory_space<hbm>>
      %dma_wait3A_576 = arith.constant 0 : i32
      %dma_wait3A_577 = arith.constant 0 : i32
      %dma_wait3A_578 = tpu.memref_slice %arg8[%dma_wait3A_568, %dma_wait3A_576, %dma_wait3A_577] : memref<2x8x128xi32, #tpu.memory_space<vmem>> -> memref<1x8x128xi32, #tpu.memory_space<vmem>>
      %dma_wait3A_579 = tpu.memref_squeeze %dma_wait3A_578 : memref<1x8x128xi32, #tpu.memory_space<vmem>> -> memref<8x128xi32, #tpu.memory_space<vmem>>
      %dma_wait3A_580 = arith.constant 0 : i32
      %dma_wait3A_581 = tpu.memref_slice %arg3[%dma_wait3A_567, %mul3A_566, %dma_wait3A_580] : memref<2x2568x128xi32, #tpu.memory_space<hbm>> -> memref<1x8x128xi32, #tpu.memory_space<hbm>>
      %dma_wait3A_582 = tpu.memref_squeeze %dma_wait3A_581 : memref<1x8x128xi32, #tpu.memory_space<hbm>> -> memref<8x128xi32, #tpu.memory_space<hbm>>
      tpu.wait_dma2 semaphore(%arg15 : memref<!tpu.dma_semaphore, #tpu.memory_space<semaphore_mem>>) src(%dma_wait3A_582 : memref<8x128xi32, #tpu.memory_space<hbm>>) dst(%dma_wait3A_579 : memref<8x128xi32, #tpu.memory_space<vmem>>)
      %dma_start3A_583 = arith.constant 1 : i32
      %dma_start3A_584 = arith.constant 0 : i32
      %dma_start3A_585 = arith.constant 0 : i32
      %dma_start3A_586 = arith.constant 0 : i32
      %dma_start3A_587 = arith.constant 0 : i32
      %dma_start3A_588 = tpu.memref_slice %arg9[%dma_start3A_585, %dma_start3A_586, %dma_start3A_587] : memref<2x128x128xf32, #tpu.memory_space<vmem>> -> memref<1x128x128xf32, #tpu.memory_space<vmem>>
      %dma_start3A_589 = tpu.memref_squeeze %dma_start3A_588 : memref<1x128x128xf32, #tpu.memory_space<vmem>> -> memref<128x128xf32, #tpu.memory_space<vmem>>
      %dma_start3A_590 = arith.constant 0 : i32
      %dma_start3A_591 = tpu.memref_slice %arg7[%dma_start3A_583, %dma_start3A_584, %dma_start3A_590] : memref<2x8x128xi32, #tpu.memory_space<vmem>> -> memref<1x1x128xi32, #tpu.memory_space<vmem>>
      %dma_start3A_592 = tpu.memref_squeeze %dma_start3A_591 : memref<1x1x128xi32, #tpu.memory_space<vmem>> -> memref<128xi32, #tpu.memory_space<vmem>>
      %dma_start3A_593 = arith.constant 0 : i32
      %dma_start3A_594 = arith.constant 0 : i32
      %dma_start3A_595 = tpu.memref_slice %arg2[%dma_start3A_593, %dma_start3A_594] : memref<10000x128xf32, #tpu.memory_space<hbm>> -> memref<10000x128xf32, #tpu.memory_space<hbm>>
      tpu.enqueue_indirect_dma source(%dma_start3A_595 : memref<10000x128xf32, #tpu.memory_space<hbm>>) target(%dma_start3A_589 : memref<128x128xf32, #tpu.memory_space<vmem>>) offsets(%dma_start3A_592 : memref<128xi32, #tpu.memory_space<vmem>>) semaphore(%arg10 : memref<!tpu.dma_semaphore, #tpu.memory_space<semaphore_mem>>)
      %mul3A_596 = arith.constant 2 : i32
      %mul3A_597 = arith.muli %scan3A_72, %mul3A_596 : i32
      %add3A_598 = arith.constant 1 : i32
      %add3A_599 = arith.addi %mul3A_597, %add3A_598 : i32
      %mul3A_600 = arith.constant 8 : i32
      %mul3A_601 = arith.muli %add3A_599, %mul3A_600 : i32
      %add3A_602 = arith.constant 0 : i32
      %add3A_603 = arith.addi %mul3A_601, %add3A_602 : i32
      %dma_wait3A_604 = arith.constant 1 : i32
      %dma_wait3A_605 = arith.constant 0 : i32
      %dma_wait3A_606 = arith.constant 0 : i32
      %dma_wait3A_607 = arith.constant 0 : i32
      %dma_wait3A_608 = arith.constant 0 : i32
      %dma_wait3A_609 = tpu.memref_slice %arg9[%dma_wait3A_606, %dma_wait3A_607, %dma_wait3A_608] : memref<2x128x128xf32, #tpu.memory_space<vmem>> -> memref<1x128x128xf32, #tpu.memory_space<vmem>>
      %dma_wait3A_610 = tpu.memref_squeeze %dma_wait3A_609 : memref<1x128x128xf32, #tpu.memory_space<vmem>> -> memref<128x128xf32, #tpu.memory_space<vmem>>
      %dma_wait3A_611 = arith.constant 0 : i32
      %dma_wait3A_612 = tpu.memref_slice %arg7[%dma_wait3A_604, %dma_wait3A_605, %dma_wait3A_611] : memref<2x8x128xi32, #tpu.memory_space<vmem>> -> memref<1x1x128xi32, #tpu.memory_space<vmem>>
      %dma_wait3A_613 = tpu.memref_squeeze %dma_wait3A_612 : memref<1x1x128xi32, #tpu.memory_space<vmem>> -> memref<128xi32, #tpu.memory_space<vmem>>
      %dma_wait3A_614 = arith.constant 0 : i32
      %dma_wait3A_615 = arith.constant 0 : i32
      %dma_wait3A_616 = tpu.memref_slice %arg2[%dma_wait3A_614, %dma_wait3A_615] : memref<10000x128xf32, #tpu.memory_space<hbm>> -> memref<10000x128xf32, #tpu.memory_space<hbm>>
      tpu.wait_indirect_dma semaphore(%arg10 : memref<!tpu.dma_semaphore, #tpu.memory_space<semaphore_mem>>) src(%dma_wait3A_616 : memref<10000x128xf32, #tpu.memory_space<hbm>>) dst(%dma_wait3A_610 : memref<128x128xf32, #tpu.memory_space<vmem>>)
      %dma_start3A_617 = arith.constant 0 : i32
      %dma_start3A_618 = arith.constant 1 : i32
      %dma_start3A_619 = arith.constant 0 : i32
      %dma_start3A_620 = arith.constant 0 : i32
      %dma_start3A_621 = arith.constant 0 : i32
      %dma_start3A_622 = tpu.memref_slice %arg9[%dma_start3A_617, %dma_start3A_620, %dma_start3A_621] : memref<2x128x128xf32, #tpu.memory_space<vmem>> -> memref<1x128x128xf32, #tpu.memory_space<vmem>>
      %dma_start3A_623 = tpu.memref_squeeze %dma_start3A_622 : memref<1x128x128xf32, #tpu.memory_space<vmem>> -> memref<128x128xf32, #tpu.memory_space<vmem>>
      %dma_start3A_624 = arith.constant 0 : i32
      %dma_start3A_625 = tpu.memref_slice %arg8[%dma_start3A_618, %dma_start3A_619, %dma_start3A_624] : memref<2x8x128xi32, #tpu.memory_space<vmem>> -> memref<1x1x128xi32, #tpu.memory_space<vmem>>
      %dma_start3A_626 = tpu.memref_squeeze %dma_start3A_625 : memref<1x1x128xi32, #tpu.memory_space<vmem>> -> memref<128xi32, #tpu.memory_space<vmem>>
      %dma_start3A_627 = arith.constant 0 : i32
      %dma_start3A_628 = arith.constant 0 : i32
      %dma_start3A_629 = tpu.memref_slice %arg16[%dma_start3A_627, %dma_start3A_628] : memref<10240x128xf32, #tpu.memory_space<vmem_shared>> -> memref<10240x128xf32, #tpu.memory_space<vmem_shared>>
      tpu.enqueue_indirect_dma source(%dma_start3A_623 : memref<128x128xf32, #tpu.memory_space<vmem>>) target(%dma_start3A_629 : memref<10240x128xf32, #tpu.memory_space<vmem_shared>>) offsets(%dma_start3A_626 : memref<128xi32, #tpu.memory_space<vmem>>) semaphore(%arg12 : memref<!tpu.dma_semaphore, #tpu.memory_space<semaphore_mem>>) {add = true}
      %dma_wait3A_630 = arith.constant 1 : i32
      %dma_wait3A_631 = arith.constant 0 : i32
      %dma_wait3A_632 = arith.constant 7 : i32
      %dma_wait3A_633 = arith.constant 0 : i32
      %dma_wait3A_634 = arith.constant 0 : i32
      %dma_wait3A_635 = tpu.memref_slice %arg9[%dma_wait3A_630, %dma_wait3A_633, %dma_wait3A_634] : memref<2x128x128xf32, #tpu.memory_space<vmem>> -> memref<1x128x128xf32, #tpu.memory_space<vmem>>
      %dma_wait3A_636 = tpu.memref_squeeze %dma_wait3A_635 : memref<1x128x128xf32, #tpu.memory_space<vmem>> -> memref<128x128xf32, #tpu.memory_space<vmem>>
      %dma_wait3A_637 = arith.constant 0 : i32
      %dma_wait3A_638 = tpu.memref_slice %arg8[%dma_wait3A_631, %dma_wait3A_632, %dma_wait3A_637] : memref<2x8x128xi32, #tpu.memory_space<vmem>> -> memref<1x1x128xi32, #tpu.memory_space<vmem>>
      %dma_wait3A_639 = tpu.memref_squeeze %dma_wait3A_638 : memref<1x1x128xi32, #tpu.memory_space<vmem>> -> memref<128xi32, #tpu.memory_space<vmem>>
      %dma_wait3A_640 = arith.constant 0 : i32
      %dma_wait3A_641 = arith.constant 0 : i32
      %dma_wait3A_642 = tpu.memref_slice %arg16[%dma_wait3A_640, %dma_wait3A_641] : memref<10240x128xf32, #tpu.memory_space<vmem_shared>> -> memref<10240x128xf32, #tpu.memory_space<vmem_shared>>
      tpu.wait_indirect_dma semaphore(%arg13 : memref<!tpu.dma_semaphore, #tpu.memory_space<semaphore_mem>>) src(%dma_wait3A_636 : memref<128x128xf32, #tpu.memory_space<vmem>>) dst(%dma_wait3A_642 : memref<10240x128xf32, #tpu.memory_space<vmem_shared>>)
      %add3A_643 = arith.constant 1 : i32
      %add3A_644 = arith.addi %add3A_599, %add3A_643 : i32
      %add3A_645 = arith.addi %mul3A_5, %add3A_644 : i32
      %mul3A_646 = arith.constant 8 : i32
      %mul3A_647 = arith.muli %add3A_645, %mul3A_646 : i32
      %dma_start3A_648 = arith.constant 0 : i32
      %dma_start3A_649 = arith.constant 0 : i32
      %dma_start3A_650 = arith.constant 0 : i32
      %dma_start3A_651 = arith.constant 0 : i32
      %dma_start3A_652 = tpu.memref_slice %arg7[%dma_start3A_649, %dma_start3A_650, %dma_start3A_651] : memref<2x8x128xi32, #tpu.memory_space<vmem>> -> memref<1x8x128xi32, #tpu.memory_space<vmem>>
      %dma_start3A_653 = tpu.memref_squeeze %dma_start3A_652 : memref<1x8x128xi32, #tpu.memory_space<vmem>> -> memref<8x128xi32, #tpu.memory_space<vmem>>
      %dma_start3A_654 = arith.constant 0 : i32
      %dma_start3A_655 = tpu.memref_slice %arg3[%dma_start3A_648, %mul3A_647, %dma_start3A_654] : memref<2x2568x128xi32, #tpu.memory_space<hbm>> -> memref<1x8x128xi32, #tpu.memory_space<hbm>>
      %dma_start3A_656 = tpu.memref_squeeze %dma_start3A_655 : memref<1x8x128xi32, #tpu.memory_space<hbm>> -> memref<8x128xi32, #tpu.memory_space<hbm>>
      %dma_start3A_657 = arith.constant 0 : i32
      %dma_start3A_658 = arith.constant 0 : i32
      %dma_start3A_659 = tpu.memref_slice %arg7[%dma_start3A_649, %dma_start3A_657, %dma_start3A_658] : memref<2x8x128xi32, #tpu.memory_space<vmem>> -> memref<1x8x128xi32, #tpu.memory_space<vmem>>
      %dma_start3A_660 = tpu.memref_squeeze %dma_start3A_659 : memref<1x8x128xi32, #tpu.memory_space<vmem>> -> memref<8x128xi32, #tpu.memory_space<vmem>>
      %dma_start3A_661 = arith.constant 0 : i32
      %dma_start3A_662 = tpu.memref_slice %arg3[%dma_start3A_648, %mul3A_647, %dma_start3A_661] : memref<2x2568x128xi32, #tpu.memory_space<hbm>> -> memref<1x8x128xi32, #tpu.memory_space<hbm>>
      %dma_start3A_663 = tpu.memref_squeeze %dma_start3A_662 : memref<1x8x128xi32, #tpu.memory_space<hbm>> -> memref<8x128xi32, #tpu.memory_space<hbm>>
      tpu.enqueue_dma source(%dma_start3A_663 : memref<8x128xi32, #tpu.memory_space<hbm>>) target(%dma_start3A_660 : memref<8x128xi32, #tpu.memory_space<vmem>>) target_semaphore(%arg15 : memref<!tpu.dma_semaphore, #tpu.memory_space<semaphore_mem>>)
      %add3A_664 = arith.addi %mul3A_5, %add3A_644 : i32
      %mul3A_665 = arith.constant 8 : i32
      %mul3A_666 = arith.muli %add3A_664, %mul3A_665 : i32
      %dma_start3A_667 = arith.constant 1 : i32
      %dma_start3A_668 = arith.constant 0 : i32
      %dma_start3A_669 = arith.constant 0 : i32
      %dma_start3A_670 = arith.constant 0 : i32
      %dma_start3A_671 = tpu.memref_slice %arg8[%dma_start3A_668, %dma_start3A_669, %dma_start3A_670] : memref<2x8x128xi32, #tpu.memory_space<vmem>> -> memref<1x8x128xi32, #tpu.memory_space<vmem>>
      %dma_start3A_672 = tpu.memref_squeeze %dma_start3A_671 : memref<1x8x128xi32, #tpu.memory_space<vmem>> -> memref<8x128xi32, #tpu.memory_space<vmem>>
      %dma_start3A_673 = arith.constant 0 : i32
      %dma_start3A_674 = tpu.memref_slice %arg3[%dma_start3A_667, %mul3A_666, %dma_start3A_673] : memref<2x2568x128xi32, #tpu.memory_space<hbm>> -> memref<1x8x128xi32, #tpu.memory_space<hbm>>
      %dma_start3A_675 = tpu.memref_squeeze %dma_start3A_674 : memref<1x8x128xi32, #tpu.memory_space<hbm>> -> memref<8x128xi32, #tpu.memory_space<hbm>>
      %dma_start3A_676 = arith.constant 0 : i32
      %dma_start3A_677 = arith.constant 0 : i32
      %dma_start3A_678 = tpu.memref_slice %arg8[%dma_start3A_668, %dma_start3A_676, %dma_start3A_677] : memref<2x8x128xi32, #tpu.memory_space<vmem>> -> memref<1x8x128xi32, #tpu.memory_space<vmem>>
      %dma_start3A_679 = tpu.memref_squeeze %dma_start3A_678 : memref<1x8x128xi32, #tpu.memory_space<vmem>> -> memref<8x128xi32, #tpu.memory_space<vmem>>
      %dma_start3A_680 = arith.constant 0 : i32
      %dma_start3A_681 = tpu.memref_slice %arg3[%dma_start3A_667, %mul3A_666, %dma_start3A_680] : memref<2x2568x128xi32, #tpu.memory_space<hbm>> -> memref<1x8x128xi32, #tpu.memory_space<hbm>>
      %dma_start3A_682 = tpu.memref_squeeze %dma_start3A_681 : memref<1x8x128xi32, #tpu.memory_space<hbm>> -> memref<8x128xi32, #tpu.memory_space<hbm>>
      tpu.enqueue_dma source(%dma_start3A_682 : memref<8x128xi32, #tpu.memory_space<hbm>>) target(%dma_start3A_679 : memref<8x128xi32, #tpu.memory_space<vmem>>) target_semaphore(%arg15 : memref<!tpu.dma_semaphore, #tpu.memory_space<semaphore_mem>>)
      %dma_start3A_683 = arith.constant 1 : i32
      %dma_start3A_684 = arith.constant 1 : i32
      %dma_start3A_685 = arith.constant 1 : i32
      %dma_start3A_686 = arith.constant 0 : i32
      %dma_start3A_687 = arith.constant 0 : i32
      %dma_start3A_688 = tpu.memref_slice %arg9[%dma_start3A_685, %dma_start3A_686, %dma_start3A_687] : memref<2x128x128xf32, #tpu.memory_space<vmem>> -> memref<1x128x128xf32, #tpu.memory_space<vmem>>
      %dma_start3A_689 = tpu.memref_squeeze %dma_start3A_688 : memref<1x128x128xf32, #tpu.memory_space<vmem>> -> memref<128x128xf32, #tpu.memory_space<vmem>>
      %dma_start3A_690 = arith.constant 0 : i32
      %dma_start3A_691 = tpu.memref_slice %arg7[%dma_start3A_683, %dma_start3A_684, %dma_start3A_690] : memref<2x8x128xi32, #tpu.memory_space<vmem>> -> memref<1x1x128xi32, #tpu.memory_space<vmem>>
      %dma_start3A_692 = tpu.memref_squeeze %dma_start3A_691 : memref<1x1x128xi32, #tpu.memory_space<vmem>> -> memref<128xi32, #tpu.memory_space<vmem>>
      %dma_start3A_693 = arith.constant 0 : i32
      %dma_start3A_694 = arith.constant 0 : i32
      %dma_start3A_695 = tpu.memref_slice %arg2[%dma_start3A_693, %dma_start3A_694] : memref<10000x128xf32, #tpu.memory_space<hbm>> -> memref<10000x128xf32, #tpu.memory_space<hbm>>
      tpu.enqueue_indirect_dma source(%dma_start3A_695 : memref<10000x128xf32, #tpu.memory_space<hbm>>) target(%dma_start3A_689 : memref<128x128xf32, #tpu.memory_space<vmem>>) offsets(%dma_start3A_692 : memref<128xi32, #tpu.memory_space<vmem>>) semaphore(%arg11 : memref<!tpu.dma_semaphore, #tpu.memory_space<semaphore_mem>>)
      %mul3A_696 = arith.constant 8 : i32
      %mul3A_697 = arith.muli %add3A_599, %mul3A_696 : i32
      %add3A_698 = arith.constant 1 : i32
      %add3A_699 = arith.addi %mul3A_697, %add3A_698 : i32
      %dma_wait3A_700 = arith.constant 1 : i32
      %dma_wait3A_701 = arith.constant 1 : i32
      %dma_wait3A_702 = arith.constant 1 : i32
      %dma_wait3A_703 = arith.constant 0 : i32
      %dma_wait3A_704 = arith.constant 0 : i32
      %dma_wait3A_705 = tpu.memref_slice %arg9[%dma_wait3A_702, %dma_wait3A_703, %dma_wait3A_704] : memref<2x128x128xf32, #tpu.memory_space<vmem>> -> memref<1x128x128xf32, #tpu.memory_space<vmem>>
      %dma_wait3A_706 = tpu.memref_squeeze %dma_wait3A_705 : memref<1x128x128xf32, #tpu.memory_space<vmem>> -> memref<128x128xf32, #tpu.memory_space<vmem>>
      %dma_wait3A_707 = arith.constant 0 : i32
      %dma_wait3A_708 = tpu.memref_slice %arg7[%dma_wait3A_700, %dma_wait3A_701, %dma_wait3A_707] : memref<2x8x128xi32, #tpu.memory_space<vmem>> -> memref<1x1x128xi32, #tpu.memory_space<vmem>>
      %dma_wait3A_709 = tpu.memref_squeeze %dma_wait3A_708 : memref<1x1x128xi32, #tpu.memory_space<vmem>> -> memref<128xi32, #tpu.memory_space<vmem>>
      %dma_wait3A_710 = arith.constant 0 : i32
      %dma_wait3A_711 = arith.constant 0 : i32
      %dma_wait3A_712 = tpu.memref_slice %arg2[%dma_wait3A_710, %dma_wait3A_711] : memref<10000x128xf32, #tpu.memory_space<hbm>> -> memref<10000x128xf32, #tpu.memory_space<hbm>>
      tpu.wait_indirect_dma semaphore(%arg11 : memref<!tpu.dma_semaphore, #tpu.memory_space<semaphore_mem>>) src(%dma_wait3A_712 : memref<10000x128xf32, #tpu.memory_space<hbm>>) dst(%dma_wait3A_706 : memref<128x128xf32, #tpu.memory_space<vmem>>)
      %dma_start3A_713 = arith.constant 1 : i32
      %dma_start3A_714 = arith.constant 1 : i32
      %dma_start3A_715 = arith.constant 1 : i32
      %dma_start3A_716 = arith.constant 0 : i32
      %dma_start3A_717 = arith.constant 0 : i32
      %dma_start3A_718 = tpu.memref_slice %arg9[%dma_start3A_713, %dma_start3A_716, %dma_start3A_717] : memref<2x128x128xf32, #tpu.memory_space<vmem>> -> memref<1x128x128xf32, #tpu.memory_space<vmem>>
      %dma_start3A_719 = tpu.memref_squeeze %dma_start3A_718 : memref<1x128x128xf32, #tpu.memory_space<vmem>> -> memref<128x128xf32, #tpu.memory_space<vmem>>
      %dma_start3A_720 = arith.constant 0 : i32
      %dma_start3A_721 = tpu.memref_slice %arg8[%dma_start3A_714, %dma_start3A_715, %dma_start3A_720] : memref<2x8x128xi32, #tpu.memory_space<vmem>> -> memref<1x1x128xi32, #tpu.memory_space<vmem>>
      %dma_start3A_722 = tpu.memref_squeeze %dma_start3A_721 : memref<1x1x128xi32, #tpu.memory_space<vmem>> -> memref<128xi32, #tpu.memory_space<vmem>>
      %dma_start3A_723 = arith.constant 0 : i32
      %dma_start3A_724 = arith.constant 0 : i32
      %dma_start3A_725 = tpu.memref_slice %arg16[%dma_start3A_723, %dma_start3A_724] : memref<10240x128xf32, #tpu.memory_space<vmem_shared>> -> memref<10240x128xf32, #tpu.memory_space<vmem_shared>>
      tpu.enqueue_indirect_dma source(%dma_start3A_719 : memref<128x128xf32, #tpu.memory_space<vmem>>) target(%dma_start3A_725 : memref<10240x128xf32, #tpu.memory_space<vmem_shared>>) offsets(%dma_start3A_722 : memref<128xi32, #tpu.memory_space<vmem>>) semaphore(%arg13 : memref<!tpu.dma_semaphore, #tpu.memory_space<semaphore_mem>>) {add = true}
      %dma_wait3A_726 = arith.constant 0 : i32
      %dma_wait3A_727 = arith.constant 1 : i32
      %dma_wait3A_728 = arith.constant 0 : i32
      %dma_wait3A_729 = arith.constant 0 : i32
      %dma_wait3A_730 = arith.constant 0 : i32
      %dma_wait3A_731 = tpu.memref_slice %arg9[%dma_wait3A_726, %dma_wait3A_729, %dma_wait3A_730] : memref<2x128x128xf32, #tpu.memory_space<vmem>> -> memref<1x128x128xf32, #tpu.memory_space<vmem>>
      %dma_wait3A_732 = tpu.memref_squeeze %dma_wait3A_731 : memref<1x128x128xf32, #tpu.memory_space<vmem>> -> memref<128x128xf32, #tpu.memory_space<vmem>>
      %dma_wait3A_733 = arith.constant 0 : i32
      %dma_wait3A_734 = tpu.memref_slice %arg8[%dma_wait3A_727, %dma_wait3A_728, %dma_wait3A_733] : memref<2x8x128xi32, #tpu.memory_space<vmem>> -> memref<1x1x128xi32, #tpu.memory_space<vmem>>
      %dma_wait3A_735 = tpu.memref_squeeze %dma_wait3A_734 : memref<1x1x128xi32, #tpu.memory_space<vmem>> -> memref<128xi32, #tpu.memory_space<vmem>>
      %dma_wait3A_736 = arith.constant 0 : i32
      %dma_wait3A_737 = arith.constant 0 : i32
      %dma_wait3A_738 = tpu.memref_slice %arg16[%dma_wait3A_736, %dma_wait3A_737] : memref<10240x128xf32, #tpu.memory_space<vmem_shared>> -> memref<10240x128xf32, #tpu.memory_space<vmem_shared>>
      tpu.wait_indirect_dma semaphore(%arg12 : memref<!tpu.dma_semaphore, #tpu.memory_space<semaphore_mem>>) src(%dma_wait3A_732 : memref<128x128xf32, #tpu.memory_space<vmem>>) dst(%dma_wait3A_738 : memref<10240x128xf32, #tpu.memory_space<vmem_shared>>)
      %dma_start3A_739 = arith.constant 1 : i32
      %dma_start3A_740 = arith.constant 2 : i32
      %dma_start3A_741 = arith.constant 0 : i32
      %dma_start3A_742 = arith.constant 0 : i32
      %dma_start3A_743 = arith.constant 0 : i32
      %dma_start3A_744 = tpu.memref_slice %arg9[%dma_start3A_741, %dma_start3A_742, %dma_start3A_743] : memref<2x128x128xf32, #tpu.memory_space<vmem>> -> memref<1x128x128xf32, #tpu.memory_space<vmem>>
      %dma_start3A_745 = tpu.memref_squeeze %dma_start3A_744 : memref<1x128x128xf32, #tpu.memory_space<vmem>> -> memref<128x128xf32, #tpu.memory_space<vmem>>
      %dma_start3A_746 = arith.constant 0 : i32
      %dma_start3A_747 = tpu.memref_slice %arg7[%dma_start3A_739, %dma_start3A_740, %dma_start3A_746] : memref<2x8x128xi32, #tpu.memory_space<vmem>> -> memref<1x1x128xi32, #tpu.memory_space<vmem>>
      %dma_start3A_748 = tpu.memref_squeeze %dma_start3A_747 : memref<1x1x128xi32, #tpu.memory_space<vmem>> -> memref<128xi32, #tpu.memory_space<vmem>>
      %dma_start3A_749 = arith.constant 0 : i32
      %dma_start3A_750 = arith.constant 0 : i32
      %dma_start3A_751 = tpu.memref_slice %arg2[%dma_start3A_749, %dma_start3A_750] : memref<10000x128xf32, #tpu.memory_space<hbm>> -> memref<10000x128xf32, #tpu.memory_space<hbm>>
      tpu.enqueue_indirect_dma source(%dma_start3A_751 : memref<10000x128xf32, #tpu.memory_space<hbm>>) target(%dma_start3A_745 : memref<128x128xf32, #tpu.memory_space<vmem>>) offsets(%dma_start3A_748 : memref<128xi32, #tpu.memory_space<vmem>>) semaphore(%arg10 : memref<!tpu.dma_semaphore, #tpu.memory_space<semaphore_mem>>)
      %mul3A_752 = arith.constant 8 : i32
      %mul3A_753 = arith.muli %add3A_599, %mul3A_752 : i32
      %add3A_754 = arith.constant 2 : i32
      %add3A_755 = arith.addi %mul3A_753, %add3A_754 : i32
      %dma_wait3A_756 = arith.constant 1 : i32
      %dma_wait3A_757 = arith.constant 2 : i32
      %dma_wait3A_758 = arith.constant 0 : i32
      %dma_wait3A_759 = arith.constant 0 : i32
      %dma_wait3A_760 = arith.constant 0 : i32
      %dma_wait3A_761 = tpu.memref_slice %arg9[%dma_wait3A_758, %dma_wait3A_759, %dma_wait3A_760] : memref<2x128x128xf32, #tpu.memory_space<vmem>> -> memref<1x128x128xf32, #tpu.memory_space<vmem>>
      %dma_wait3A_762 = tpu.memref_squeeze %dma_wait3A_761 : memref<1x128x128xf32, #tpu.memory_space<vmem>> -> memref<128x128xf32, #tpu.memory_space<vmem>>
      %dma_wait3A_763 = arith.constant 0 : i32
      %dma_wait3A_764 = tpu.memref_slice %arg7[%dma_wait3A_756, %dma_wait3A_757, %dma_wait3A_763] : memref<2x8x128xi32, #tpu.memory_space<vmem>> -> memref<1x1x128xi32, #tpu.memory_space<vmem>>
      %dma_wait3A_765 = tpu.memref_squeeze %dma_wait3A_764 : memref<1x1x128xi32, #tpu.memory_space<vmem>> -> memref<128xi32, #tpu.memory_space<vmem>>
      %dma_wait3A_766 = arith.constant 0 : i32
      %dma_wait3A_767 = arith.constant 0 : i32
      %dma_wait3A_768 = tpu.memref_slice %arg2[%dma_wait3A_766, %dma_wait3A_767] : memref<10000x128xf32, #tpu.memory_space<hbm>> -> memref<10000x128xf32, #tpu.memory_space<hbm>>
      tpu.wait_indirect_dma semaphore(%arg10 : memref<!tpu.dma_semaphore, #tpu.memory_space<semaphore_mem>>) src(%dma_wait3A_768 : memref<10000x128xf32, #tpu.memory_space<hbm>>) dst(%dma_wait3A_762 : memref<128x128xf32, #tpu.memory_space<vmem>>)
      %dma_start3A_769 = arith.constant 0 : i32
      %dma_start3A_770 = arith.constant 1 : i32
      %dma_start3A_771 = arith.constant 2 : i32
      %dma_start3A_772 = arith.constant 0 : i32
      %dma_start3A_773 = arith.constant 0 : i32
      %dma_start3A_774 = tpu.memref_slice %arg9[%dma_start3A_769, %dma_start3A_772, %dma_start3A_773] : memref<2x128x128xf32, #tpu.memory_space<vmem>> -> memref<1x128x128xf32, #tpu.memory_space<vmem>>
      %dma_start3A_775 = tpu.memref_squeeze %dma_start3A_774 : memref<1x128x128xf32, #tpu.memory_space<vmem>> -> memref<128x128xf32, #tpu.memory_space<vmem>>
      %dma_start3A_776 = arith.constant 0 : i32
      %dma_start3A_777 = tpu.memref_slice %arg8[%dma_start3A_770, %dma_start3A_771, %dma_start3A_776] : memref<2x8x128xi32, #tpu.memory_space<vmem>> -> memref<1x1x128xi32, #tpu.memory_space<vmem>>
      %dma_start3A_778 = tpu.memref_squeeze %dma_start3A_777 : memref<1x1x128xi32, #tpu.memory_space<vmem>> -> memref<128xi32, #tpu.memory_space<vmem>>
      %dma_start3A_779 = arith.constant 0 : i32
      %dma_start3A_780 = arith.constant 0 : i32
      %dma_start3A_781 = tpu.memref_slice %arg16[%dma_start3A_779, %dma_start3A_780] : memref<10240x128xf32, #tpu.memory_space<vmem_shared>> -> memref<10240x128xf32, #tpu.memory_space<vmem_shared>>
      tpu.enqueue_indirect_dma source(%dma_start3A_775 : memref<128x128xf32, #tpu.memory_space<vmem>>) target(%dma_start3A_781 : memref<10240x128xf32, #tpu.memory_space<vmem_shared>>) offsets(%dma_start3A_778 : memref<128xi32, #tpu.memory_space<vmem>>) semaphore(%arg12 : memref<!tpu.dma_semaphore, #tpu.memory_space<semaphore_mem>>) {add = true}
      %dma_wait3A_782 = arith.constant 1 : i32
      %dma_wait3A_783 = arith.constant 1 : i32
      %dma_wait3A_784 = arith.constant 1 : i32
      %dma_wait3A_785 = arith.constant 0 : i32
      %dma_wait3A_786 = arith.constant 0 : i32
      %dma_wait3A_787 = tpu.memref_slice %arg9[%dma_wait3A_782, %dma_wait3A_785, %dma_wait3A_786] : memref<2x128x128xf32, #tpu.memory_space<vmem>> -> memref<1x128x128xf32, #tpu.memory_space<vmem>>
      %dma_wait3A_788 = tpu.memref_squeeze %dma_wait3A_787 : memref<1x128x128xf32, #tpu.memory_space<vmem>> -> memref<128x128xf32, #tpu.memory_space<vmem>>
      %dma_wait3A_789 = arith.constant 0 : i32
      %dma_wait3A_790 = tpu.memref_slice %arg8[%dma_wait3A_783, %dma_wait3A_784, %dma_wait3A_789] : memref<2x8x128xi32, #tpu.memory_space<vmem>> -> memref<1x1x128xi32, #tpu.memory_space<vmem>>
      %dma_wait3A_791 = tpu.memref_squeeze %dma_wait3A_790 : memref<1x1x128xi32, #tpu.memory_space<vmem>> -> memref<128xi32, #tpu.memory_space<vmem>>
      %dma_wait3A_792 = arith.constant 0 : i32
      %dma_wait3A_793 = arith.constant 0 : i32
      %dma_wait3A_794 = tpu.memref_slice %arg16[%dma_wait3A_792, %dma_wait3A_793] : memref<10240x128xf32, #tpu.memory_space<vmem_shared>> -> memref<10240x128xf32, #tpu.memory_space<vmem_shared>>
      tpu.wait_indirect_dma semaphore(%arg13 : memref<!tpu.dma_semaphore, #tpu.memory_space<semaphore_mem>>) src(%dma_wait3A_788 : memref<128x128xf32, #tpu.memory_space<vmem>>) dst(%dma_wait3A_794 : memref<10240x128xf32, #tpu.memory_space<vmem_shared>>)
      %dma_start3A_795 = arith.constant 1 : i32
      %dma_start3A_796 = arith.constant 3 : i32
      %dma_start3A_797 = arith.constant 1 : i32
      %dma_start3A_798 = arith.constant 0 : i32
      %dma_start3A_799 = arith.constant 0 : i32
      %dma_start3A_800 = tpu.memref_slice %arg9[%dma_start3A_797, %dma_start3A_798, %dma_start3A_799] : memref<2x128x128xf32, #tpu.memory_space<vmem>> -> memref<1x128x128xf32, #tpu.memory_space<vmem>>
      %dma_start3A_801 = tpu.memref_squeeze %dma_start3A_800 : memref<1x128x128xf32, #tpu.memory_space<vmem>> -> memref<128x128xf32, #tpu.memory_space<vmem>>
      %dma_start3A_802 = arith.constant 0 : i32
      %dma_start3A_803 = tpu.memref_slice %arg7[%dma_start3A_795, %dma_start3A_796, %dma_start3A_802] : memref<2x8x128xi32, #tpu.memory_space<vmem>> -> memref<1x1x128xi32, #tpu.memory_space<vmem>>
      %dma_start3A_804 = tpu.memref_squeeze %dma_start3A_803 : memref<1x1x128xi32, #tpu.memory_space<vmem>> -> memref<128xi32, #tpu.memory_space<vmem>>
      %dma_start3A_805 = arith.constant 0 : i32
      %dma_start3A_806 = arith.constant 0 : i32
      %dma_start3A_807 = tpu.memref_slice %arg2[%dma_start3A_805, %dma_start3A_806] : memref<10000x128xf32, #tpu.memory_space<hbm>> -> memref<10000x128xf32, #tpu.memory_space<hbm>>
      tpu.enqueue_indirect_dma source(%dma_start3A_807 : memref<10000x128xf32, #tpu.memory_space<hbm>>) target(%dma_start3A_801 : memref<128x128xf32, #tpu.memory_space<vmem>>) offsets(%dma_start3A_804 : memref<128xi32, #tpu.memory_space<vmem>>) semaphore(%arg11 : memref<!tpu.dma_semaphore, #tpu.memory_space<semaphore_mem>>)
      %mul3A_808 = arith.constant 8 : i32
      %mul3A_809 = arith.muli %add3A_599, %mul3A_808 : i32
      %add3A_810 = arith.constant 3 : i32
      %add3A_811 = arith.addi %mul3A_809, %add3A_810 : i32
      %dma_wait3A_812 = arith.constant 1 : i32
      %dma_wait3A_813 = arith.constant 3 : i32
      %dma_wait3A_814 = arith.constant 1 : i32
      %dma_wait3A_815 = arith.constant 0 : i32
      %dma_wait3A_816 = arith.constant 0 : i32
      %dma_wait3A_817 = tpu.memref_slice %arg9[%dma_wait3A_814, %dma_wait3A_815, %dma_wait3A_816] : memref<2x128x128xf32, #tpu.memory_space<vmem>> -> memref<1x128x128xf32, #tpu.memory_space<vmem>>
      %dma_wait3A_818 = tpu.memref_squeeze %dma_wait3A_817 : memref<1x128x128xf32, #tpu.memory_space<vmem>> -> memref<128x128xf32, #tpu.memory_space<vmem>>
      %dma_wait3A_819 = arith.constant 0 : i32
      %dma_wait3A_820 = tpu.memref_slice %arg7[%dma_wait3A_812, %dma_wait3A_813, %dma_wait3A_819] : memref<2x8x128xi32, #tpu.memory_space<vmem>> -> memref<1x1x128xi32, #tpu.memory_space<vmem>>
      %dma_wait3A_821 = tpu.memref_squeeze %dma_wait3A_820 : memref<1x1x128xi32, #tpu.memory_space<vmem>> -> memref<128xi32, #tpu.memory_space<vmem>>
      %dma_wait3A_822 = arith.constant 0 : i32
      %dma_wait3A_823 = arith.constant 0 : i32
      %dma_wait3A_824 = tpu.memref_slice %arg2[%dma_wait3A_822, %dma_wait3A_823] : memref<10000x128xf32, #tpu.memory_space<hbm>> -> memref<10000x128xf32, #tpu.memory_space<hbm>>
      tpu.wait_indirect_dma semaphore(%arg11 : memref<!tpu.dma_semaphore, #tpu.memory_space<semaphore_mem>>) src(%dma_wait3A_824 : memref<10000x128xf32, #tpu.memory_space<hbm>>) dst(%dma_wait3A_818 : memref<128x128xf32, #tpu.memory_space<vmem>>)
      %dma_start3A_825 = arith.constant 1 : i32
      %dma_start3A_826 = arith.constant 1 : i32
      %dma_start3A_827 = arith.constant 3 : i32
      %dma_start3A_828 = arith.constant 0 : i32
      %dma_start3A_829 = arith.constant 0 : i32
      %dma_start3A_830 = tpu.memref_slice %arg9[%dma_start3A_825, %dma_start3A_828, %dma_start3A_829] : memref<2x128x128xf32, #tpu.memory_space<vmem>> -> memref<1x128x128xf32, #tpu.memory_space<vmem>>
      %dma_start3A_831 = tpu.memref_squeeze %dma_start3A_830 : memref<1x128x128xf32, #tpu.memory_space<vmem>> -> memref<128x128xf32, #tpu.memory_space<vmem>>
      %dma_start3A_832 = arith.constant 0 : i32
      %dma_start3A_833 = tpu.memref_slice %arg8[%dma_start3A_826, %dma_start3A_827, %dma_start3A_832] : memref<2x8x128xi32, #tpu.memory_space<vmem>> -> memref<1x1x128xi32, #tpu.memory_space<vmem>>
      %dma_start3A_834 = tpu.memref_squeeze %dma_start3A_833 : memref<1x1x128xi32, #tpu.memory_space<vmem>> -> memref<128xi32, #tpu.memory_space<vmem>>
      %dma_start3A_835 = arith.constant 0 : i32
      %dma_start3A_836 = arith.constant 0 : i32
      %dma_start3A_837 = tpu.memref_slice %arg16[%dma_start3A_835, %dma_start3A_836] : memref<10240x128xf32, #tpu.memory_space<vmem_shared>> -> memref<10240x128xf32, #tpu.memory_space<vmem_shared>>
      tpu.enqueue_indirect_dma source(%dma_start3A_831 : memref<128x128xf32, #tpu.memory_space<vmem>>) target(%dma_start3A_837 : memref<10240x128xf32, #tpu.memory_space<vmem_shared>>) offsets(%dma_start3A_834 : memref<128xi32, #tpu.memory_space<vmem>>) semaphore(%arg13 : memref<!tpu.dma_semaphore, #tpu.memory_space<semaphore_mem>>) {add = true}
      %dma_wait3A_838 = arith.constant 0 : i32
      %dma_wait3A_839 = arith.constant 1 : i32
      %dma_wait3A_840 = arith.constant 2 : i32
      %dma_wait3A_841 = arith.constant 0 : i32
      %dma_wait3A_842 = arith.constant 0 : i32
      %dma_wait3A_843 = tpu.memref_slice %arg9[%dma_wait3A_838, %dma_wait3A_841, %dma_wait3A_842] : memref<2x128x128xf32, #tpu.memory_space<vmem>> -> memref<1x128x128xf32, #tpu.memory_space<vmem>>
      %dma_wait3A_844 = tpu.memref_squeeze %dma_wait3A_843 : memref<1x128x128xf32, #tpu.memory_space<vmem>> -> memref<128x128xf32, #tpu.memory_space<vmem>>
      %dma_wait3A_845 = arith.constant 0 : i32
      %dma_wait3A_846 = tpu.memref_slice %arg8[%dma_wait3A_839, %dma_wait3A_840, %dma_wait3A_845] : memref<2x8x128xi32, #tpu.memory_space<vmem>> -> memref<1x1x128xi32, #tpu.memory_space<vmem>>
      %dma_wait3A_847 = tpu.memref_squeeze %dma_wait3A_846 : memref<1x1x128xi32, #tpu.memory_space<vmem>> -> memref<128xi32, #tpu.memory_space<vmem>>
      %dma_wait3A_848 = arith.constant 0 : i32
      %dma_wait3A_849 = arith.constant 0 : i32
      %dma_wait3A_850 = tpu.memref_slice %arg16[%dma_wait3A_848, %dma_wait3A_849] : memref<10240x128xf32, #tpu.memory_space<vmem_shared>> -> memref<10240x128xf32, #tpu.memory_space<vmem_shared>>
      tpu.wait_indirect_dma semaphore(%arg12 : memref<!tpu.dma_semaphore, #tpu.memory_space<semaphore_mem>>) src(%dma_wait3A_844 : memref<128x128xf32, #tpu.memory_space<vmem>>) dst(%dma_wait3A_850 : memref<10240x128xf32, #tpu.memory_space<vmem_shared>>)
      %dma_start3A_851 = arith.constant 1 : i32
      %dma_start3A_852 = arith.constant 4 : i32
      %dma_start3A_853 = arith.constant 0 : i32
      %dma_start3A_854 = arith.constant 0 : i32
      %dma_start3A_855 = arith.constant 0 : i32
      %dma_start3A_856 = tpu.memref_slice %arg9[%dma_start3A_853, %dma_start3A_854, %dma_start3A_855] : memref<2x128x128xf32, #tpu.memory_space<vmem>> -> memref<1x128x128xf32, #tpu.memory_space<vmem>>
      %dma_start3A_857 = tpu.memref_squeeze %dma_start3A_856 : memref<1x128x128xf32, #tpu.memory_space<vmem>> -> memref<128x128xf32, #tpu.memory_space<vmem>>
      %dma_start3A_858 = arith.constant 0 : i32
      %dma_start3A_859 = tpu.memref_slice %arg7[%dma_start3A_851, %dma_start3A_852, %dma_start3A_858] : memref<2x8x128xi32, #tpu.memory_space<vmem>> -> memref<1x1x128xi32, #tpu.memory_space<vmem>>
      %dma_start3A_860 = tpu.memref_squeeze %dma_start3A_859 : memref<1x1x128xi32, #tpu.memory_space<vmem>> -> memref<128xi32, #tpu.memory_space<vmem>>
      %dma_start3A_861 = arith.constant 0 : i32
      %dma_start3A_862 = arith.constant 0 : i32
      %dma_start3A_863 = tpu.memref_slice %arg2[%dma_start3A_861, %dma_start3A_862] : memref<10000x128xf32, #tpu.memory_space<hbm>> -> memref<10000x128xf32, #tpu.memory_space<hbm>>
      tpu.enqueue_indirect_dma source(%dma_start3A_863 : memref<10000x128xf32, #tpu.memory_space<hbm>>) target(%dma_start3A_857 : memref<128x128xf32, #tpu.memory_space<vmem>>) offsets(%dma_start3A_860 : memref<128xi32, #tpu.memory_space<vmem>>) semaphore(%arg10 : memref<!tpu.dma_semaphore, #tpu.memory_space<semaphore_mem>>)
      %mul3A_864 = arith.constant 8 : i32
      %mul3A_865 = arith.muli %add3A_599, %mul3A_864 : i32
      %add3A_866 = arith.constant 4 : i32
      %add3A_867 = arith.addi %mul3A_865, %add3A_866 : i32
      %dma_wait3A_868 = arith.constant 1 : i32
      %dma_wait3A_869 = arith.constant 4 : i32
      %dma_wait3A_870 = arith.constant 0 : i32
      %dma_wait3A_871 = arith.constant 0 : i32
      %dma_wait3A_872 = arith.constant 0 : i32
      %dma_wait3A_873 = tpu.memref_slice %arg9[%dma_wait3A_870, %dma_wait3A_871, %dma_wait3A_872] : memref<2x128x128xf32, #tpu.memory_space<vmem>> -> memref<1x128x128xf32, #tpu.memory_space<vmem>>
      %dma_wait3A_874 = tpu.memref_squeeze %dma_wait3A_873 : memref<1x128x128xf32, #tpu.memory_space<vmem>> -> memref<128x128xf32, #tpu.memory_space<vmem>>
      %dma_wait3A_875 = arith.constant 0 : i32
      %dma_wait3A_876 = tpu.memref_slice %arg7[%dma_wait3A_868, %dma_wait3A_869, %dma_wait3A_875] : memref<2x8x128xi32, #tpu.memory_space<vmem>> -> memref<1x1x128xi32, #tpu.memory_space<vmem>>
      %dma_wait3A_877 = tpu.memref_squeeze %dma_wait3A_876 : memref<1x1x128xi32, #tpu.memory_space<vmem>> -> memref<128xi32, #tpu.memory_space<vmem>>
      %dma_wait3A_878 = arith.constant 0 : i32
      %dma_wait3A_879 = arith.constant 0 : i32
      %dma_wait3A_880 = tpu.memref_slice %arg2[%dma_wait3A_878, %dma_wait3A_879] : memref<10000x128xf32, #tpu.memory_space<hbm>> -> memref<10000x128xf32, #tpu.memory_space<hbm>>
      tpu.wait_indirect_dma semaphore(%arg10 : memref<!tpu.dma_semaphore, #tpu.memory_space<semaphore_mem>>) src(%dma_wait3A_880 : memref<10000x128xf32, #tpu.memory_space<hbm>>) dst(%dma_wait3A_874 : memref<128x128xf32, #tpu.memory_space<vmem>>)
      %dma_start3A_881 = arith.constant 0 : i32
      %dma_start3A_882 = arith.constant 1 : i32
      %dma_start3A_883 = arith.constant 4 : i32
      %dma_start3A_884 = arith.constant 0 : i32
      %dma_start3A_885 = arith.constant 0 : i32
      %dma_start3A_886 = tpu.memref_slice %arg9[%dma_start3A_881, %dma_start3A_884, %dma_start3A_885] : memref<2x128x128xf32, #tpu.memory_space<vmem>> -> memref<1x128x128xf32, #tpu.memory_space<vmem>>
      %dma_start3A_887 = tpu.memref_squeeze %dma_start3A_886 : memref<1x128x128xf32, #tpu.memory_space<vmem>> -> memref<128x128xf32, #tpu.memory_space<vmem>>
      %dma_start3A_888 = arith.constant 0 : i32
      %dma_start3A_889 = tpu.memref_slice %arg8[%dma_start3A_882, %dma_start3A_883, %dma_start3A_888] : memref<2x8x128xi32, #tpu.memory_space<vmem>> -> memref<1x1x128xi32, #tpu.memory_space<vmem>>
      %dma_start3A_890 = tpu.memref_squeeze %dma_start3A_889 : memref<1x1x128xi32, #tpu.memory_space<vmem>> -> memref<128xi32, #tpu.memory_space<vmem>>
      %dma_start3A_891 = arith.constant 0 : i32
      %dma_start3A_892 = arith.constant 0 : i32
      %dma_start3A_893 = tpu.memref_slice %arg16[%dma_start3A_891, %dma_start3A_892] : memref<10240x128xf32, #tpu.memory_space<vmem_shared>> -> memref<10240x128xf32, #tpu.memory_space<vmem_shared>>
      tpu.enqueue_indirect_dma source(%dma_start3A_887 : memref<128x128xf32, #tpu.memory_space<vmem>>) target(%dma_start3A_893 : memref<10240x128xf32, #tpu.memory_space<vmem_shared>>) offsets(%dma_start3A_890 : memref<128xi32, #tpu.memory_space<vmem>>) semaphore(%arg12 : memref<!tpu.dma_semaphore, #tpu.memory_space<semaphore_mem>>) {add = true}
      %dma_wait3A_894 = arith.constant 1 : i32
      %dma_wait3A_895 = arith.constant 1 : i32
      %dma_wait3A_896 = arith.constant 3 : i32
      %dma_wait3A_897 = arith.constant 0 : i32
      %dma_wait3A_898 = arith.constant 0 : i32
      %dma_wait3A_899 = tpu.memref_slice %arg9[%dma_wait3A_894, %dma_wait3A_897, %dma_wait3A_898] : memref<2x128x128xf32, #tpu.memory_space<vmem>> -> memref<1x128x128xf32, #tpu.memory_space<vmem>>
      %dma_wait3A_900 = tpu.memref_squeeze %dma_wait3A_899 : memref<1x128x128xf32, #tpu.memory_space<vmem>> -> memref<128x128xf32, #tpu.memory_space<vmem>>
      %dma_wait3A_901 = arith.constant 0 : i32
      %dma_wait3A_902 = tpu.memref_slice %arg8[%dma_wait3A_895, %dma_wait3A_896, %dma_wait3A_901] : memref<2x8x128xi32, #tpu.memory_space<vmem>> -> memref<1x1x128xi32, #tpu.memory_space<vmem>>
      %dma_wait3A_903 = tpu.memref_squeeze %dma_wait3A_902 : memref<1x1x128xi32, #tpu.memory_space<vmem>> -> memref<128xi32, #tpu.memory_space<vmem>>
      %dma_wait3A_904 = arith.constant 0 : i32
      %dma_wait3A_905 = arith.constant 0 : i32
      %dma_wait3A_906 = tpu.memref_slice %arg16[%dma_wait3A_904, %dma_wait3A_905] : memref<10240x128xf32, #tpu.memory_space<vmem_shared>> -> memref<10240x128xf32, #tpu.memory_space<vmem_shared>>
      tpu.wait_indirect_dma semaphore(%arg13 : memref<!tpu.dma_semaphore, #tpu.memory_space<semaphore_mem>>) src(%dma_wait3A_900 : memref<128x128xf32, #tpu.memory_space<vmem>>) dst(%dma_wait3A_906 : memref<10240x128xf32, #tpu.memory_space<vmem_shared>>)
      %dma_start3A_907 = arith.constant 1 : i32
      %dma_start3A_908 = arith.constant 5 : i32
      %dma_start3A_909 = arith.constant 1 : i32
      %dma_start3A_910 = arith.constant 0 : i32
      %dma_start3A_911 = arith.constant 0 : i32
      %dma_start3A_912 = tpu.memref_slice %arg9[%dma_start3A_909, %dma_start3A_910, %dma_start3A_911] : memref<2x128x128xf32, #tpu.memory_space<vmem>> -> memref<1x128x128xf32, #tpu.memory_space<vmem>>
      %dma_start3A_913 = tpu.memref_squeeze %dma_start3A_912 : memref<1x128x128xf32, #tpu.memory_space<vmem>> -> memref<128x128xf32, #tpu.memory_space<vmem>>
      %dma_start3A_914 = arith.constant 0 : i32
      %dma_start3A_915 = tpu.memref_slice %arg7[%dma_start3A_907, %dma_start3A_908, %dma_start3A_914] : memref<2x8x128xi32, #tpu.memory_space<vmem>> -> memref<1x1x128xi32, #tpu.memory_space<vmem>>
      %dma_start3A_916 = tpu.memref_squeeze %dma_start3A_915 : memref<1x1x128xi32, #tpu.memory_space<vmem>> -> memref<128xi32, #tpu.memory_space<vmem>>
      %dma_start3A_917 = arith.constant 0 : i32
      %dma_start3A_918 = arith.constant 0 : i32
      %dma_start3A_919 = tpu.memref_slice %arg2[%dma_start3A_917, %dma_start3A_918] : memref<10000x128xf32, #tpu.memory_space<hbm>> -> memref<10000x128xf32, #tpu.memory_space<hbm>>
      tpu.enqueue_indirect_dma source(%dma_start3A_919 : memref<10000x128xf32, #tpu.memory_space<hbm>>) target(%dma_start3A_913 : memref<128x128xf32, #tpu.memory_space<vmem>>) offsets(%dma_start3A_916 : memref<128xi32, #tpu.memory_space<vmem>>) semaphore(%arg11 : memref<!tpu.dma_semaphore, #tpu.memory_space<semaphore_mem>>)
      %mul3A_920 = arith.constant 8 : i32
      %mul3A_921 = arith.muli %add3A_599, %mul3A_920 : i32
      %add3A_922 = arith.constant 5 : i32
      %add3A_923 = arith.addi %mul3A_921, %add3A_922 : i32
      %dma_wait3A_924 = arith.constant 1 : i32
      %dma_wait3A_925 = arith.constant 5 : i32
      %dma_wait3A_926 = arith.constant 1 : i32
      %dma_wait3A_927 = arith.constant 0 : i32
      %dma_wait3A_928 = arith.constant 0 : i32
      %dma_wait3A_929 = tpu.memref_slice %arg9[%dma_wait3A_926, %dma_wait3A_927, %dma_wait3A_928] : memref<2x128x128xf32, #tpu.memory_space<vmem>> -> memref<1x128x128xf32, #tpu.memory_space<vmem>>
      %dma_wait3A_930 = tpu.memref_squeeze %dma_wait3A_929 : memref<1x128x128xf32, #tpu.memory_space<vmem>> -> memref<128x128xf32, #tpu.memory_space<vmem>>
      %dma_wait3A_931 = arith.constant 0 : i32
      %dma_wait3A_932 = tpu.memref_slice %arg7[%dma_wait3A_924, %dma_wait3A_925, %dma_wait3A_931] : memref<2x8x128xi32, #tpu.memory_space<vmem>> -> memref<1x1x128xi32, #tpu.memory_space<vmem>>
      %dma_wait3A_933 = tpu.memref_squeeze %dma_wait3A_932 : memref<1x1x128xi32, #tpu.memory_space<vmem>> -> memref<128xi32, #tpu.memory_space<vmem>>
      %dma_wait3A_934 = arith.constant 0 : i32
      %dma_wait3A_935 = arith.constant 0 : i32
      %dma_wait3A_936 = tpu.memref_slice %arg2[%dma_wait3A_934, %dma_wait3A_935] : memref<10000x128xf32, #tpu.memory_space<hbm>> -> memref<10000x128xf32, #tpu.memory_space<hbm>>
      tpu.wait_indirect_dma semaphore(%arg11 : memref<!tpu.dma_semaphore, #tpu.memory_space<semaphore_mem>>) src(%dma_wait3A_936 : memref<10000x128xf32, #tpu.memory_space<hbm>>) dst(%dma_wait3A_930 : memref<128x128xf32, #tpu.memory_space<vmem>>)
      %dma_start3A_937 = arith.constant 1 : i32
      %dma_start3A_938 = arith.constant 1 : i32
      %dma_start3A_939 = arith.constant 5 : i32
      %dma_start3A_940 = arith.constant 0 : i32
      %dma_start3A_941 = arith.constant 0 : i32
      %dma_start3A_942 = tpu.memref_slice %arg9[%dma_start3A_937, %dma_start3A_940, %dma_start3A_941] : memref<2x128x128xf32, #tpu.memory_space<vmem>> -> memref<1x128x128xf32, #tpu.memory_space<vmem>>
      %dma_start3A_943 = tpu.memref_squeeze %dma_start3A_942 : memref<1x128x128xf32, #tpu.memory_space<vmem>> -> memref<128x128xf32, #tpu.memory_space<vmem>>
      %dma_start3A_944 = arith.constant 0 : i32
      %dma_start3A_945 = tpu.memref_slice %arg8[%dma_start3A_938, %dma_start3A_939, %dma_start3A_944] : memref<2x8x128xi32, #tpu.memory_space<vmem>> -> memref<1x1x128xi32, #tpu.memory_space<vmem>>
      %dma_start3A_946 = tpu.memref_squeeze %dma_start3A_945 : memref<1x1x128xi32, #tpu.memory_space<vmem>> -> memref<128xi32, #tpu.memory_space<vmem>>
      %dma_start3A_947 = arith.constant 0 : i32
      %dma_start3A_948 = arith.constant 0 : i32
      %dma_start3A_949 = tpu.memref_slice %arg16[%dma_start3A_947, %dma_start3A_948] : memref<10240x128xf32, #tpu.memory_space<vmem_shared>> -> memref<10240x128xf32, #tpu.memory_space<vmem_shared>>
      tpu.enqueue_indirect_dma source(%dma_start3A_943 : memref<128x128xf32, #tpu.memory_space<vmem>>) target(%dma_start3A_949 : memref<10240x128xf32, #tpu.memory_space<vmem_shared>>) offsets(%dma_start3A_946 : memref<128xi32, #tpu.memory_space<vmem>>) semaphore(%arg13 : memref<!tpu.dma_semaphore, #tpu.memory_space<semaphore_mem>>) {add = true}
      %dma_wait3A_950 = arith.constant 0 : i32
      %dma_wait3A_951 = arith.constant 1 : i32
      %dma_wait3A_952 = arith.constant 4 : i32
      %dma_wait3A_953 = arith.constant 0 : i32
      %dma_wait3A_954 = arith.constant 0 : i32
      %dma_wait3A_955 = tpu.memref_slice %arg9[%dma_wait3A_950, %dma_wait3A_953, %dma_wait3A_954] : memref<2x128x128xf32, #tpu.memory_space<vmem>> -> memref<1x128x128xf32, #tpu.memory_space<vmem>>
      %dma_wait3A_956 = tpu.memref_squeeze %dma_wait3A_955 : memref<1x128x128xf32, #tpu.memory_space<vmem>> -> memref<128x128xf32, #tpu.memory_space<vmem>>
      %dma_wait3A_957 = arith.constant 0 : i32
      %dma_wait3A_958 = tpu.memref_slice %arg8[%dma_wait3A_951, %dma_wait3A_952, %dma_wait3A_957] : memref<2x8x128xi32, #tpu.memory_space<vmem>> -> memref<1x1x128xi32, #tpu.memory_space<vmem>>
      %dma_wait3A_959 = tpu.memref_squeeze %dma_wait3A_958 : memref<1x1x128xi32, #tpu.memory_space<vmem>> -> memref<128xi32, #tpu.memory_space<vmem>>
      %dma_wait3A_960 = arith.constant 0 : i32
      %dma_wait3A_961 = arith.constant 0 : i32
      %dma_wait3A_962 = tpu.memref_slice %arg16[%dma_wait3A_960, %dma_wait3A_961] : memref<10240x128xf32, #tpu.memory_space<vmem_shared>> -> memref<10240x128xf32, #tpu.memory_space<vmem_shared>>
      tpu.wait_indirect_dma semaphore(%arg12 : memref<!tpu.dma_semaphore, #tpu.memory_space<semaphore_mem>>) src(%dma_wait3A_956 : memref<128x128xf32, #tpu.memory_space<vmem>>) dst(%dma_wait3A_962 : memref<10240x128xf32, #tpu.memory_space<vmem_shared>>)
      %dma_start3A_963 = arith.constant 1 : i32
      %dma_start3A_964 = arith.constant 6 : i32
      %dma_start3A_965 = arith.constant 0 : i32
      %dma_start3A_966 = arith.constant 0 : i32
      %dma_start3A_967 = arith.constant 0 : i32
      %dma_start3A_968 = tpu.memref_slice %arg9[%dma_start3A_965, %dma_start3A_966, %dma_start3A_967] : memref<2x128x128xf32, #tpu.memory_space<vmem>> -> memref<1x128x128xf32, #tpu.memory_space<vmem>>
      %dma_start3A_969 = tpu.memref_squeeze %dma_start3A_968 : memref<1x128x128xf32, #tpu.memory_space<vmem>> -> memref<128x128xf32, #tpu.memory_space<vmem>>
      %dma_start3A_970 = arith.constant 0 : i32
      %dma_start3A_971 = tpu.memref_slice %arg7[%dma_start3A_963, %dma_start3A_964, %dma_start3A_970] : memref<2x8x128xi32, #tpu.memory_space<vmem>> -> memref<1x1x128xi32, #tpu.memory_space<vmem>>
      %dma_start3A_972 = tpu.memref_squeeze %dma_start3A_971 : memref<1x1x128xi32, #tpu.memory_space<vmem>> -> memref<128xi32, #tpu.memory_space<vmem>>
      %dma_start3A_973 = arith.constant 0 : i32
      %dma_start3A_974 = arith.constant 0 : i32
      %dma_start3A_975 = tpu.memref_slice %arg2[%dma_start3A_973, %dma_start3A_974] : memref<10000x128xf32, #tpu.memory_space<hbm>> -> memref<10000x128xf32, #tpu.memory_space<hbm>>
      tpu.enqueue_indirect_dma source(%dma_start3A_975 : memref<10000x128xf32, #tpu.memory_space<hbm>>) target(%dma_start3A_969 : memref<128x128xf32, #tpu.memory_space<vmem>>) offsets(%dma_start3A_972 : memref<128xi32, #tpu.memory_space<vmem>>) semaphore(%arg10 : memref<!tpu.dma_semaphore, #tpu.memory_space<semaphore_mem>>)
      %mul3A_976 = arith.constant 8 : i32
      %mul3A_977 = arith.muli %add3A_599, %mul3A_976 : i32
      %add3A_978 = arith.constant 6 : i32
      %add3A_979 = arith.addi %mul3A_977, %add3A_978 : i32
      %dma_wait3A_980 = arith.constant 1 : i32
      %dma_wait3A_981 = arith.constant 6 : i32
      %dma_wait3A_982 = arith.constant 0 : i32
      %dma_wait3A_983 = arith.constant 0 : i32
      %dma_wait3A_984 = arith.constant 0 : i32
      %dma_wait3A_985 = tpu.memref_slice %arg9[%dma_wait3A_982, %dma_wait3A_983, %dma_wait3A_984] : memref<2x128x128xf32, #tpu.memory_space<vmem>> -> memref<1x128x128xf32, #tpu.memory_space<vmem>>
      %dma_wait3A_986 = tpu.memref_squeeze %dma_wait3A_985 : memref<1x128x128xf32, #tpu.memory_space<vmem>> -> memref<128x128xf32, #tpu.memory_space<vmem>>
      %dma_wait3A_987 = arith.constant 0 : i32
      %dma_wait3A_988 = tpu.memref_slice %arg7[%dma_wait3A_980, %dma_wait3A_981, %dma_wait3A_987] : memref<2x8x128xi32, #tpu.memory_space<vmem>> -> memref<1x1x128xi32, #tpu.memory_space<vmem>>
      %dma_wait3A_989 = tpu.memref_squeeze %dma_wait3A_988 : memref<1x1x128xi32, #tpu.memory_space<vmem>> -> memref<128xi32, #tpu.memory_space<vmem>>
      %dma_wait3A_990 = arith.constant 0 : i32
      %dma_wait3A_991 = arith.constant 0 : i32
      %dma_wait3A_992 = tpu.memref_slice %arg2[%dma_wait3A_990, %dma_wait3A_991] : memref<10000x128xf32, #tpu.memory_space<hbm>> -> memref<10000x128xf32, #tpu.memory_space<hbm>>
      tpu.wait_indirect_dma semaphore(%arg10 : memref<!tpu.dma_semaphore, #tpu.memory_space<semaphore_mem>>) src(%dma_wait3A_992 : memref<10000x128xf32, #tpu.memory_space<hbm>>) dst(%dma_wait3A_986 : memref<128x128xf32, #tpu.memory_space<vmem>>)
      %dma_start3A_993 = arith.constant 0 : i32
      %dma_start3A_994 = arith.constant 1 : i32
      %dma_start3A_995 = arith.constant 6 : i32
      %dma_start3A_996 = arith.constant 0 : i32
      %dma_start3A_997 = arith.constant 0 : i32
      %dma_start3A_998 = tpu.memref_slice %arg9[%dma_start3A_993, %dma_start3A_996, %dma_start3A_997] : memref<2x128x128xf32, #tpu.memory_space<vmem>> -> memref<1x128x128xf32, #tpu.memory_space<vmem>>
      %dma_start3A_999 = tpu.memref_squeeze %dma_start3A_998 : memref<1x128x128xf32, #tpu.memory_space<vmem>> -> memref<128x128xf32, #tpu.memory_space<vmem>>
      %dma_start3A_1000 = arith.constant 0 : i32
      %dma_start3A_1001 = tpu.memref_slice %arg8[%dma_start3A_994, %dma_start3A_995, %dma_start3A_1000] : memref<2x8x128xi32, #tpu.memory_space<vmem>> -> memref<1x1x128xi32, #tpu.memory_space<vmem>>
      %dma_start3A_1002 = tpu.memref_squeeze %dma_start3A_1001 : memref<1x1x128xi32, #tpu.memory_space<vmem>> -> memref<128xi32, #tpu.memory_space<vmem>>
      %dma_start3A_1003 = arith.constant 0 : i32
      %dma_start3A_1004 = arith.constant 0 : i32
      %dma_start3A_1005 = tpu.memref_slice %arg16[%dma_start3A_1003, %dma_start3A_1004] : memref<10240x128xf32, #tpu.memory_space<vmem_shared>> -> memref<10240x128xf32, #tpu.memory_space<vmem_shared>>
      tpu.enqueue_indirect_dma source(%dma_start3A_999 : memref<128x128xf32, #tpu.memory_space<vmem>>) target(%dma_start3A_1005 : memref<10240x128xf32, #tpu.memory_space<vmem_shared>>) offsets(%dma_start3A_1002 : memref<128xi32, #tpu.memory_space<vmem>>) semaphore(%arg12 : memref<!tpu.dma_semaphore, #tpu.memory_space<semaphore_mem>>) {add = true}
      %dma_wait3A_1006 = arith.constant 1 : i32
      %dma_wait3A_1007 = arith.constant 1 : i32
      %dma_wait3A_1008 = arith.constant 5 : i32
      %dma_wait3A_1009 = arith.constant 0 : i32
      %dma_wait3A_1010 = arith.constant 0 : i32
      %dma_wait3A_1011 = tpu.memref_slice %arg9[%dma_wait3A_1006, %dma_wait3A_1009, %dma_wait3A_1010] : memref<2x128x128xf32, #tpu.memory_space<vmem>> -> memref<1x128x128xf32, #tpu.memory_space<vmem>>
      %dma_wait3A_1012 = tpu.memref_squeeze %dma_wait3A_1011 : memref<1x128x128xf32, #tpu.memory_space<vmem>> -> memref<128x128xf32, #tpu.memory_space<vmem>>
      %dma_wait3A_1013 = arith.constant 0 : i32
      %dma_wait3A_1014 = tpu.memref_slice %arg8[%dma_wait3A_1007, %dma_wait3A_1008, %dma_wait3A_1013] : memref<2x8x128xi32, #tpu.memory_space<vmem>> -> memref<1x1x128xi32, #tpu.memory_space<vmem>>
      %dma_wait3A_1015 = tpu.memref_squeeze %dma_wait3A_1014 : memref<1x1x128xi32, #tpu.memory_space<vmem>> -> memref<128xi32, #tpu.memory_space<vmem>>
      %dma_wait3A_1016 = arith.constant 0 : i32
      %dma_wait3A_1017 = arith.constant 0 : i32
      %dma_wait3A_1018 = tpu.memref_slice %arg16[%dma_wait3A_1016, %dma_wait3A_1017] : memref<10240x128xf32, #tpu.memory_space<vmem_shared>> -> memref<10240x128xf32, #tpu.memory_space<vmem_shared>>
      tpu.wait_indirect_dma semaphore(%arg13 : memref<!tpu.dma_semaphore, #tpu.memory_space<semaphore_mem>>) src(%dma_wait3A_1012 : memref<128x128xf32, #tpu.memory_space<vmem>>) dst(%dma_wait3A_1018 : memref<10240x128xf32, #tpu.memory_space<vmem_shared>>)
      %dma_start3A_1019 = arith.constant 1 : i32
      %dma_start3A_1020 = arith.constant 7 : i32
      %dma_start3A_1021 = arith.constant 1 : i32
      %dma_start3A_1022 = arith.constant 0 : i32
      %dma_start3A_1023 = arith.constant 0 : i32
      %dma_start3A_1024 = tpu.memref_slice %arg9[%dma_start3A_1021, %dma_start3A_1022, %dma_start3A_1023] : memref<2x128x128xf32, #tpu.memory_space<vmem>> -> memref<1x128x128xf32, #tpu.memory_space<vmem>>
      %dma_start3A_1025 = tpu.memref_squeeze %dma_start3A_1024 : memref<1x128x128xf32, #tpu.memory_space<vmem>> -> memref<128x128xf32, #tpu.memory_space<vmem>>
      %dma_start3A_1026 = arith.constant 0 : i32
      %dma_start3A_1027 = tpu.memref_slice %arg7[%dma_start3A_1019, %dma_start3A_1020, %dma_start3A_1026] : memref<2x8x128xi32, #tpu.memory_space<vmem>> -> memref<1x1x128xi32, #tpu.memory_space<vmem>>
      %dma_start3A_1028 = tpu.memref_squeeze %dma_start3A_1027 : memref<1x1x128xi32, #tpu.memory_space<vmem>> -> memref<128xi32, #tpu.memory_space<vmem>>
      %dma_start3A_1029 = arith.constant 0 : i32
      %dma_start3A_1030 = arith.constant 0 : i32
      %dma_start3A_1031 = tpu.memref_slice %arg2[%dma_start3A_1029, %dma_start3A_1030] : memref<10000x128xf32, #tpu.memory_space<hbm>> -> memref<10000x128xf32, #tpu.memory_space<hbm>>
      tpu.enqueue_indirect_dma source(%dma_start3A_1031 : memref<10000x128xf32, #tpu.memory_space<hbm>>) target(%dma_start3A_1025 : memref<128x128xf32, #tpu.memory_space<vmem>>) offsets(%dma_start3A_1028 : memref<128xi32, #tpu.memory_space<vmem>>) semaphore(%arg11 : memref<!tpu.dma_semaphore, #tpu.memory_space<semaphore_mem>>)
      %mul3A_1032 = arith.constant 8 : i32
      %mul3A_1033 = arith.muli %add3A_599, %mul3A_1032 : i32
      %add3A_1034 = arith.constant 7 : i32
      %add3A_1035 = arith.addi %mul3A_1033, %add3A_1034 : i32
      %dma_wait3A_1036 = arith.constant 1 : i32
      %dma_wait3A_1037 = arith.constant 7 : i32
      %dma_wait3A_1038 = arith.constant 1 : i32
      %dma_wait3A_1039 = arith.constant 0 : i32
      %dma_wait3A_1040 = arith.constant 0 : i32
      %dma_wait3A_1041 = tpu.memref_slice %arg9[%dma_wait3A_1038, %dma_wait3A_1039, %dma_wait3A_1040] : memref<2x128x128xf32, #tpu.memory_space<vmem>> -> memref<1x128x128xf32, #tpu.memory_space<vmem>>
      %dma_wait3A_1042 = tpu.memref_squeeze %dma_wait3A_1041 : memref<1x128x128xf32, #tpu.memory_space<vmem>> -> memref<128x128xf32, #tpu.memory_space<vmem>>
      %dma_wait3A_1043 = arith.constant 0 : i32
      %dma_wait3A_1044 = tpu.memref_slice %arg7[%dma_wait3A_1036, %dma_wait3A_1037, %dma_wait3A_1043] : memref<2x8x128xi32, #tpu.memory_space<vmem>> -> memref<1x1x128xi32, #tpu.memory_space<vmem>>
      %dma_wait3A_1045 = tpu.memref_squeeze %dma_wait3A_1044 : memref<1x1x128xi32, #tpu.memory_space<vmem>> -> memref<128xi32, #tpu.memory_space<vmem>>
      %dma_wait3A_1046 = arith.constant 0 : i32
      %dma_wait3A_1047 = arith.constant 0 : i32
      %dma_wait3A_1048 = tpu.memref_slice %arg2[%dma_wait3A_1046, %dma_wait3A_1047] : memref<10000x128xf32, #tpu.memory_space<hbm>> -> memref<10000x128xf32, #tpu.memory_space<hbm>>
      tpu.wait_indirect_dma semaphore(%arg11 : memref<!tpu.dma_semaphore, #tpu.memory_space<semaphore_mem>>) src(%dma_wait3A_1048 : memref<10000x128xf32, #tpu.memory_space<hbm>>) dst(%dma_wait3A_1042 : memref<128x128xf32, #tpu.memory_space<vmem>>)
      %dma_start3A_1049 = arith.constant 1 : i32
      %dma_start3A_1050 = arith.constant 1 : i32
      %dma_start3A_1051 = arith.constant 7 : i32
      %dma_start3A_1052 = arith.constant 0 : i32
      %dma_start3A_1053 = arith.constant 0 : i32
      %dma_start3A_1054 = tpu.memref_slice %arg9[%dma_start3A_1049, %dma_start3A_1052, %dma_start3A_1053] : memref<2x128x128xf32, #tpu.memory_space<vmem>> -> memref<1x128x128xf32, #tpu.memory_space<vmem>>
      %dma_start3A_1055 = tpu.memref_squeeze %dma_start3A_1054 : memref<1x128x128xf32, #tpu.memory_space<vmem>> -> memref<128x128xf32, #tpu.memory_space<vmem>>
      %dma_start3A_1056 = arith.constant 0 : i32
      %dma_start3A_1057 = tpu.memref_slice %arg8[%dma_start3A_1050, %dma_start3A_1051, %dma_start3A_1056] : memref<2x8x128xi32, #tpu.memory_space<vmem>> -> memref<1x1x128xi32, #tpu.memory_space<vmem>>
      %dma_start3A_1058 = tpu.memref_squeeze %dma_start3A_1057 : memref<1x1x128xi32, #tpu.memory_space<vmem>> -> memref<128xi32, #tpu.memory_space<vmem>>
      %dma_start3A_1059 = arith.constant 0 : i32
      %dma_start3A_1060 = arith.constant 0 : i32
      %dma_start3A_1061 = tpu.memref_slice %arg16[%dma_start3A_1059, %dma_start3A_1060] : memref<10240x128xf32, #tpu.memory_space<vmem_shared>> -> memref<10240x128xf32, #tpu.memory_space<vmem_shared>>
      tpu.enqueue_indirect_dma source(%dma_start3A_1055 : memref<128x128xf32, #tpu.memory_space<vmem>>) target(%dma_start3A_1061 : memref<10240x128xf32, #tpu.memory_space<vmem_shared>>) offsets(%dma_start3A_1058 : memref<128xi32, #tpu.memory_space<vmem>>) semaphore(%arg13 : memref<!tpu.dma_semaphore, #tpu.memory_space<semaphore_mem>>) {add = true}
      %dma_wait3A_1062 = arith.constant 0 : i32
      %dma_wait3A_1063 = arith.constant 1 : i32
      %dma_wait3A_1064 = arith.constant 6 : i32
      %dma_wait3A_1065 = arith.constant 0 : i32
      %dma_wait3A_1066 = arith.constant 0 : i32
      %dma_wait3A_1067 = tpu.memref_slice %arg9[%dma_wait3A_1062, %dma_wait3A_1065, %dma_wait3A_1066] : memref<2x128x128xf32, #tpu.memory_space<vmem>> -> memref<1x128x128xf32, #tpu.memory_space<vmem>>
      %dma_wait3A_1068 = tpu.memref_squeeze %dma_wait3A_1067 : memref<1x128x128xf32, #tpu.memory_space<vmem>> -> memref<128x128xf32, #tpu.memory_space<vmem>>
      %dma_wait3A_1069 = arith.constant 0 : i32
      %dma_wait3A_1070 = tpu.memref_slice %arg8[%dma_wait3A_1063, %dma_wait3A_1064, %dma_wait3A_1069] : memref<2x8x128xi32, #tpu.memory_space<vmem>> -> memref<1x1x128xi32, #tpu.memory_space<vmem>>
      %dma_wait3A_1071 = tpu.memref_squeeze %dma_wait3A_1070 : memref<1x1x128xi32, #tpu.memory_space<vmem>> -> memref<128xi32, #tpu.memory_space<vmem>>
      %dma_wait3A_1072 = arith.constant 0 : i32
      %dma_wait3A_1073 = arith.constant 0 : i32
      %dma_wait3A_1074 = tpu.memref_slice %arg16[%dma_wait3A_1072, %dma_wait3A_1073] : memref<10240x128xf32, #tpu.memory_space<vmem_shared>> -> memref<10240x128xf32, #tpu.memory_space<vmem_shared>>
      tpu.wait_indirect_dma semaphore(%arg12 : memref<!tpu.dma_semaphore, #tpu.memory_space<semaphore_mem>>) src(%dma_wait3A_1068 : memref<128x128xf32, #tpu.memory_space<vmem>>) dst(%dma_wait3A_1074 : memref<10240x128xf32, #tpu.memory_space<vmem_shared>>)
      %add3A_1075 = arith.constant 1 : i32
      %add3A_1076 = arith.addi %add3A_599, %add3A_1075 : i32
      %add3A_1077 = arith.addi %mul3A_5, %add3A_1076 : i32
      %mul3A_1078 = arith.constant 8 : i32
      %mul3A_1079 = arith.muli %add3A_1077, %mul3A_1078 : i32
      %dma_wait3A_1080 = arith.constant 0 : i32
      %dma_wait3A_1081 = arith.constant 0 : i32
      %dma_wait3A_1082 = arith.constant 0 : i32
      %dma_wait3A_1083 = arith.constant 0 : i32
      %dma_wait3A_1084 = tpu.memref_slice %arg7[%dma_wait3A_1081, %dma_wait3A_1082, %dma_wait3A_1083] : memref<2x8x128xi32, #tpu.memory_space<vmem>> -> memref<1x8x128xi32, #tpu.memory_space<vmem>>
      %dma_wait3A_1085 = tpu.memref_squeeze %dma_wait3A_1084 : memref<1x8x128xi32, #tpu.memory_space<vmem>> -> memref<8x128xi32, #tpu.memory_space<vmem>>
      %dma_wait3A_1086 = arith.constant 0 : i32
      %dma_wait3A_1087 = tpu.memref_slice %arg3[%dma_wait3A_1080, %mul3A_1079, %dma_wait3A_1086] : memref<2x2568x128xi32, #tpu.memory_space<hbm>> -> memref<1x8x128xi32, #tpu.memory_space<hbm>>
      %dma_wait3A_1088 = tpu.memref_squeeze %dma_wait3A_1087 : memref<1x8x128xi32, #tpu.memory_space<hbm>> -> memref<8x128xi32, #tpu.memory_space<hbm>>
      %dma_wait3A_1089 = arith.constant 0 : i32
      %dma_wait3A_1090 = arith.constant 0 : i32
      %dma_wait3A_1091 = tpu.memref_slice %arg7[%dma_wait3A_1081, %dma_wait3A_1089, %dma_wait3A_1090] : memref<2x8x128xi32, #tpu.memory_space<vmem>> -> memref<1x8x128xi32, #tpu.memory_space<vmem>>
      %dma_wait3A_1092 = tpu.memref_squeeze %dma_wait3A_1091 : memref<1x8x128xi32, #tpu.memory_space<vmem>> -> memref<8x128xi32, #tpu.memory_space<vmem>>
      %dma_wait3A_1093 = arith.constant 0 : i32
      %dma_wait3A_1094 = tpu.memref_slice %arg3[%dma_wait3A_1080, %mul3A_1079, %dma_wait3A_1093] : memref<2x2568x128xi32, #tpu.memory_space<hbm>> -> memref<1x8x128xi32, #tpu.memory_space<hbm>>
      %dma_wait3A_1095 = tpu.memref_squeeze %dma_wait3A_1094 : memref<1x8x128xi32, #tpu.memory_space<hbm>> -> memref<8x128xi32, #tpu.memory_space<hbm>>
      tpu.wait_dma2 semaphore(%arg15 : memref<!tpu.dma_semaphore, #tpu.memory_space<semaphore_mem>>) src(%dma_wait3A_1095 : memref<8x128xi32, #tpu.memory_space<hbm>>) dst(%dma_wait3A_1092 : memref<8x128xi32, #tpu.memory_space<vmem>>)
      %add3A_1096 = arith.addi %mul3A_5, %add3A_1076 : i32
      %mul3A_1097 = arith.constant 8 : i32
      %mul3A_1098 = arith.muli %add3A_1096, %mul3A_1097 : i32
      %dma_wait3A_1099 = arith.constant 1 : i32
      %dma_wait3A_1100 = arith.constant 0 : i32
      %dma_wait3A_1101 = arith.constant 0 : i32
      %dma_wait3A_1102 = arith.constant 0 : i32
      %dma_wait3A_1103 = tpu.memref_slice %arg8[%dma_wait3A_1100, %dma_wait3A_1101, %dma_wait3A_1102] : memref<2x8x128xi32, #tpu.memory_space<vmem>> -> memref<1x8x128xi32, #tpu.memory_space<vmem>>
      %dma_wait3A_1104 = tpu.memref_squeeze %dma_wait3A_1103 : memref<1x8x128xi32, #tpu.memory_space<vmem>> -> memref<8x128xi32, #tpu.memory_space<vmem>>
      %dma_wait3A_1105 = arith.constant 0 : i32
      %dma_wait3A_1106 = tpu.memref_slice %arg3[%dma_wait3A_1099, %mul3A_1098, %dma_wait3A_1105] : memref<2x2568x128xi32, #tpu.memory_space<hbm>> -> memref<1x8x128xi32, #tpu.memory_space<hbm>>
      %dma_wait3A_1107 = tpu.memref_squeeze %dma_wait3A_1106 : memref<1x8x128xi32, #tpu.memory_space<hbm>> -> memref<8x128xi32, #tpu.memory_space<hbm>>
      %dma_wait3A_1108 = arith.constant 0 : i32
      %dma_wait3A_1109 = arith.constant 0 : i32
      %dma_wait3A_1110 = tpu.memref_slice %arg8[%dma_wait3A_1100, %dma_wait3A_1108, %dma_wait3A_1109] : memref<2x8x128xi32, #tpu.memory_space<vmem>> -> memref<1x8x128xi32, #tpu.memory_space<vmem>>
      %dma_wait3A_1111 = tpu.memref_squeeze %dma_wait3A_1110 : memref<1x8x128xi32, #tpu.memory_space<vmem>> -> memref<8x128xi32, #tpu.memory_space<vmem>>
      %dma_wait3A_1112 = arith.constant 0 : i32
      %dma_wait3A_1113 = tpu.memref_slice %arg3[%dma_wait3A_1099, %mul3A_1098, %dma_wait3A_1112] : memref<2x2568x128xi32, #tpu.memory_space<hbm>> -> memref<1x8x128xi32, #tpu.memory_space<hbm>>
      %dma_wait3A_1114 = tpu.memref_squeeze %dma_wait3A_1113 : memref<1x8x128xi32, #tpu.memory_space<hbm>> -> memref<8x128xi32, #tpu.memory_space<hbm>>
      tpu.wait_dma2 semaphore(%arg15 : memref<!tpu.dma_semaphore, #tpu.memory_space<semaphore_mem>>) src(%dma_wait3A_1114 : memref<8x128xi32, #tpu.memory_space<hbm>>) dst(%dma_wait3A_1111 : memref<8x128xi32, #tpu.memory_space<vmem>>)
      %dma_start3A_1115 = arith.constant 0 : i32
      %dma_start3A_1116 = arith.constant 0 : i32
      %dma_start3A_1117 = arith.constant 0 : i32
      %dma_start3A_1118 = arith.constant 0 : i32
      %dma_start3A_1119 = arith.constant 0 : i32
      %dma_start3A_1120 = tpu.memref_slice %arg9[%dma_start3A_1117, %dma_start3A_1118, %dma_start3A_1119] : memref<2x128x128xf32, #tpu.memory_space<vmem>> -> memref<1x128x128xf32, #tpu.memory_space<vmem>>
      %dma_start3A_1121 = tpu.memref_squeeze %dma_start3A_1120 : memref<1x128x128xf32, #tpu.memory_space<vmem>> -> memref<128x128xf32, #tpu.memory_space<vmem>>
      %dma_start3A_1122 = arith.constant 0 : i32
      %dma_start3A_1123 = tpu.memref_slice %arg7[%dma_start3A_1115, %dma_start3A_1116, %dma_start3A_1122] : memref<2x8x128xi32, #tpu.memory_space<vmem>> -> memref<1x1x128xi32, #tpu.memory_space<vmem>>
      %dma_start3A_1124 = tpu.memref_squeeze %dma_start3A_1123 : memref<1x1x128xi32, #tpu.memory_space<vmem>> -> memref<128xi32, #tpu.memory_space<vmem>>
      %dma_start3A_1125 = arith.constant 0 : i32
      %dma_start3A_1126 = arith.constant 0 : i32
      %dma_start3A_1127 = tpu.memref_slice %arg2[%dma_start3A_1125, %dma_start3A_1126] : memref<10000x128xf32, #tpu.memory_space<hbm>> -> memref<10000x128xf32, #tpu.memory_space<hbm>>
      tpu.enqueue_indirect_dma source(%dma_start3A_1127 : memref<10000x128xf32, #tpu.memory_space<hbm>>) target(%dma_start3A_1121 : memref<128x128xf32, #tpu.memory_space<vmem>>) offsets(%dma_start3A_1124 : memref<128xi32, #tpu.memory_space<vmem>>) semaphore(%arg10 : memref<!tpu.dma_semaphore, #tpu.memory_space<semaphore_mem>>)
    }
    %scan3A_35 = arith.constant 5 : i32
    %dma_wait3A_36 = arith.constant 1 : i32
    %dma_wait3A_37 = arith.constant 1 : i32
    %dma_wait3A_38 = arith.constant 7 : i32
    %dma_wait3A_39 = arith.constant 0 : i32
    %dma_wait3A_40 = arith.constant 0 : i32
    %dma_wait3A_41 = tpu.memref_slice %arg9[%dma_wait3A_36, %dma_wait3A_39, %dma_wait3A_40] : memref<2x128x128xf32, #tpu.memory_space<vmem>> -> memref<1x128x128xf32, #tpu.memory_space<vmem>>
    %dma_wait3A_42 = tpu.memref_squeeze %dma_wait3A_41 : memref<1x128x128xf32, #tpu.memory_space<vmem>> -> memref<128x128xf32, #tpu.memory_space<vmem>>
    %dma_wait3A_43 = arith.constant 0 : i32
    %dma_wait3A_44 = tpu.memref_slice %arg8[%dma_wait3A_37, %dma_wait3A_38, %dma_wait3A_43] : memref<2x8x128xi32, #tpu.memory_space<vmem>> -> memref<1x1x128xi32, #tpu.memory_space<vmem>>
    %dma_wait3A_45 = tpu.memref_squeeze %dma_wait3A_44 : memref<1x1x128xi32, #tpu.memory_space<vmem>> -> memref<128xi32, #tpu.memory_space<vmem>>
    %dma_wait3A_46 = arith.constant 0 : i32
    %dma_wait3A_47 = arith.constant 0 : i32
    %dma_wait3A_48 = tpu.memref_slice %arg16[%dma_wait3A_46, %dma_wait3A_47] : memref<10240x128xf32, #tpu.memory_space<vmem_shared>> -> memref<10240x128xf32, #tpu.memory_space<vmem_shared>>
    tpu.wait_indirect_dma semaphore(%arg13 : memref<!tpu.dma_semaphore, #tpu.memory_space<semaphore_mem>>) src(%dma_wait3A_42 : memref<128x128xf32, #tpu.memory_space<vmem>>) dst(%dma_wait3A_48 : memref<10240x128xf32, #tpu.memory_space<vmem_shared>>)
    %dma_wait3A_49 = arith.constant 0 : i32
    %dma_wait3A_50 = arith.constant 0 : i32
    %dma_wait3A_51 = arith.constant 0 : i32
    %dma_wait3A_52 = arith.constant 0 : i32
    %dma_wait3A_53 = arith.constant 0 : i32
    %dma_wait3A_54 = tpu.memref_slice %arg9[%dma_wait3A_51, %dma_wait3A_52, %dma_wait3A_53] : memref<2x128x128xf32, #tpu.memory_space<vmem>> -> memref<1x128x128xf32, #tpu.memory_space<vmem>>
    %dma_wait3A_55 = tpu.memref_squeeze %dma_wait3A_54 : memref<1x128x128xf32, #tpu.memory_space<vmem>> -> memref<128x128xf32, #tpu.memory_space<vmem>>
    %dma_wait3A_56 = arith.constant 0 : i32
    %dma_wait3A_57 = tpu.memref_slice %arg7[%dma_wait3A_49, %dma_wait3A_50, %dma_wait3A_56] : memref<2x8x128xi32, #tpu.memory_space<vmem>> -> memref<1x1x128xi32, #tpu.memory_space<vmem>>
    %dma_wait3A_58 = tpu.memref_squeeze %dma_wait3A_57 : memref<1x1x128xi32, #tpu.memory_space<vmem>> -> memref<128xi32, #tpu.memory_space<vmem>>
    %dma_wait3A_59 = arith.constant 0 : i32
    %dma_wait3A_60 = arith.constant 0 : i32
    %dma_wait3A_61 = tpu.memref_slice %arg2[%dma_wait3A_59, %dma_wait3A_60] : memref<10000x128xf32, #tpu.memory_space<hbm>> -> memref<10000x128xf32, #tpu.memory_space<hbm>>
    tpu.wait_indirect_dma semaphore(%arg10 : memref<!tpu.dma_semaphore, #tpu.memory_space<semaphore_mem>>) src(%dma_wait3A_61 : memref<10000x128xf32, #tpu.memory_space<hbm>>) dst(%dma_wait3A_55 : memref<128x128xf32, #tpu.memory_space<vmem>>)
    %barrier3A_62 = arith.constant 0 : index
    tpu.barrier barrier_id(%barrier3A_62)
    %mul3A_63 = arith.constant 640 : i32
    %mul3A_64 = arith.muli %arg1, %mul3A_63 : i32
    %eq3A = arith.constant 0 : i32
    %eq3A_65 = arith.cmpi eq, %arg0, %eq3A : i32
    %convert_element_type3A = arith.extui %eq3A_65 : i1 to i32
    %cond3A = arith.constant 0 : i32
    %cond3A_66 = arith.cmpi ne, %convert_element_type3A, %cond3A : i32
    scf.if %cond3A_66 {
      "tpu.region"() ({
        %run_scoped3A_72 = tpu.sem_alloc : memref<!tpu.dma_semaphore, #tpu.memory_space<semaphore_mem>>
        %dma_start3A_73 = arith.constant 0 : i32
        %dma_start3A_74 = tpu.memref_slice %arg5[%mul3A_64, %dma_start3A_73] : memref<10240x128xf32, #tpu.memory_space<hbm>> -> memref<640x128xf32, #tpu.memory_space<hbm>>
        %dma_start3A_75 = arith.constant 0 : i32
        %dma_start3A_76 = tpu.memref_slice %arg16[%mul3A_64, %dma_start3A_75] : memref<10240x128xf32, #tpu.memory_space<vmem_shared>> -> memref<640x128xf32, #tpu.memory_space<vmem_shared>>
        tpu.enqueue_dma source(%dma_start3A_76 : memref<640x128xf32, #tpu.memory_space<vmem_shared>>) target(%dma_start3A_74 : memref<640x128xf32, #tpu.memory_space<hbm>>) target_semaphore(%run_scoped3A_72 : memref<!tpu.dma_semaphore, #tpu.memory_space<semaphore_mem>>)
        %dma_wait3A_77 = arith.constant 0 : i32
        %dma_wait3A_78 = tpu.memref_slice %arg5[%mul3A_64, %dma_wait3A_77] : memref<10240x128xf32, #tpu.memory_space<hbm>> -> memref<640x128xf32, #tpu.memory_space<hbm>>
        %dma_wait3A_79 = arith.constant 0 : i32
        %dma_wait3A_80 = tpu.memref_slice %arg16[%mul3A_64, %dma_wait3A_79] : memref<10240x128xf32, #tpu.memory_space<vmem_shared>> -> memref<640x128xf32, #tpu.memory_space<vmem_shared>>
        tpu.wait_dma2 semaphore(%run_scoped3A_72 : memref<!tpu.dma_semaphore, #tpu.memory_space<semaphore_mem>>) src(%dma_wait3A_80 : memref<640x128xf32, #tpu.memory_space<vmem_shared>>) dst(%dma_wait3A_78 : memref<640x128xf32, #tpu.memory_space<hbm>>)
        tpu.yield
      }) : () -> ()
    } else {
    }
    %eq3A_67 = arith.constant 1 : i32
    %eq3A_68 = arith.cmpi eq, %arg0, %eq3A_67 : i32
    %convert_element_type3A_69 = arith.extui %eq3A_68 : i1 to i32
    %cond3A_70 = arith.constant 0 : i32
    %cond3A_71 = arith.cmpi ne, %convert_element_type3A_69, %cond3A_70 : i32
    scf.if %cond3A_71 {
      "tpu.region"() ({
        %run_scoped3A_72 = tpu.sem_alloc : memref<!tpu.dma_semaphore, #tpu.memory_space<semaphore_mem>>
        %dma_start3A_73 = arith.constant 0 : i32
        %dma_start3A_74 = tpu.memref_slice %arg6[%mul3A_64, %dma_start3A_73] : memref<10240x128xf32, #tpu.memory_space<hbm>> -> memref<640x128xf32, #tpu.memory_space<hbm>>
        %dma_start3A_75 = arith.constant 0 : i32
        %dma_start3A_76 = tpu.memref_slice %arg16[%mul3A_64, %dma_start3A_75] : memref<10240x128xf32, #tpu.memory_space<vmem_shared>> -> memref<640x128xf32, #tpu.memory_space<vmem_shared>>
        tpu.enqueue_dma source(%dma_start3A_76 : memref<640x128xf32, #tpu.memory_space<vmem_shared>>) target(%dma_start3A_74 : memref<640x128xf32, #tpu.memory_space<hbm>>) target_semaphore(%run_scoped3A_72 : memref<!tpu.dma_semaphore, #tpu.memory_space<semaphore_mem>>)
        %dma_wait3A_77 = arith.constant 0 : i32
        %dma_wait3A_78 = tpu.memref_slice %arg6[%mul3A_64, %dma_wait3A_77] : memref<10240x128xf32, #tpu.memory_space<hbm>> -> memref<640x128xf32, #tpu.memory_space<hbm>>
        %dma_wait3A_79 = arith.constant 0 : i32
        %dma_wait3A_80 = tpu.memref_slice %arg16[%mul3A_64, %dma_wait3A_79] : memref<10240x128xf32, #tpu.memory_space<vmem_shared>> -> memref<640x128xf32, #tpu.memory_space<vmem_shared>>
        tpu.wait_dma2 semaphore(%run_scoped3A_72 : memref<!tpu.dma_semaphore, #tpu.memory_space<semaphore_mem>>) src(%dma_wait3A_80 : memref<640x128xf32, #tpu.memory_space<vmem_shared>>) dst(%dma_wait3A_78 : memref<640x128xf32, #tpu.memory_space<hbm>>)
        tpu.yield
      }) : () -> ()
    } else {
    }
    return
  }
}

#map = affine_map<(d0, d1) -> (0, 0, 0)>
#map1 = affine_map<(d0, d1) -> (0)>
module attributes {stable_mosaic.version = 14 : i64} {
  func.func @_deg(%arg0: i32, %arg1: i32, %arg2: memref<2x2568x128xi32, #tpu.memory_space<hbm>>, %arg3: memref<20480xf32, #tpu.memory_space<hbm>>, %arg4: memref<2x8x128xi32, #tpu.memory_space<vmem>>, %arg5: memref<128xf32, #tpu.memory_space<vmem>>, %arg6: memref<640xf32, #tpu.memory_space<vmem>>, %arg7: memref<!tpu.dma_semaphore, #tpu.memory_space<semaphore_mem>>, %arg8: memref<!tpu.dma_semaphore, #tpu.memory_space<semaphore_mem>>, %arg9: memref<10240xf32, #tpu.memory_space<vmem_shared>>) attributes {dimension_semantics = [#tpu.dimension_semantics<core_parallel>, #tpu.dimension_semantics<subcore_parallel>], iteration_bounds = array<i64: 2, 16>, scalar_prefetch = 0 : i64, scratch_operands = 6 : i64, tpu.core_type = #tpu.core_type<sc_vector_subcore>, window_params = [{transform_indices = #map}, {transform_indices = #map1}]} {
    %mul3A = arith.constant 2 : i32
    %mul3A_0 = arith.muli %arg1, %mul3A : i32
    %add3A = arith.addi %mul3A_0, %arg0 : i32
    %broadcast_in_dim3A = arith.constant 1.000000e+00 : f32
    %broadcast_in_dim3A_1 = vector.broadcast %broadcast_in_dim3A : f32 to vector<16xf32>
    %swap3A = arith.constant 0 : index
    %swap3A_2 = tpu.vector_load %arg5[%swap3A] {strides = array<i32>} : memref<128xf32, #tpu.memory_space<vmem>>, vector<16xf32>,
    %swap3A_3 = vector.shape_cast %swap3A_2 : vector<16xf32> to vector<16xf32>
    %swap3A_4 = vector.shape_cast %broadcast_in_dim3A_1 : vector<16xf32> to vector<16xf32>
    tpu.vector_store %arg5[%swap3A], %swap3A_4 {strides = array<i32>} : memref<128xf32, #tpu.memory_space<vmem>>, vector<16xf32>,
    %broadcast_in_dim3A_5 = arith.constant 1.000000e+00 : f32
    %broadcast_in_dim3A_6 = vector.broadcast %broadcast_in_dim3A_5 : f32 to vector<16xf32>
    %swap3A_7 = arith.constant 16 : index
    %swap3A_8 = tpu.vector_load %arg5[%swap3A_7] {strides = array<i32>} : memref<128xf32, #tpu.memory_space<vmem>>, vector<16xf32>,
    %swap3A_9 = vector.shape_cast %swap3A_8 : vector<16xf32> to vector<16xf32>
    %swap3A_10 = vector.shape_cast %broadcast_in_dim3A_6 : vector<16xf32> to vector<16xf32>
    tpu.vector_store %arg5[%swap3A_7], %swap3A_10 {strides = array<i32>} : memref<128xf32, #tpu.memory_space<vmem>>, vector<16xf32>,
    %broadcast_in_dim3A_11 = arith.constant 1.000000e+00 : f32
    %broadcast_in_dim3A_12 = vector.broadcast %broadcast_in_dim3A_11 : f32 to vector<16xf32>
    %swap3A_13 = arith.constant 32 : index
    %swap3A_14 = tpu.vector_load %arg5[%swap3A_13] {strides = array<i32>} : memref<128xf32, #tpu.memory_space<vmem>>, vector<16xf32>,
    %swap3A_15 = vector.shape_cast %swap3A_14 : vector<16xf32> to vector<16xf32>
    %swap3A_16 = vector.shape_cast %broadcast_in_dim3A_12 : vector<16xf32> to vector<16xf32>
    tpu.vector_store %arg5[%swap3A_13], %swap3A_16 {strides = array<i32>} : memref<128xf32, #tpu.memory_space<vmem>>, vector<16xf32>,
    %broadcast_in_dim3A_17 = arith.constant 1.000000e+00 : f32
    %broadcast_in_dim3A_18 = vector.broadcast %broadcast_in_dim3A_17 : f32 to vector<16xf32>
    %swap3A_19 = arith.constant 48 : index
    %swap3A_20 = tpu.vector_load %arg5[%swap3A_19] {strides = array<i32>} : memref<128xf32, #tpu.memory_space<vmem>>, vector<16xf32>,
    %swap3A_21 = vector.shape_cast %swap3A_20 : vector<16xf32> to vector<16xf32>
    %swap3A_22 = vector.shape_cast %broadcast_in_dim3A_18 : vector<16xf32> to vector<16xf32>
    tpu.vector_store %arg5[%swap3A_19], %swap3A_22 {strides = array<i32>} : memref<128xf32, #tpu.memory_space<vmem>>, vector<16xf32>,
    %broadcast_in_dim3A_23 = arith.constant 1.000000e+00 : f32
    %broadcast_in_dim3A_24 = vector.broadcast %broadcast_in_dim3A_23 : f32 to vector<16xf32>
    %swap3A_25 = arith.constant 64 : index
    %swap3A_26 = tpu.vector_load %arg5[%swap3A_25] {strides = array<i32>} : memref<128xf32, #tpu.memory_space<vmem>>, vector<16xf32>,
    %swap3A_27 = vector.shape_cast %swap3A_26 : vector<16xf32> to vector<16xf32>
    %swap3A_28 = vector.shape_cast %broadcast_in_dim3A_24 : vector<16xf32> to vector<16xf32>
    tpu.vector_store %arg5[%swap3A_25], %swap3A_28 {strides = array<i32>} : memref<128xf32, #tpu.memory_space<vmem>>, vector<16xf32>,
    %broadcast_in_dim3A_29 = arith.constant 1.000000e+00 : f32
    %broadcast_in_dim3A_30 = vector.broadcast %broadcast_in_dim3A_29 : f32 to vector<16xf32>
    %swap3A_31 = arith.constant 80 : index
    %swap3A_32 = tpu.vector_load %arg5[%swap3A_31] {strides = array<i32>} : memref<128xf32, #tpu.memory_space<vmem>>, vector<16xf32>,
    %swap3A_33 = vector.shape_cast %swap3A_32 : vector<16xf32> to vector<16xf32>
    %swap3A_34 = vector.shape_cast %broadcast_in_dim3A_30 : vector<16xf32> to vector<16xf32>
    tpu.vector_store %arg5[%swap3A_31], %swap3A_34 {strides = array<i32>} : memref<128xf32, #tpu.memory_space<vmem>>, vector<16xf32>,
    %broadcast_in_dim3A_35 = arith.constant 1.000000e+00 : f32
    %broadcast_in_dim3A_36 = vector.broadcast %broadcast_in_dim3A_35 : f32 to vector<16xf32>
    %swap3A_37 = arith.constant 96 : index
    %swap3A_38 = tpu.vector_load %arg5[%swap3A_37] {strides = array<i32>} : memref<128xf32, #tpu.memory_space<vmem>>, vector<16xf32>,
    %swap3A_39 = vector.shape_cast %swap3A_38 : vector<16xf32> to vector<16xf32>
    %swap3A_40 = vector.shape_cast %broadcast_in_dim3A_36 : vector<16xf32> to vector<16xf32>
    tpu.vector_store %arg5[%swap3A_37], %swap3A_40 {strides = array<i32>} : memref<128xf32, #tpu.memory_space<vmem>>, vector<16xf32>,
    %broadcast_in_dim3A_41 = arith.constant 1.000000e+00 : f32
    %broadcast_in_dim3A_42 = vector.broadcast %broadcast_in_dim3A_41 : f32 to vector<16xf32>
    %swap3A_43 = arith.constant 112 : index
    %swap3A_44 = tpu.vector_load %arg5[%swap3A_43] {strides = array<i32>} : memref<128xf32, #tpu.memory_space<vmem>>, vector<16xf32>,
    %swap3A_45 = vector.shape_cast %swap3A_44 : vector<16xf32> to vector<16xf32>
    %swap3A_46 = vector.shape_cast %broadcast_in_dim3A_42 : vector<16xf32> to vector<16xf32>
    tpu.vector_store %arg5[%swap3A_43], %swap3A_46 {strides = array<i32>} : memref<128xf32, #tpu.memory_space<vmem>>, vector<16xf32>,
    %scan3A = arith.constant 0 : i32
    %scan3A_47 = arith.constant 0 : i32
    %scan3A_48 = arith.constant 40 : i32
    %scan3A_49 = arith.addi %scan3A_47, %scan3A_48 : i32
    %scan3A_50 = arith.constant 1 : i32
    scf.for %scan3A_128 = %scan3A_47 to %scan3A_49 step %scan3A_50  : i32 {
      %broadcast_in_dim3A_129 = arith.constant 0.000000e+00 : f32
      %broadcast_in_dim3A_130 = vector.broadcast %broadcast_in_dim3A_129 : f32 to vector<16xf32>
      %mul3A_131 = arith.constant 16 : i32
      %mul3A_132 = arith.muli %scan3A_128, %mul3A_131 : i32
      %multiple_of3A_133 = tpu.assume_multiple %mul3A_132, 16 : i32
      %swap3A_134 = arith.index_cast %multiple_of3A_133 : i32 to index
      %swap3A_135 = tpu.vector_load %arg6[%swap3A_134] {strides = array<i32>} : memref<640xf32, #tpu.memory_space<vmem>>, vector<16xf32>,
      %swap3A_136 = vector.shape_cast %swap3A_135 : vector<16xf32> to vector<16xf32>
      %swap3A_137 = vector.shape_cast %broadcast_in_dim3A_130 : vector<16xf32> to vector<16xf32>
      tpu.vector_store %arg6[%swap3A_134], %swap3A_137 {strides = array<i32>} : memref<640xf32, #tpu.memory_space<vmem>>, vector<16xf32>,
    }
    %scan3A_51 = arith.constant 40 : i32
    %mul3A_52 = arith.constant 640 : i32
    %mul3A_53 = arith.muli %arg1, %mul3A_52 : i32
    "tpu.region"() ({
      %run_scoped3A_128 = tpu.sem_alloc : memref<!tpu.dma_semaphore, #tpu.memory_space<semaphore_mem>>
      %dma_start3A_129 = tpu.memref_slice %arg9[%mul3A_53] : memref<10240xf32, #tpu.memory_space<vmem_shared>> -> memref<640xf32, #tpu.memory_space<vmem_shared>>
      %dma_start3A_130 = tpu.memref_slice %arg9[%mul3A_53] : memref<10240xf32, #tpu.memory_space<vmem_shared>> -> memref<640xf32, #tpu.memory_space<vmem_shared>>
      tpu.enqueue_dma source(%arg6 : memref<640xf32, #tpu.memory_space<vmem>>) target(%dma_start3A_130 : memref<640xf32, #tpu.memory_space<vmem_shared>>) target_semaphore(%run_scoped3A_128 : memref<!tpu.dma_semaphore, #tpu.memory_space<semaphore_mem>>)
      %dma_wait3A = tpu.memref_slice %arg9[%mul3A_53] : memref<10240xf32, #tpu.memory_space<vmem_shared>> -> memref<640xf32, #tpu.memory_space<vmem_shared>>
      %dma_wait3A_131 = tpu.memref_slice %arg9[%mul3A_53] : memref<10240xf32, #tpu.memory_space<vmem_shared>> -> memref<640xf32, #tpu.memory_space<vmem_shared>>
      tpu.wait_dma2 semaphore(%run_scoped3A_128 : memref<!tpu.dma_semaphore, #tpu.memory_space<semaphore_mem>>) src(%arg6 : memref<640xf32, #tpu.memory_space<vmem>>) dst(%dma_wait3A_131 : memref<640xf32, #tpu.memory_space<vmem_shared>>)
      tpu.yield
    }) : () -> ()
    %barrier3A = arith.constant 0 : index
    tpu.barrier barrier_id(%barrier3A)
    %mul3A_54 = arith.constant 10 : i32
    %mul3A_55 = arith.muli %add3A, %mul3A_54 : i32
    %mul3A_56 = arith.constant 8 : i32
    %mul3A_57 = arith.muli %mul3A_55, %mul3A_56 : i32
    %run_scoped3A = arith.constant 1 : i32
    %run_scoped3A_58 = arith.constant 0 : i32
    "tpu.region"() ({
      %run_scoped3A_128 = tpu.sem_alloc : memref<!tpu.dma_semaphore, #tpu.memory_space<semaphore_mem>>
      %dma_start3A_129 = arith.constant 0 : i32
      %dma_start3A_130 = arith.constant 0 : i32
      %dma_start3A_131 = tpu.memref_slice %arg4[%run_scoped3A_58, %dma_start3A_129, %dma_start3A_130] : memref<2x8x128xi32, #tpu.memory_space<vmem>> -> memref<1x8x128xi32, #tpu.memory_space<vmem>>
      %dma_start3A_132 = tpu.memref_squeeze %dma_start3A_131 : memref<1x8x128xi32, #tpu.memory_space<vmem>> -> memref<8x128xi32, #tpu.memory_space<vmem>>
      %dma_start3A_133 = arith.constant 0 : i32
      %dma_start3A_134 = tpu.memref_slice %arg2[%run_scoped3A, %mul3A_57, %dma_start3A_133] : memref<2x2568x128xi32, #tpu.memory_space<hbm>> -> memref<1x8x128xi32, #tpu.memory_space<hbm>>
      %dma_start3A_135 = tpu.memref_squeeze %dma_start3A_134 : memref<1x8x128xi32, #tpu.memory_space<hbm>> -> memref<8x128xi32, #tpu.memory_space<hbm>>
      %dma_start3A_136 = arith.constant 0 : i32
      %dma_start3A_137 = arith.constant 0 : i32
      %dma_start3A_138 = tpu.memref_slice %arg4[%run_scoped3A_58, %dma_start3A_136, %dma_start3A_137] : memref<2x8x128xi32, #tpu.memory_space<vmem>> -> memref<1x8x128xi32, #tpu.memory_space<vmem>>
      %dma_start3A_139 = tpu.memref_squeeze %dma_start3A_138 : memref<1x8x128xi32, #tpu.memory_space<vmem>> -> memref<8x128xi32, #tpu.memory_space<vmem>>
      %dma_start3A_140 = arith.constant 0 : i32
      %dma_start3A_141 = tpu.memref_slice %arg2[%run_scoped3A, %mul3A_57, %dma_start3A_140] : memref<2x2568x128xi32, #tpu.memory_space<hbm>> -> memref<1x8x128xi32, #tpu.memory_space<hbm>>
      %dma_start3A_142 = tpu.memref_squeeze %dma_start3A_141 : memref<1x8x128xi32, #tpu.memory_space<hbm>> -> memref<8x128xi32, #tpu.memory_space<hbm>>
      tpu.enqueue_dma source(%dma_start3A_142 : memref<8x128xi32, #tpu.memory_space<hbm>>) target(%dma_start3A_139 : memref<8x128xi32, #tpu.memory_space<vmem>>) target_semaphore(%run_scoped3A_128 : memref<!tpu.dma_semaphore, #tpu.memory_space<semaphore_mem>>)
      %dma_wait3A = arith.constant 0 : i32
      %dma_wait3A_143 = arith.constant 0 : i32
      %dma_wait3A_144 = tpu.memref_slice %arg4[%run_scoped3A_58, %dma_wait3A, %dma_wait3A_143] : memref<2x8x128xi32, #tpu.memory_space<vmem>> -> memref<1x8x128xi32, #tpu.memory_space<vmem>>
      %dma_wait3A_145 = tpu.memref_squeeze %dma_wait3A_144 : memref<1x8x128xi32, #tpu.memory_space<vmem>> -> memref<8x128xi32, #tpu.memory_space<vmem>>
      %dma_wait3A_146 = arith.constant 0 : i32
      %dma_wait3A_147 = tpu.memref_slice %arg2[%run_scoped3A, %mul3A_57, %dma_wait3A_146] : memref<2x2568x128xi32, #tpu.memory_space<hbm>> -> memref<1x8x128xi32, #tpu.memory_space<hbm>>
      %dma_wait3A_148 = tpu.memref_squeeze %dma_wait3A_147 : memref<1x8x128xi32, #tpu.memory_space<hbm>> -> memref<8x128xi32, #tpu.memory_space<hbm>>
      %dma_wait3A_149 = arith.constant 0 : i32
      %dma_wait3A_150 = arith.constant 0 : i32
      %dma_wait3A_151 = tpu.memref_slice %arg4[%run_scoped3A_58, %dma_wait3A_149, %dma_wait3A_150] : memref<2x8x128xi32, #tpu.memory_space<vmem>> -> memref<1x8x128xi32, #tpu.memory_space<vmem>>
      %dma_wait3A_152 = tpu.memref_squeeze %dma_wait3A_151 : memref<1x8x128xi32, #tpu.memory_space<vmem>> -> memref<8x128xi32, #tpu.memory_space<vmem>>
      %dma_wait3A_153 = arith.constant 0 : i32
      %dma_wait3A_154 = tpu.memref_slice %arg2[%run_scoped3A, %mul3A_57, %dma_wait3A_153] : memref<2x2568x128xi32, #tpu.memory_space<hbm>> -> memref<1x8x128xi32, #tpu.memory_space<hbm>>
      %dma_wait3A_155 = tpu.memref_squeeze %dma_wait3A_154 : memref<1x8x128xi32, #tpu.memory_space<hbm>> -> memref<8x128xi32, #tpu.memory_space<hbm>>
      tpu.wait_dma2 semaphore(%run_scoped3A_128 : memref<!tpu.dma_semaphore, #tpu.memory_space<semaphore_mem>>) src(%dma_wait3A_155 : memref<8x128xi32, #tpu.memory_space<hbm>>) dst(%dma_wait3A_152 : memref<8x128xi32, #tpu.memory_space<vmem>>)
      tpu.yield
    }) : () -> ()
    %dma_start3A = arith.constant 0 : i32
    %dma_start3A_59 = arith.constant 0 : i32
    %dma_start3A_60 = arith.constant 0 : i32
    %dma_start3A_61 = tpu.memref_slice %arg4[%dma_start3A, %dma_start3A_59, %dma_start3A_60] : memref<2x8x128xi32, #tpu.memory_space<vmem>> -> memref<1x1x128xi32, #tpu.memory_space<vmem>>
    %dma_start3A_62 = tpu.memref_squeeze %dma_start3A_61 : memref<1x1x128xi32, #tpu.memory_space<vmem>> -> memref<128xi32, #tpu.memory_space<vmem>>
    %dma_start3A_63 = arith.constant 0 : i32
    %dma_start3A_64 = tpu.memref_slice %arg9[%dma_start3A_63] : memref<10240xf32, #tpu.memory_space<vmem_shared>> -> memref<10240xf32, #tpu.memory_space<vmem_shared>>
    tpu.enqueue_indirect_dma source(%arg5 : memref<128xf32, #tpu.memory_space<vmem>>) target(%dma_start3A_64 : memref<10240xf32, #tpu.memory_space<vmem_shared>>) offsets(%dma_start3A_62 : memref<128xi32, #tpu.memory_space<vmem>>) semaphore(%arg7 : memref<!tpu.dma_semaphore, #tpu.memory_space<semaphore_mem>>) {add = true}
    %dma_start3A_65 = arith.constant 0 : i32
    %dma_start3A_66 = arith.constant 1 : i32
    %dma_start3A_67 = arith.constant 0 : i32
    %dma_start3A_68 = tpu.memref_slice %arg4[%dma_start3A_65, %dma_start3A_66, %dma_start3A_67] : memref<2x8x128xi32, #tpu.memory_space<vmem>> -> memref<1x1x128xi32, #tpu.memory_space<vmem>>
    %dma_start3A_69 = tpu.memref_squeeze %dma_start3A_68 : memref<1x1x128xi32, #tpu.memory_space<vmem>> -> memref<128xi32, #tpu.memory_space<vmem>>
    %dma_start3A_70 = arith.constant 0 : i32
    %dma_start3A_71 = tpu.memref_slice %arg9[%dma_start3A_70] : memref<10240xf32, #tpu.memory_space<vmem_shared>> -> memref<10240xf32, #tpu.memory_space<vmem_shared>>
    tpu.enqueue_indirect_dma source(%arg5 : memref<128xf32, #tpu.memory_space<vmem>>) target(%dma_start3A_71 : memref<10240xf32, #tpu.memory_space<vmem_shared>>) offsets(%dma_start3A_69 : memref<128xi32, #tpu.memory_space<vmem>>) semaphore(%arg7 : memref<!tpu.dma_semaphore, #tpu.memory_space<semaphore_mem>>) {add = true}
    %dma_start3A_72 = arith.constant 0 : i32
    %dma_start3A_73 = arith.constant 2 : i32
    %dma_start3A_74 = arith.constant 0 : i32
    %dma_start3A_75 = tpu.memref_slice %arg4[%dma_start3A_72, %dma_start3A_73, %dma_start3A_74] : memref<2x8x128xi32, #tpu.memory_space<vmem>> -> memref<1x1x128xi32, #tpu.memory_space<vmem>>
    %dma_start3A_76 = tpu.memref_squeeze %dma_start3A_75 : memref<1x1x128xi32, #tpu.memory_space<vmem>> -> memref<128xi32, #tpu.memory_space<vmem>>
    %dma_start3A_77 = arith.constant 0 : i32
    %dma_start3A_78 = tpu.memref_slice %arg9[%dma_start3A_77] : memref<10240xf32, #tpu.memory_space<vmem_shared>> -> memref<10240xf32, #tpu.memory_space<vmem_shared>>
    tpu.enqueue_indirect_dma source(%arg5 : memref<128xf32, #tpu.memory_space<vmem>>) target(%dma_start3A_78 : memref<10240xf32, #tpu.memory_space<vmem_shared>>) offsets(%dma_start3A_76 : memref<128xi32, #tpu.memory_space<vmem>>) semaphore(%arg7 : memref<!tpu.dma_semaphore, #tpu.memory_space<semaphore_mem>>) {add = true}
    %dma_start3A_79 = arith.constant 0 : i32
    %dma_start3A_80 = arith.constant 3 : i32
    %dma_start3A_81 = arith.constant 0 : i32
    %dma_start3A_82 = tpu.memref_slice %arg4[%dma_start3A_79, %dma_start3A_80, %dma_start3A_81] : memref<2x8x128xi32, #tpu.memory_space<vmem>> -> memref<1x1x128xi32, #tpu.memory_space<vmem>>
    %dma_start3A_83 = tpu.memref_squeeze %dma_start3A_82 : memref<1x1x128xi32, #tpu.memory_space<vmem>> -> memref<128xi32, #tpu.memory_space<vmem>>
    %dma_start3A_84 = arith.constant 0 : i32
    %dma_start3A_85 = tpu.memref_slice %arg9[%dma_start3A_84] : memref<10240xf32, #tpu.memory_space<vmem_shared>> -> memref<10240xf32, #tpu.memory_space<vmem_shared>>
    tpu.enqueue_indirect_dma source(%arg5 : memref<128xf32, #tpu.memory_space<vmem>>) target(%dma_start3A_85 : memref<10240xf32, #tpu.memory_space<vmem_shared>>) offsets(%dma_start3A_83 : memref<128xi32, #tpu.memory_space<vmem>>) semaphore(%arg7 : memref<!tpu.dma_semaphore, #tpu.memory_space<semaphore_mem>>) {add = true}
    %dma_start3A_86 = arith.constant 0 : i32
    %dma_start3A_87 = arith.constant 4 : i32
    %dma_start3A_88 = arith.constant 0 : i32
    %dma_start3A_89 = tpu.memref_slice %arg4[%dma_start3A_86, %dma_start3A_87, %dma_start3A_88] : memref<2x8x128xi32, #tpu.memory_space<vmem>> -> memref<1x1x128xi32, #tpu.memory_space<vmem>>
    %dma_start3A_90 = tpu.memref_squeeze %dma_start3A_89 : memref<1x1x128xi32, #tpu.memory_space<vmem>> -> memref<128xi32, #tpu.memory_space<vmem>>
    %dma_start3A_91 = arith.constant 0 : i32
    %dma_start3A_92 = tpu.memref_slice %arg9[%dma_start3A_91] : memref<10240xf32, #tpu.memory_space<vmem_shared>> -> memref<10240xf32, #tpu.memory_space<vmem_shared>>
    tpu.enqueue_indirect_dma source(%arg5 : memref<128xf32, #tpu.memory_space<vmem>>) target(%dma_start3A_92 : memref<10240xf32, #tpu.memory_space<vmem_shared>>) offsets(%dma_start3A_90 : memref<128xi32, #tpu.memory_space<vmem>>) semaphore(%arg7 : memref<!tpu.dma_semaphore, #tpu.memory_space<semaphore_mem>>) {add = true}
    %dma_start3A_93 = arith.constant 0 : i32
    %dma_start3A_94 = arith.constant 5 : i32
    %dma_start3A_95 = arith.constant 0 : i32
    %dma_start3A_96 = tpu.memref_slice %arg4[%dma_start3A_93, %dma_start3A_94, %dma_start3A_95] : memref<2x8x128xi32, #tpu.memory_space<vmem>> -> memref<1x1x128xi32, #tpu.memory_space<vmem>>
    %dma_start3A_97 = tpu.memref_squeeze %dma_start3A_96 : memref<1x1x128xi32, #tpu.memory_space<vmem>> -> memref<128xi32, #tpu.memory_space<vmem>>
    %dma_start3A_98 = arith.constant 0 : i32
    %dma_start3A_99 = tpu.memref_slice %arg9[%dma_start3A_98] : memref<10240xf32, #tpu.memory_space<vmem_shared>> -> memref<10240xf32, #tpu.memory_space<vmem_shared>>
    tpu.enqueue_indirect_dma source(%arg5 : memref<128xf32, #tpu.memory_space<vmem>>) target(%dma_start3A_99 : memref<10240xf32, #tpu.memory_space<vmem_shared>>) offsets(%dma_start3A_97 : memref<128xi32, #tpu.memory_space<vmem>>) semaphore(%arg7 : memref<!tpu.dma_semaphore, #tpu.memory_space<semaphore_mem>>) {add = true}
    %dma_start3A_100 = arith.constant 0 : i32
    %dma_start3A_101 = arith.constant 6 : i32
    %dma_start3A_102 = arith.constant 0 : i32
    %dma_start3A_103 = tpu.memref_slice %arg4[%dma_start3A_100, %dma_start3A_101, %dma_start3A_102] : memref<2x8x128xi32, #tpu.memory_space<vmem>> -> memref<1x1x128xi32, #tpu.memory_space<vmem>>
    %dma_start3A_104 = tpu.memref_squeeze %dma_start3A_103 : memref<1x1x128xi32, #tpu.memory_space<vmem>> -> memref<128xi32, #tpu.memory_space<vmem>>
    %dma_start3A_105 = arith.constant 0 : i32
    %dma_start3A_106 = tpu.memref_slice %arg9[%dma_start3A_105] : memref<10240xf32, #tpu.memory_space<vmem_shared>> -> memref<10240xf32, #tpu.memory_space<vmem_shared>>
    tpu.enqueue_indirect_dma source(%arg5 : memref<128xf32, #tpu.memory_space<vmem>>) target(%dma_start3A_106 : memref<10240xf32, #tpu.memory_space<vmem_shared>>) offsets(%dma_start3A_104 : memref<128xi32, #tpu.memory_space<vmem>>) semaphore(%arg7 : memref<!tpu.dma_semaphore, #tpu.memory_space<semaphore_mem>>) {add = true}
    %dma_start3A_107 = arith.constant 0 : i32
    %dma_start3A_108 = arith.constant 7 : i32
    %dma_start3A_109 = arith.constant 0 : i32
    %dma_start3A_110 = tpu.memref_slice %arg4[%dma_start3A_107, %dma_start3A_108, %dma_start3A_109] : memref<2x8x128xi32, #tpu.memory_space<vmem>> -> memref<1x1x128xi32, #tpu.memory_space<vmem>>
    %dma_start3A_111 = tpu.memref_squeeze %dma_start3A_110 : memref<1x1x128xi32, #tpu.memory_space<vmem>> -> memref<128xi32, #tpu.memory_space<vmem>>
    %dma_start3A_112 = arith.constant 0 : i32
    %dma_start3A_113 = tpu.memref_slice %arg9[%dma_start3A_112] : memref<10240xf32, #tpu.memory_space<vmem_shared>> -> memref<10240xf32, #tpu.memory_space<vmem_shared>>
    tpu.enqueue_indirect_dma source(%arg5 : memref<128xf32, #tpu.memory_space<vmem>>) target(%dma_start3A_113 : memref<10240xf32, #tpu.memory_space<vmem_shared>>) offsets(%dma_start3A_111 : memref<128xi32, #tpu.memory_space<vmem>>) semaphore(%arg7 : memref<!tpu.dma_semaphore, #tpu.memory_space<semaphore_mem>>) {add = true}
    %scan3A_114 = arith.constant 0 : i32
    %scan3A_115 = arith.constant 0 : i32
    %scan3A_116 = arith.constant 5 : i32
    %scan3A_117 = arith.addi %scan3A_115, %scan3A_116 : i32
    %scan3A_118 = arith.constant 1 : i32
    scf.for %scan3A_128 = %scan3A_115 to %scan3A_117 step %scan3A_118  : i32 {
      %mul3A_129 = arith.constant 2 : i32
      %mul3A_130 = arith.muli %scan3A_128, %mul3A_129 : i32
      %add3A_131 = arith.constant 0 : i32
      %add3A_132 = arith.addi %mul3A_130, %add3A_131 : i32
      %add3A_133 = arith.addi %mul3A_55, %add3A_132 : i32
      %add3A_134 = arith.constant 1 : i32
      %add3A_135 = arith.addi %add3A_133, %add3A_134 : i32
      %mul3A_136 = arith.constant 8 : i32
      %mul3A_137 = arith.muli %add3A_135, %mul3A_136 : i32
      %run_scoped3A_138 = arith.constant 1 : i32
      %run_scoped3A_139 = arith.constant 1 : i32
      "tpu.region"() ({
        %run_scoped3A_320 = tpu.sem_alloc : memref<!tpu.dma_semaphore, #tpu.memory_space<semaphore_mem>>
        %dma_start3A_321 = arith.constant 0 : i32
        %dma_start3A_322 = arith.constant 0 : i32
        %dma_start3A_323 = tpu.memref_slice %arg4[%run_scoped3A_139, %dma_start3A_321, %dma_start3A_322] : memref<2x8x128xi32, #tpu.memory_space<vmem>> -> memref<1x8x128xi32, #tpu.memory_space<vmem>>
        %dma_start3A_324 = tpu.memref_squeeze %dma_start3A_323 : memref<1x8x128xi32, #tpu.memory_space<vmem>> -> memref<8x128xi32, #tpu.memory_space<vmem>>
        %dma_start3A_325 = arith.constant 0 : i32
        %dma_start3A_326 = tpu.memref_slice %arg2[%run_scoped3A_138, %mul3A_137, %dma_start3A_325] : memref<2x2568x128xi32, #tpu.memory_space<hbm>> -> memref<1x8x128xi32, #tpu.memory_space<hbm>>
        %dma_start3A_327 = tpu.memref_squeeze %dma_start3A_326 : memref<1x8x128xi32, #tpu.memory_space<hbm>> -> memref<8x128xi32, #tpu.memory_space<hbm>>
        %dma_start3A_328 = arith.constant 0 : i32
        %dma_start3A_329 = arith.constant 0 : i32
        %dma_start3A_330 = tpu.memref_slice %arg4[%run_scoped3A_139, %dma_start3A_328, %dma_start3A_329] : memref<2x8x128xi32, #tpu.memory_space<vmem>> -> memref<1x8x128xi32, #tpu.memory_space<vmem>>
        %dma_start3A_331 = tpu.memref_squeeze %dma_start3A_330 : memref<1x8x128xi32, #tpu.memory_space<vmem>> -> memref<8x128xi32, #tpu.memory_space<vmem>>
        %dma_start3A_332 = arith.constant 0 : i32
        %dma_start3A_333 = tpu.memref_slice %arg2[%run_scoped3A_138, %mul3A_137, %dma_start3A_332] : memref<2x2568x128xi32, #tpu.memory_space<hbm>> -> memref<1x8x128xi32, #tpu.memory_space<hbm>>
        %dma_start3A_334 = tpu.memref_squeeze %dma_start3A_333 : memref<1x8x128xi32, #tpu.memory_space<hbm>> -> memref<8x128xi32, #tpu.memory_space<hbm>>
        tpu.enqueue_dma source(%dma_start3A_334 : memref<8x128xi32, #tpu.memory_space<hbm>>) target(%dma_start3A_331 : memref<8x128xi32, #tpu.memory_space<vmem>>) target_semaphore(%run_scoped3A_320 : memref<!tpu.dma_semaphore, #tpu.memory_space<semaphore_mem>>)
        %dma_wait3A_335 = arith.constant 0 : i32
        %dma_wait3A_336 = arith.constant 0 : i32
        %dma_wait3A_337 = tpu.memref_slice %arg4[%run_scoped3A_139, %dma_wait3A_335, %dma_wait3A_336] : memref<2x8x128xi32, #tpu.memory_space<vmem>> -> memref<1x8x128xi32, #tpu.memory_space<vmem>>
        %dma_wait3A_338 = tpu.memref_squeeze %dma_wait3A_337 : memref<1x8x128xi32, #tpu.memory_space<vmem>> -> memref<8x128xi32, #tpu.memory_space<vmem>>
        %dma_wait3A_339 = arith.constant 0 : i32
        %dma_wait3A_340 = tpu.memref_slice %arg2[%run_scoped3A_138, %mul3A_137, %dma_wait3A_339] : memref<2x2568x128xi32, #tpu.memory_space<hbm>> -> memref<1x8x128xi32, #tpu.memory_space<hbm>>
        %dma_wait3A_341 = tpu.memref_squeeze %dma_wait3A_340 : memref<1x8x128xi32, #tpu.memory_space<hbm>> -> memref<8x128xi32, #tpu.memory_space<hbm>>
        %dma_wait3A_342 = arith.constant 0 : i32
        %dma_wait3A_343 = arith.constant 0 : i32
        %dma_wait3A_344 = tpu.memref_slice %arg4[%run_scoped3A_139, %dma_wait3A_342, %dma_wait3A_343] : memref<2x8x128xi32, #tpu.memory_space<vmem>> -> memref<1x8x128xi32, #tpu.memory_space<vmem>>
        %dma_wait3A_345 = tpu.memref_squeeze %dma_wait3A_344 : memref<1x8x128xi32, #tpu.memory_space<vmem>> -> memref<8x128xi32, #tpu.memory_space<vmem>>
        %dma_wait3A_346 = arith.constant 0 : i32
        %dma_wait3A_347 = tpu.memref_slice %arg2[%run_scoped3A_138, %mul3A_137, %dma_wait3A_346] : memref<2x2568x128xi32, #tpu.memory_space<hbm>> -> memref<1x8x128xi32, #tpu.memory_space<hbm>>
        %dma_wait3A_348 = tpu.memref_squeeze %dma_wait3A_347 : memref<1x8x128xi32, #tpu.memory_space<hbm>> -> memref<8x128xi32, #tpu.memory_space<hbm>>
        tpu.wait_dma2 semaphore(%run_scoped3A_320 : memref<!tpu.dma_semaphore, #tpu.memory_space<semaphore_mem>>) src(%dma_wait3A_348 : memref<8x128xi32, #tpu.memory_space<hbm>>) dst(%dma_wait3A_345 : memref<8x128xi32, #tpu.memory_space<vmem>>)
        tpu.yield
      }) : () -> ()
      %dma_start3A_140 = arith.constant 1 : i32
      %dma_start3A_141 = arith.constant 0 : i32
      %dma_start3A_142 = arith.constant 0 : i32
      %dma_start3A_143 = tpu.memref_slice %arg4[%dma_start3A_140, %dma_start3A_141, %dma_start3A_142] : memref<2x8x128xi32, #tpu.memory_space<vmem>> -> memref<1x1x128xi32, #tpu.memory_space<vmem>>
      %dma_start3A_144 = tpu.memref_squeeze %dma_start3A_143 : memref<1x1x128xi32, #tpu.memory_space<vmem>> -> memref<128xi32, #tpu.memory_space<vmem>>
      %dma_start3A_145 = arith.constant 0 : i32
      %dma_start3A_146 = tpu.memref_slice %arg9[%dma_start3A_145] : memref<10240xf32, #tpu.memory_space<vmem_shared>> -> memref<10240xf32, #tpu.memory_space<vmem_shared>>
      tpu.enqueue_indirect_dma source(%arg5 : memref<128xf32, #tpu.memory_space<vmem>>) target(%dma_start3A_146 : memref<10240xf32, #tpu.memory_space<vmem_shared>>) offsets(%dma_start3A_144 : memref<128xi32, #tpu.memory_space<vmem>>) semaphore(%arg8 : memref<!tpu.dma_semaphore, #tpu.memory_space<semaphore_mem>>) {add = true}
      %dma_start3A_147 = arith.constant 1 : i32
      %dma_start3A_148 = arith.constant 1 : i32
      %dma_start3A_149 = arith.constant 0 : i32
      %dma_start3A_150 = tpu.memref_slice %arg4[%dma_start3A_147, %dma_start3A_148, %dma_start3A_149] : memref<2x8x128xi32, #tpu.memory_space<vmem>> -> memref<1x1x128xi32, #tpu.memory_space<vmem>>
      %dma_start3A_151 = tpu.memref_squeeze %dma_start3A_150 : memref<1x1x128xi32, #tpu.memory_space<vmem>> -> memref<128xi32, #tpu.memory_space<vmem>>
      %dma_start3A_152 = arith.constant 0 : i32
      %dma_start3A_153 = tpu.memref_slice %arg9[%dma_start3A_152] : memref<10240xf32, #tpu.memory_space<vmem_shared>> -> memref<10240xf32, #tpu.memory_space<vmem_shared>>
      tpu.enqueue_indirect_dma source(%arg5 : memref<128xf32, #tpu.memory_space<vmem>>) target(%dma_start3A_153 : memref<10240xf32, #tpu.memory_space<vmem_shared>>) offsets(%dma_start3A_151 : memref<128xi32, #tpu.memory_space<vmem>>) semaphore(%arg8 : memref<!tpu.dma_semaphore, #tpu.memory_space<semaphore_mem>>) {add = true}
      %dma_start3A_154 = arith.constant 1 : i32
      %dma_start3A_155 = arith.constant 2 : i32
      %dma_start3A_156 = arith.constant 0 : i32
      %dma_start3A_157 = tpu.memref_slice %arg4[%dma_start3A_154, %dma_start3A_155, %dma_start3A_156] : memref<2x8x128xi32, #tpu.memory_space<vmem>> -> memref<1x1x128xi32, #tpu.memory_space<vmem>>
      %dma_start3A_158 = tpu.memref_squeeze %dma_start3A_157 : memref<1x1x128xi32, #tpu.memory_space<vmem>> -> memref<128xi32, #tpu.memory_space<vmem>>
      %dma_start3A_159 = arith.constant 0 : i32
      %dma_start3A_160 = tpu.memref_slice %arg9[%dma_start3A_159] : memref<10240xf32, #tpu.memory_space<vmem_shared>> -> memref<10240xf32, #tpu.memory_space<vmem_shared>>
      tpu.enqueue_indirect_dma source(%arg5 : memref<128xf32, #tpu.memory_space<vmem>>) target(%dma_start3A_160 : memref<10240xf32, #tpu.memory_space<vmem_shared>>) offsets(%dma_start3A_158 : memref<128xi32, #tpu.memory_space<vmem>>) semaphore(%arg8 : memref<!tpu.dma_semaphore, #tpu.memory_space<semaphore_mem>>) {add = true}
      %dma_start3A_161 = arith.constant 1 : i32
      %dma_start3A_162 = arith.constant 3 : i32
      %dma_start3A_163 = arith.constant 0 : i32
      %dma_start3A_164 = tpu.memref_slice %arg4[%dma_start3A_161, %dma_start3A_162, %dma_start3A_163] : memref<2x8x128xi32, #tpu.memory_space<vmem>> -> memref<1x1x128xi32, #tpu.memory_space<vmem>>
      %dma_start3A_165 = tpu.memref_squeeze %dma_start3A_164 : memref<1x1x128xi32, #tpu.memory_space<vmem>> -> memref<128xi32, #tpu.memory_space<vmem>>
      %dma_start3A_166 = arith.constant 0 : i32
      %dma_start3A_167 = tpu.memref_slice %arg9[%dma_start3A_166] : memref<10240xf32, #tpu.memory_space<vmem_shared>> -> memref<10240xf32, #tpu.memory_space<vmem_shared>>
      tpu.enqueue_indirect_dma source(%arg5 : memref<128xf32, #tpu.memory_space<vmem>>) target(%dma_start3A_167 : memref<10240xf32, #tpu.memory_space<vmem_shared>>) offsets(%dma_start3A_165 : memref<128xi32, #tpu.memory_space<vmem>>) semaphore(%arg8 : memref<!tpu.dma_semaphore, #tpu.memory_space<semaphore_mem>>) {add = true}
      %dma_start3A_168 = arith.constant 1 : i32
      %dma_start3A_169 = arith.constant 4 : i32
      %dma_start3A_170 = arith.constant 0 : i32
      %dma_start3A_171 = tpu.memref_slice %arg4[%dma_start3A_168, %dma_start3A_169, %dma_start3A_170] : memref<2x8x128xi32, #tpu.memory_space<vmem>> -> memref<1x1x128xi32, #tpu.memory_space<vmem>>
      %dma_start3A_172 = tpu.memref_squeeze %dma_start3A_171 : memref<1x1x128xi32, #tpu.memory_space<vmem>> -> memref<128xi32, #tpu.memory_space<vmem>>
      %dma_start3A_173 = arith.constant 0 : i32
      %dma_start3A_174 = tpu.memref_slice %arg9[%dma_start3A_173] : memref<10240xf32, #tpu.memory_space<vmem_shared>> -> memref<10240xf32, #tpu.memory_space<vmem_shared>>
      tpu.enqueue_indirect_dma source(%arg5 : memref<128xf32, #tpu.memory_space<vmem>>) target(%dma_start3A_174 : memref<10240xf32, #tpu.memory_space<vmem_shared>>) offsets(%dma_start3A_172 : memref<128xi32, #tpu.memory_space<vmem>>) semaphore(%arg8 : memref<!tpu.dma_semaphore, #tpu.memory_space<semaphore_mem>>) {add = true}
      %dma_start3A_175 = arith.constant 1 : i32
      %dma_start3A_176 = arith.constant 5 : i32
      %dma_start3A_177 = arith.constant 0 : i32
      %dma_start3A_178 = tpu.memref_slice %arg4[%dma_start3A_175, %dma_start3A_176, %dma_start3A_177] : memref<2x8x128xi32, #tpu.memory_space<vmem>> -> memref<1x1x128xi32, #tpu.memory_space<vmem>>
      %dma_start3A_179 = tpu.memref_squeeze %dma_start3A_178 : memref<1x1x128xi32, #tpu.memory_space<vmem>> -> memref<128xi32, #tpu.memory_space<vmem>>
      %dma_start3A_180 = arith.constant 0 : i32
      %dma_start3A_181 = tpu.memref_slice %arg9[%dma_start3A_180] : memref<10240xf32, #tpu.memory_space<vmem_shared>> -> memref<10240xf32, #tpu.memory_space<vmem_shared>>
      tpu.enqueue_indirect_dma source(%arg5 : memref<128xf32, #tpu.memory_space<vmem>>) target(%dma_start3A_181 : memref<10240xf32, #tpu.memory_space<vmem_shared>>) offsets(%dma_start3A_179 : memref<128xi32, #tpu.memory_space<vmem>>) semaphore(%arg8 : memref<!tpu.dma_semaphore, #tpu.memory_space<semaphore_mem>>) {add = true}
      %dma_start3A_182 = arith.constant 1 : i32
      %dma_start3A_183 = arith.constant 6 : i32
      %dma_start3A_184 = arith.constant 0 : i32
      %dma_start3A_185 = tpu.memref_slice %arg4[%dma_start3A_182, %dma_start3A_183, %dma_start3A_184] : memref<2x8x128xi32, #tpu.memory_space<vmem>> -> memref<1x1x128xi32, #tpu.memory_space<vmem>>
      %dma_start3A_186 = tpu.memref_squeeze %dma_start3A_185 : memref<1x1x128xi32, #tpu.memory_space<vmem>> -> memref<128xi32, #tpu.memory_space<vmem>>
      %dma_start3A_187 = arith.constant 0 : i32
      %dma_start3A_188 = tpu.memref_slice %arg9[%dma_start3A_187] : memref<10240xf32, #tpu.memory_space<vmem_shared>> -> memref<10240xf32, #tpu.memory_space<vmem_shared>>
      tpu.enqueue_indirect_dma source(%arg5 : memref<128xf32, #tpu.memory_space<vmem>>) target(%dma_start3A_188 : memref<10240xf32, #tpu.memory_space<vmem_shared>>) offsets(%dma_start3A_186 : memref<128xi32, #tpu.memory_space<vmem>>) semaphore(%arg8 : memref<!tpu.dma_semaphore, #tpu.memory_space<semaphore_mem>>) {add = true}
      %dma_start3A_189 = arith.constant 1 : i32
      %dma_start3A_190 = arith.constant 7 : i32
      %dma_start3A_191 = arith.constant 0 : i32
      %dma_start3A_192 = tpu.memref_slice %arg4[%dma_start3A_189, %dma_start3A_190, %dma_start3A_191] : memref<2x8x128xi32, #tpu.memory_space<vmem>> -> memref<1x1x128xi32, #tpu.memory_space<vmem>>
      %dma_start3A_193 = tpu.memref_squeeze %dma_start3A_192 : memref<1x1x128xi32, #tpu.memory_space<vmem>> -> memref<128xi32, #tpu.memory_space<vmem>>
      %dma_start3A_194 = arith.constant 0 : i32
      %dma_start3A_195 = tpu.memref_slice %arg9[%dma_start3A_194] : memref<10240xf32, #tpu.memory_space<vmem_shared>> -> memref<10240xf32, #tpu.memory_space<vmem_shared>>
      tpu.enqueue_indirect_dma source(%arg5 : memref<128xf32, #tpu.memory_space<vmem>>) target(%dma_start3A_195 : memref<10240xf32, #tpu.memory_space<vmem_shared>>) offsets(%dma_start3A_193 : memref<128xi32, #tpu.memory_space<vmem>>) semaphore(%arg8 : memref<!tpu.dma_semaphore, #tpu.memory_space<semaphore_mem>>) {add = true}
      %dma_wait3A = arith.constant 0 : i32
      %dma_wait3A_196 = arith.constant 0 : i32
      %dma_wait3A_197 = arith.constant 0 : i32
      %dma_wait3A_198 = tpu.memref_slice %arg4[%dma_wait3A, %dma_wait3A_196, %dma_wait3A_197] : memref<2x8x128xi32, #tpu.memory_space<vmem>> -> memref<1x1x128xi32, #tpu.memory_space<vmem>>
      %dma_wait3A_199 = tpu.memref_squeeze %dma_wait3A_198 : memref<1x1x128xi32, #tpu.memory_space<vmem>> -> memref<128xi32, #tpu.memory_space<vmem>>
      %dma_wait3A_200 = arith.constant 0 : i32
      %dma_wait3A_201 = tpu.memref_slice %arg9[%dma_wait3A_200] : memref<10240xf32, #tpu.memory_space<vmem_shared>> -> memref<10240xf32, #tpu.memory_space<vmem_shared>>
      tpu.wait_indirect_dma semaphore(%arg7 : memref<!tpu.dma_semaphore, #tpu.memory_space<semaphore_mem>>) src(%arg5 : memref<128xf32, #tpu.memory_space<vmem>>) dst(%dma_wait3A_201 : memref<10240xf32, #tpu.memory_space<vmem_shared>>)
      %dma_wait3A_202 = arith.constant 0 : i32
      %dma_wait3A_203 = arith.constant 1 : i32
      %dma_wait3A_204 = arith.constant 0 : i32
      %dma_wait3A_205 = tpu.memref_slice %arg4[%dma_wait3A_202, %dma_wait3A_203, %dma_wait3A_204] : memref<2x8x128xi32, #tpu.memory_space<vmem>> -> memref<1x1x128xi32, #tpu.memory_space<vmem>>
      %dma_wait3A_206 = tpu.memref_squeeze %dma_wait3A_205 : memref<1x1x128xi32, #tpu.memory_space<vmem>> -> memref<128xi32, #tpu.memory_space<vmem>>
      %dma_wait3A_207 = arith.constant 0 : i32
      %dma_wait3A_208 = tpu.memref_slice %arg9[%dma_wait3A_207] : memref<10240xf32, #tpu.memory_space<vmem_shared>> -> memref<10240xf32, #tpu.memory_space<vmem_shared>>
      tpu.wait_indirect_dma semaphore(%arg7 : memref<!tpu.dma_semaphore, #tpu.memory_space<semaphore_mem>>) src(%arg5 : memref<128xf32, #tpu.memory_space<vmem>>) dst(%dma_wait3A_208 : memref<10240xf32, #tpu.memory_space<vmem_shared>>)
      %dma_wait3A_209 = arith.constant 0 : i32
      %dma_wait3A_210 = arith.constant 2 : i32
      %dma_wait3A_211 = arith.constant 0 : i32
      %dma_wait3A_212 = tpu.memref_slice %arg4[%dma_wait3A_209, %dma_wait3A_210, %dma_wait3A_211] : memref<2x8x128xi32, #tpu.memory_space<vmem>> -> memref<1x1x128xi32, #tpu.memory_space<vmem>>
      %dma_wait3A_213 = tpu.memref_squeeze %dma_wait3A_212 : memref<1x1x128xi32, #tpu.memory_space<vmem>> -> memref<128xi32, #tpu.memory_space<vmem>>
      %dma_wait3A_214 = arith.constant 0 : i32
      %dma_wait3A_215 = tpu.memref_slice %arg9[%dma_wait3A_214] : memref<10240xf32, #tpu.memory_space<vmem_shared>> -> memref<10240xf32, #tpu.memory_space<vmem_shared>>
      tpu.wait_indirect_dma semaphore(%arg7 : memref<!tpu.dma_semaphore, #tpu.memory_space<semaphore_mem>>) src(%arg5 : memref<128xf32, #tpu.memory_space<vmem>>) dst(%dma_wait3A_215 : memref<10240xf32, #tpu.memory_space<vmem_shared>>)
      %dma_wait3A_216 = arith.constant 0 : i32
      %dma_wait3A_217 = arith.constant 3 : i32
      %dma_wait3A_218 = arith.constant 0 : i32
      %dma_wait3A_219 = tpu.memref_slice %arg4[%dma_wait3A_216, %dma_wait3A_217, %dma_wait3A_218] : memref<2x8x128xi32, #tpu.memory_space<vmem>> -> memref<1x1x128xi32, #tpu.memory_space<vmem>>
      %dma_wait3A_220 = tpu.memref_squeeze %dma_wait3A_219 : memref<1x1x128xi32, #tpu.memory_space<vmem>> -> memref<128xi32, #tpu.memory_space<vmem>>
      %dma_wait3A_221 = arith.constant 0 : i32
      %dma_wait3A_222 = tpu.memref_slice %arg9[%dma_wait3A_221] : memref<10240xf32, #tpu.memory_space<vmem_shared>> -> memref<10240xf32, #tpu.memory_space<vmem_shared>>
      tpu.wait_indirect_dma semaphore(%arg7 : memref<!tpu.dma_semaphore, #tpu.memory_space<semaphore_mem>>) src(%arg5 : memref<128xf32, #tpu.memory_space<vmem>>) dst(%dma_wait3A_222 : memref<10240xf32, #tpu.memory_space<vmem_shared>>)
      %dma_wait3A_223 = arith.constant 0 : i32
      %dma_wait3A_224 = arith.constant 4 : i32
      %dma_wait3A_225 = arith.constant 0 : i32
      %dma_wait3A_226 = tpu.memref_slice %arg4[%dma_wait3A_223, %dma_wait3A_224, %dma_wait3A_225] : memref<2x8x128xi32, #tpu.memory_space<vmem>> -> memref<1x1x128xi32, #tpu.memory_space<vmem>>
      %dma_wait3A_227 = tpu.memref_squeeze %dma_wait3A_226 : memref<1x1x128xi32, #tpu.memory_space<vmem>> -> memref<128xi32, #tpu.memory_space<vmem>>
      %dma_wait3A_228 = arith.constant 0 : i32
      %dma_wait3A_229 = tpu.memref_slice %arg9[%dma_wait3A_228] : memref<10240xf32, #tpu.memory_space<vmem_shared>> -> memref<10240xf32, #tpu.memory_space<vmem_shared>>
      tpu.wait_indirect_dma semaphore(%arg7 : memref<!tpu.dma_semaphore, #tpu.memory_space<semaphore_mem>>) src(%arg5 : memref<128xf32, #tpu.memory_space<vmem>>) dst(%dma_wait3A_229 : memref<10240xf32, #tpu.memory_space<vmem_shared>>)
      %dma_wait3A_230 = arith.constant 0 : i32
      %dma_wait3A_231 = arith.constant 5 : i32
      %dma_wait3A_232 = arith.constant 0 : i32
      %dma_wait3A_233 = tpu.memref_slice %arg4[%dma_wait3A_230, %dma_wait3A_231, %dma_wait3A_232] : memref<2x8x128xi32, #tpu.memory_space<vmem>> -> memref<1x1x128xi32, #tpu.memory_space<vmem>>
      %dma_wait3A_234 = tpu.memref_squeeze %dma_wait3A_233 : memref<1x1x128xi32, #tpu.memory_space<vmem>> -> memref<128xi32, #tpu.memory_space<vmem>>
      %dma_wait3A_235 = arith.constant 0 : i32
      %dma_wait3A_236 = tpu.memref_slice %arg9[%dma_wait3A_235] : memref<10240xf32, #tpu.memory_space<vmem_shared>> -> memref<10240xf32, #tpu.memory_space<vmem_shared>>
      tpu.wait_indirect_dma semaphore(%arg7 : memref<!tpu.dma_semaphore, #tpu.memory_space<semaphore_mem>>) src(%arg5 : memref<128xf32, #tpu.memory_space<vmem>>) dst(%dma_wait3A_236 : memref<10240xf32, #tpu.memory_space<vmem_shared>>)
      %dma_wait3A_237 = arith.constant 0 : i32
      %dma_wait3A_238 = arith.constant 6 : i32
      %dma_wait3A_239 = arith.constant 0 : i32
      %dma_wait3A_240 = tpu.memref_slice %arg4[%dma_wait3A_237, %dma_wait3A_238, %dma_wait3A_239] : memref<2x8x128xi32, #tpu.memory_space<vmem>> -> memref<1x1x128xi32, #tpu.memory_space<vmem>>
      %dma_wait3A_241 = tpu.memref_squeeze %dma_wait3A_240 : memref<1x1x128xi32, #tpu.memory_space<vmem>> -> memref<128xi32, #tpu.memory_space<vmem>>
      %dma_wait3A_242 = arith.constant 0 : i32
      %dma_wait3A_243 = tpu.memref_slice %arg9[%dma_wait3A_242] : memref<10240xf32, #tpu.memory_space<vmem_shared>> -> memref<10240xf32, #tpu.memory_space<vmem_shared>>
      tpu.wait_indirect_dma semaphore(%arg7 : memref<!tpu.dma_semaphore, #tpu.memory_space<semaphore_mem>>) src(%arg5 : memref<128xf32, #tpu.memory_space<vmem>>) dst(%dma_wait3A_243 : memref<10240xf32, #tpu.memory_space<vmem_shared>>)
      %dma_wait3A_244 = arith.constant 0 : i32
      %dma_wait3A_245 = arith.constant 7 : i32
      %dma_wait3A_246 = arith.constant 0 : i32
      %dma_wait3A_247 = tpu.memref_slice %arg4[%dma_wait3A_244, %dma_wait3A_245, %dma_wait3A_246] : memref<2x8x128xi32, #tpu.memory_space<vmem>> -> memref<1x1x128xi32, #tpu.memory_space<vmem>>
      %dma_wait3A_248 = tpu.memref_squeeze %dma_wait3A_247 : memref<1x1x128xi32, #tpu.memory_space<vmem>> -> memref<128xi32, #tpu.memory_space<vmem>>
      %dma_wait3A_249 = arith.constant 0 : i32
      %dma_wait3A_250 = tpu.memref_slice %arg9[%dma_wait3A_249] : memref<10240xf32, #tpu.memory_space<vmem_shared>> -> memref<10240xf32, #tpu.memory_space<vmem_shared>>
      tpu.wait_indirect_dma semaphore(%arg7 : memref<!tpu.dma_semaphore, #tpu.memory_space<semaphore_mem>>) src(%arg5 : memref<128xf32, #tpu.memory_space<vmem>>) dst(%dma_wait3A_250 : memref<10240xf32, #tpu.memory_space<vmem_shared>>)
      %mul3A_251 = arith.constant 2 : i32
      %mul3A_252 = arith.muli %scan3A_128, %mul3A_251 : i32
      %add3A_253 = arith.constant 1 : i32
      %add3A_254 = arith.addi %mul3A_252, %add3A_253 : i32
      %add3A_255 = arith.addi %mul3A_55, %add3A_254 : i32
      %add3A_256 = arith.constant 1 : i32
      %add3A_257 = arith.addi %add3A_255, %add3A_256 : i32
      %mul3A_258 = arith.constant 8 : i32
      %mul3A_259 = arith.muli %add3A_257, %mul3A_258 : i32
      %run_scoped3A_260 = arith.constant 1 : i32
      %run_scoped3A_261 = arith.constant 0 : i32
      "tpu.region"() ({
        %run_scoped3A_320 = tpu.sem_alloc : memref<!tpu.dma_semaphore, #tpu.memory_space<semaphore_mem>>
        %dma_start3A_321 = arith.constant 0 : i32
        %dma_start3A_322 = arith.constant 0 : i32
        %dma_start3A_323 = tpu.memref_slice %arg4[%run_scoped3A_261, %dma_start3A_321, %dma_start3A_322] : memref<2x8x128xi32, #tpu.memory_space<vmem>> -> memref<1x8x128xi32, #tpu.memory_space<vmem>>
        %dma_start3A_324 = tpu.memref_squeeze %dma_start3A_323 : memref<1x8x128xi32, #tpu.memory_space<vmem>> -> memref<8x128xi32, #tpu.memory_space<vmem>>
        %dma_start3A_325 = arith.constant 0 : i32
        %dma_start3A_326 = tpu.memref_slice %arg2[%run_scoped3A_260, %mul3A_259, %dma_start3A_325] : memref<2x2568x128xi32, #tpu.memory_space<hbm>> -> memref<1x8x128xi32, #tpu.memory_space<hbm>>
        %dma_start3A_327 = tpu.memref_squeeze %dma_start3A_326 : memref<1x8x128xi32, #tpu.memory_space<hbm>> -> memref<8x128xi32, #tpu.memory_space<hbm>>
        %dma_start3A_328 = arith.constant 0 : i32
        %dma_start3A_329 = arith.constant 0 : i32
        %dma_start3A_330 = tpu.memref_slice %arg4[%run_scoped3A_261, %dma_start3A_328, %dma_start3A_329] : memref<2x8x128xi32, #tpu.memory_space<vmem>> -> memref<1x8x128xi32, #tpu.memory_space<vmem>>
        %dma_start3A_331 = tpu.memref_squeeze %dma_start3A_330 : memref<1x8x128xi32, #tpu.memory_space<vmem>> -> memref<8x128xi32, #tpu.memory_space<vmem>>
        %dma_start3A_332 = arith.constant 0 : i32
        %dma_start3A_333 = tpu.memref_slice %arg2[%run_scoped3A_260, %mul3A_259, %dma_start3A_332] : memref<2x2568x128xi32, #tpu.memory_space<hbm>> -> memref<1x8x128xi32, #tpu.memory_space<hbm>>
        %dma_start3A_334 = tpu.memref_squeeze %dma_start3A_333 : memref<1x8x128xi32, #tpu.memory_space<hbm>> -> memref<8x128xi32, #tpu.memory_space<hbm>>
        tpu.enqueue_dma source(%dma_start3A_334 : memref<8x128xi32, #tpu.memory_space<hbm>>) target(%dma_start3A_331 : memref<8x128xi32, #tpu.memory_space<vmem>>) target_semaphore(%run_scoped3A_320 : memref<!tpu.dma_semaphore, #tpu.memory_space<semaphore_mem>>)
        %dma_wait3A_335 = arith.constant 0 : i32
        %dma_wait3A_336 = arith.constant 0 : i32
        %dma_wait3A_337 = tpu.memref_slice %arg4[%run_scoped3A_261, %dma_wait3A_335, %dma_wait3A_336] : memref<2x8x128xi32, #tpu.memory_space<vmem>> -> memref<1x8x128xi32, #tpu.memory_space<vmem>>
        %dma_wait3A_338 = tpu.memref_squeeze %dma_wait3A_337 : memref<1x8x128xi32, #tpu.memory_space<vmem>> -> memref<8x128xi32, #tpu.memory_space<vmem>>
        %dma_wait3A_339 = arith.constant 0 : i32
        %dma_wait3A_340 = tpu.memref_slice %arg2[%run_scoped3A_260, %mul3A_259, %dma_wait3A_339] : memref<2x2568x128xi32, #tpu.memory_space<hbm>> -> memref<1x8x128xi32, #tpu.memory_space<hbm>>
        %dma_wait3A_341 = tpu.memref_squeeze %dma_wait3A_340 : memref<1x8x128xi32, #tpu.memory_space<hbm>> -> memref<8x128xi32, #tpu.memory_space<hbm>>
        %dma_wait3A_342 = arith.constant 0 : i32
        %dma_wait3A_343 = arith.constant 0 : i32
        %dma_wait3A_344 = tpu.memref_slice %arg4[%run_scoped3A_261, %dma_wait3A_342, %dma_wait3A_343] : memref<2x8x128xi32, #tpu.memory_space<vmem>> -> memref<1x8x128xi32, #tpu.memory_space<vmem>>
        %dma_wait3A_345 = tpu.memref_squeeze %dma_wait3A_344 : memref<1x8x128xi32, #tpu.memory_space<vmem>> -> memref<8x128xi32, #tpu.memory_space<vmem>>
        %dma_wait3A_346 = arith.constant 0 : i32
        %dma_wait3A_347 = tpu.memref_slice %arg2[%run_scoped3A_260, %mul3A_259, %dma_wait3A_346] : memref<2x2568x128xi32, #tpu.memory_space<hbm>> -> memref<1x8x128xi32, #tpu.memory_space<hbm>>
        %dma_wait3A_348 = tpu.memref_squeeze %dma_wait3A_347 : memref<1x8x128xi32, #tpu.memory_space<hbm>> -> memref<8x128xi32, #tpu.memory_space<hbm>>
        tpu.wait_dma2 semaphore(%run_scoped3A_320 : memref<!tpu.dma_semaphore, #tpu.memory_space<semaphore_mem>>) src(%dma_wait3A_348 : memref<8x128xi32, #tpu.memory_space<hbm>>) dst(%dma_wait3A_345 : memref<8x128xi32, #tpu.memory_space<vmem>>)
        tpu.yield
      }) : () -> ()
      %lt3A = arith.constant 4 : i32
      %lt3A_262 = arith.cmpi slt, %scan3A_128, %lt3A : i32
      %convert_element_type3A = arith.extui %lt3A_262 : i1 to i32
      %cond3A = arith.constant 0 : i32
      %cond3A_263 = arith.cmpi ne, %convert_element_type3A, %cond3A : i32
      scf.if %cond3A_263 {
        %dma_start3A_320 = arith.constant 0 : i32
        %dma_start3A_321 = arith.constant 0 : i32
        %dma_start3A_322 = arith.constant 0 : i32
        %dma_start3A_323 = tpu.memref_slice %arg4[%dma_start3A_320, %dma_start3A_321, %dma_start3A_322] : memref<2x8x128xi32, #tpu.memory_space<vmem>> -> memref<1x1x128xi32, #tpu.memory_space<vmem>>
        %dma_start3A_324 = tpu.memref_squeeze %dma_start3A_323 : memref<1x1x128xi32, #tpu.memory_space<vmem>> -> memref<128xi32, #tpu.memory_space<vmem>>
        %dma_start3A_325 = arith.constant 0 : i32
        %dma_start3A_326 = tpu.memref_slice %arg9[%dma_start3A_325] : memref<10240xf32, #tpu.memory_space<vmem_shared>> -> memref<10240xf32, #tpu.memory_space<vmem_shared>>
        tpu.enqueue_indirect_dma source(%arg5 : memref<128xf32, #tpu.memory_space<vmem>>) target(%dma_start3A_326 : memref<10240xf32, #tpu.memory_space<vmem_shared>>) offsets(%dma_start3A_324 : memref<128xi32, #tpu.memory_space<vmem>>) semaphore(%arg7 : memref<!tpu.dma_semaphore, #tpu.memory_space<semaphore_mem>>) {add = true}
        %dma_start3A_327 = arith.constant 0 : i32
        %dma_start3A_328 = arith.constant 1 : i32
        %dma_start3A_329 = arith.constant 0 : i32
        %dma_start3A_330 = tpu.memref_slice %arg4[%dma_start3A_327, %dma_start3A_328, %dma_start3A_329] : memref<2x8x128xi32, #tpu.memory_space<vmem>> -> memref<1x1x128xi32, #tpu.memory_space<vmem>>
        %dma_start3A_331 = tpu.memref_squeeze %dma_start3A_330 : memref<1x1x128xi32, #tpu.memory_space<vmem>> -> memref<128xi32, #tpu.memory_space<vmem>>
        %dma_start3A_332 = arith.constant 0 : i32
        %dma_start3A_333 = tpu.memref_slice %arg9[%dma_start3A_332] : memref<10240xf32, #tpu.memory_space<vmem_shared>> -> memref<10240xf32, #tpu.memory_space<vmem_shared>>
        tpu.enqueue_indirect_dma source(%arg5 : memref<128xf32, #tpu.memory_space<vmem>>) target(%dma_start3A_333 : memref<10240xf32, #tpu.memory_space<vmem_shared>>) offsets(%dma_start3A_331 : memref<128xi32, #tpu.memory_space<vmem>>) semaphore(%arg7 : memref<!tpu.dma_semaphore, #tpu.memory_space<semaphore_mem>>) {add = true}
        %dma_start3A_334 = arith.constant 0 : i32
        %dma_start3A_335 = arith.constant 2 : i32
        %dma_start3A_336 = arith.constant 0 : i32
        %dma_start3A_337 = tpu.memref_slice %arg4[%dma_start3A_334, %dma_start3A_335, %dma_start3A_336] : memref<2x8x128xi32, #tpu.memory_space<vmem>> -> memref<1x1x128xi32, #tpu.memory_space<vmem>>
        %dma_start3A_338 = tpu.memref_squeeze %dma_start3A_337 : memref<1x1x128xi32, #tpu.memory_space<vmem>> -> memref<128xi32, #tpu.memory_space<vmem>>
        %dma_start3A_339 = arith.constant 0 : i32
        %dma_start3A_340 = tpu.memref_slice %arg9[%dma_start3A_339] : memref<10240xf32, #tpu.memory_space<vmem_shared>> -> memref<10240xf32, #tpu.memory_space<vmem_shared>>
        tpu.enqueue_indirect_dma source(%arg5 : memref<128xf32, #tpu.memory_space<vmem>>) target(%dma_start3A_340 : memref<10240xf32, #tpu.memory_space<vmem_shared>>) offsets(%dma_start3A_338 : memref<128xi32, #tpu.memory_space<vmem>>) semaphore(%arg7 : memref<!tpu.dma_semaphore, #tpu.memory_space<semaphore_mem>>) {add = true}
        %dma_start3A_341 = arith.constant 0 : i32
        %dma_start3A_342 = arith.constant 3 : i32
        %dma_start3A_343 = arith.constant 0 : i32
        %dma_start3A_344 = tpu.memref_slice %arg4[%dma_start3A_341, %dma_start3A_342, %dma_start3A_343] : memref<2x8x128xi32, #tpu.memory_space<vmem>> -> memref<1x1x128xi32, #tpu.memory_space<vmem>>
        %dma_start3A_345 = tpu.memref_squeeze %dma_start3A_344 : memref<1x1x128xi32, #tpu.memory_space<vmem>> -> memref<128xi32, #tpu.memory_space<vmem>>
        %dma_start3A_346 = arith.constant 0 : i32
        %dma_start3A_347 = tpu.memref_slice %arg9[%dma_start3A_346] : memref<10240xf32, #tpu.memory_space<vmem_shared>> -> memref<10240xf32, #tpu.memory_space<vmem_shared>>
        tpu.enqueue_indirect_dma source(%arg5 : memref<128xf32, #tpu.memory_space<vmem>>) target(%dma_start3A_347 : memref<10240xf32, #tpu.memory_space<vmem_shared>>) offsets(%dma_start3A_345 : memref<128xi32, #tpu.memory_space<vmem>>) semaphore(%arg7 : memref<!tpu.dma_semaphore, #tpu.memory_space<semaphore_mem>>) {add = true}
        %dma_start3A_348 = arith.constant 0 : i32
        %dma_start3A_349 = arith.constant 4 : i32
        %dma_start3A_350 = arith.constant 0 : i32
        %dma_start3A_351 = tpu.memref_slice %arg4[%dma_start3A_348, %dma_start3A_349, %dma_start3A_350] : memref<2x8x128xi32, #tpu.memory_space<vmem>> -> memref<1x1x128xi32, #tpu.memory_space<vmem>>
        %dma_start3A_352 = tpu.memref_squeeze %dma_start3A_351 : memref<1x1x128xi32, #tpu.memory_space<vmem>> -> memref<128xi32, #tpu.memory_space<vmem>>
        %dma_start3A_353 = arith.constant 0 : i32
        %dma_start3A_354 = tpu.memref_slice %arg9[%dma_start3A_353] : memref<10240xf32, #tpu.memory_space<vmem_shared>> -> memref<10240xf32, #tpu.memory_space<vmem_shared>>
        tpu.enqueue_indirect_dma source(%arg5 : memref<128xf32, #tpu.memory_space<vmem>>) target(%dma_start3A_354 : memref<10240xf32, #tpu.memory_space<vmem_shared>>) offsets(%dma_start3A_352 : memref<128xi32, #tpu.memory_space<vmem>>) semaphore(%arg7 : memref<!tpu.dma_semaphore, #tpu.memory_space<semaphore_mem>>) {add = true}
        %dma_start3A_355 = arith.constant 0 : i32
        %dma_start3A_356 = arith.constant 5 : i32
        %dma_start3A_357 = arith.constant 0 : i32
        %dma_start3A_358 = tpu.memref_slice %arg4[%dma_start3A_355, %dma_start3A_356, %dma_start3A_357] : memref<2x8x128xi32, #tpu.memory_space<vmem>> -> memref<1x1x128xi32, #tpu.memory_space<vmem>>
        %dma_start3A_359 = tpu.memref_squeeze %dma_start3A_358 : memref<1x1x128xi32, #tpu.memory_space<vmem>> -> memref<128xi32, #tpu.memory_space<vmem>>
        %dma_start3A_360 = arith.constant 0 : i32
        %dma_start3A_361 = tpu.memref_slice %arg9[%dma_start3A_360] : memref<10240xf32, #tpu.memory_space<vmem_shared>> -> memref<10240xf32, #tpu.memory_space<vmem_shared>>
        tpu.enqueue_indirect_dma source(%arg5 : memref<128xf32, #tpu.memory_space<vmem>>) target(%dma_start3A_361 : memref<10240xf32, #tpu.memory_space<vmem_shared>>) offsets(%dma_start3A_359 : memref<128xi32, #tpu.memory_space<vmem>>) semaphore(%arg7 : memref<!tpu.dma_semaphore, #tpu.memory_space<semaphore_mem>>) {add = true}
        %dma_start3A_362 = arith.constant 0 : i32
        %dma_start3A_363 = arith.constant 6 : i32
        %dma_start3A_364 = arith.constant 0 : i32
        %dma_start3A_365 = tpu.memref_slice %arg4[%dma_start3A_362, %dma_start3A_363, %dma_start3A_364] : memref<2x8x128xi32, #tpu.memory_space<vmem>> -> memref<1x1x128xi32, #tpu.memory_space<vmem>>
        %dma_start3A_366 = tpu.memref_squeeze %dma_start3A_365 : memref<1x1x128xi32, #tpu.memory_space<vmem>> -> memref<128xi32, #tpu.memory_space<vmem>>
        %dma_start3A_367 = arith.constant 0 : i32
        %dma_start3A_368 = tpu.memref_slice %arg9[%dma_start3A_367] : memref<10240xf32, #tpu.memory_space<vmem_shared>> -> memref<10240xf32, #tpu.memory_space<vmem_shared>>
        tpu.enqueue_indirect_dma source(%arg5 : memref<128xf32, #tpu.memory_space<vmem>>) target(%dma_start3A_368 : memref<10240xf32, #tpu.memory_space<vmem_shared>>) offsets(%dma_start3A_366 : memref<128xi32, #tpu.memory_space<vmem>>) semaphore(%arg7 : memref<!tpu.dma_semaphore, #tpu.memory_space<semaphore_mem>>) {add = true}
        %dma_start3A_369 = arith.constant 0 : i32
        %dma_start3A_370 = arith.constant 7 : i32
        %dma_start3A_371 = arith.constant 0 : i32
        %dma_start3A_372 = tpu.memref_slice %arg4[%dma_start3A_369, %dma_start3A_370, %dma_start3A_371] : memref<2x8x128xi32, #tpu.memory_space<vmem>> -> memref<1x1x128xi32, #tpu.memory_space<vmem>>
        %dma_start3A_373 = tpu.memref_squeeze %dma_start3A_372 : memref<1x1x128xi32, #tpu.memory_space<vmem>> -> memref<128xi32, #tpu.memory_space<vmem>>
        %dma_start3A_374 = arith.constant 0 : i32
        %dma_start3A_375 = tpu.memref_slice %arg9[%dma_start3A_374] : memref<10240xf32, #tpu.memory_space<vmem_shared>> -> memref<10240xf32, #tpu.memory_space<vmem_shared>>
        tpu.enqueue_indirect_dma source(%arg5 : memref<128xf32, #tpu.memory_space<vmem>>) target(%dma_start3A_375 : memref<10240xf32, #tpu.memory_space<vmem_shared>>) offsets(%dma_start3A_373 : memref<128xi32, #tpu.memory_space<vmem>>) semaphore(%arg7 : memref<!tpu.dma_semaphore, #tpu.memory_space<semaphore_mem>>) {add = true}
      } else {
      }
      %dma_wait3A_264 = arith.constant 1 : i32
      %dma_wait3A_265 = arith.constant 0 : i32
      %dma_wait3A_266 = arith.constant 0 : i32
      %dma_wait3A_267 = tpu.memref_slice %arg4[%dma_wait3A_264, %dma_wait3A_265, %dma_wait3A_266] : memref<2x8x128xi32, #tpu.memory_space<vmem>> -> memref<1x1x128xi32, #tpu.memory_space<vmem>>
      %dma_wait3A_268 = tpu.memref_squeeze %dma_wait3A_267 : memref<1x1x128xi32, #tpu.memory_space<vmem>> -> memref<128xi32, #tpu.memory_space<vmem>>
      %dma_wait3A_269 = arith.constant 0 : i32
      %dma_wait3A_270 = tpu.memref_slice %arg9[%dma_wait3A_269] : memref<10240xf32, #tpu.memory_space<vmem_shared>> -> memref<10240xf32, #tpu.memory_space<vmem_shared>>
      tpu.wait_indirect_dma semaphore(%arg8 : memref<!tpu.dma_semaphore, #tpu.memory_space<semaphore_mem>>) src(%arg5 : memref<128xf32, #tpu.memory_space<vmem>>) dst(%dma_wait3A_270 : memref<10240xf32, #tpu.memory_space<vmem_shared>>)
      %dma_wait3A_271 = arith.constant 1 : i32
      %dma_wait3A_272 = arith.constant 1 : i32
      %dma_wait3A_273 = arith.constant 0 : i32
      %dma_wait3A_274 = tpu.memref_slice %arg4[%dma_wait3A_271, %dma_wait3A_272, %dma_wait3A_273] : memref<2x8x128xi32, #tpu.memory_space<vmem>> -> memref<1x1x128xi32, #tpu.memory_space<vmem>>
      %dma_wait3A_275 = tpu.memref_squeeze %dma_wait3A_274 : memref<1x1x128xi32, #tpu.memory_space<vmem>> -> memref<128xi32, #tpu.memory_space<vmem>>
      %dma_wait3A_276 = arith.constant 0 : i32
      %dma_wait3A_277 = tpu.memref_slice %arg9[%dma_wait3A_276] : memref<10240xf32, #tpu.memory_space<vmem_shared>> -> memref<10240xf32, #tpu.memory_space<vmem_shared>>
      tpu.wait_indirect_dma semaphore(%arg8 : memref<!tpu.dma_semaphore, #tpu.memory_space<semaphore_mem>>) src(%arg5 : memref<128xf32, #tpu.memory_space<vmem>>) dst(%dma_wait3A_277 : memref<10240xf32, #tpu.memory_space<vmem_shared>>)
      %dma_wait3A_278 = arith.constant 1 : i32
      %dma_wait3A_279 = arith.constant 2 : i32
      %dma_wait3A_280 = arith.constant 0 : i32
      %dma_wait3A_281 = tpu.memref_slice %arg4[%dma_wait3A_278, %dma_wait3A_279, %dma_wait3A_280] : memref<2x8x128xi32, #tpu.memory_space<vmem>> -> memref<1x1x128xi32, #tpu.memory_space<vmem>>
      %dma_wait3A_282 = tpu.memref_squeeze %dma_wait3A_281 : memref<1x1x128xi32, #tpu.memory_space<vmem>> -> memref<128xi32, #tpu.memory_space<vmem>>
      %dma_wait3A_283 = arith.constant 0 : i32
      %dma_wait3A_284 = tpu.memref_slice %arg9[%dma_wait3A_283] : memref<10240xf32, #tpu.memory_space<vmem_shared>> -> memref<10240xf32, #tpu.memory_space<vmem_shared>>
      tpu.wait_indirect_dma semaphore(%arg8 : memref<!tpu.dma_semaphore, #tpu.memory_space<semaphore_mem>>) src(%arg5 : memref<128xf32, #tpu.memory_space<vmem>>) dst(%dma_wait3A_284 : memref<10240xf32, #tpu.memory_space<vmem_shared>>)
      %dma_wait3A_285 = arith.constant 1 : i32
      %dma_wait3A_286 = arith.constant 3 : i32
      %dma_wait3A_287 = arith.constant 0 : i32
      %dma_wait3A_288 = tpu.memref_slice %arg4[%dma_wait3A_285, %dma_wait3A_286, %dma_wait3A_287] : memref<2x8x128xi32, #tpu.memory_space<vmem>> -> memref<1x1x128xi32, #tpu.memory_space<vmem>>
      %dma_wait3A_289 = tpu.memref_squeeze %dma_wait3A_288 : memref<1x1x128xi32, #tpu.memory_space<vmem>> -> memref<128xi32, #tpu.memory_space<vmem>>
      %dma_wait3A_290 = arith.constant 0 : i32
      %dma_wait3A_291 = tpu.memref_slice %arg9[%dma_wait3A_290] : memref<10240xf32, #tpu.memory_space<vmem_shared>> -> memref<10240xf32, #tpu.memory_space<vmem_shared>>
      tpu.wait_indirect_dma semaphore(%arg8 : memref<!tpu.dma_semaphore, #tpu.memory_space<semaphore_mem>>) src(%arg5 : memref<128xf32, #tpu.memory_space<vmem>>) dst(%dma_wait3A_291 : memref<10240xf32, #tpu.memory_space<vmem_shared>>)
      %dma_wait3A_292 = arith.constant 1 : i32
      %dma_wait3A_293 = arith.constant 4 : i32
      %dma_wait3A_294 = arith.constant 0 : i32
      %dma_wait3A_295 = tpu.memref_slice %arg4[%dma_wait3A_292, %dma_wait3A_293, %dma_wait3A_294] : memref<2x8x128xi32, #tpu.memory_space<vmem>> -> memref<1x1x128xi32, #tpu.memory_space<vmem>>
      %dma_wait3A_296 = tpu.memref_squeeze %dma_wait3A_295 : memref<1x1x128xi32, #tpu.memory_space<vmem>> -> memref<128xi32, #tpu.memory_space<vmem>>
      %dma_wait3A_297 = arith.constant 0 : i32
      %dma_wait3A_298 = tpu.memref_slice %arg9[%dma_wait3A_297] : memref<10240xf32, #tpu.memory_space<vmem_shared>> -> memref<10240xf32, #tpu.memory_space<vmem_shared>>
      tpu.wait_indirect_dma semaphore(%arg8 : memref<!tpu.dma_semaphore, #tpu.memory_space<semaphore_mem>>) src(%arg5 : memref<128xf32, #tpu.memory_space<vmem>>) dst(%dma_wait3A_298 : memref<10240xf32, #tpu.memory_space<vmem_shared>>)
      %dma_wait3A_299 = arith.constant 1 : i32
      %dma_wait3A_300 = arith.constant 5 : i32
      %dma_wait3A_301 = arith.constant 0 : i32
      %dma_wait3A_302 = tpu.memref_slice %arg4[%dma_wait3A_299, %dma_wait3A_300, %dma_wait3A_301] : memref<2x8x128xi32, #tpu.memory_space<vmem>> -> memref<1x1x128xi32, #tpu.memory_space<vmem>>
      %dma_wait3A_303 = tpu.memref_squeeze %dma_wait3A_302 : memref<1x1x128xi32, #tpu.memory_space<vmem>> -> memref<128xi32, #tpu.memory_space<vmem>>
      %dma_wait3A_304 = arith.constant 0 : i32
      %dma_wait3A_305 = tpu.memref_slice %arg9[%dma_wait3A_304] : memref<10240xf32, #tpu.memory_space<vmem_shared>> -> memref<10240xf32, #tpu.memory_space<vmem_shared>>
      tpu.wait_indirect_dma semaphore(%arg8 : memref<!tpu.dma_semaphore, #tpu.memory_space<semaphore_mem>>) src(%arg5 : memref<128xf32, #tpu.memory_space<vmem>>) dst(%dma_wait3A_305 : memref<10240xf32, #tpu.memory_space<vmem_shared>>)
      %dma_wait3A_306 = arith.constant 1 : i32
      %dma_wait3A_307 = arith.constant 6 : i32
      %dma_wait3A_308 = arith.constant 0 : i32
      %dma_wait3A_309 = tpu.memref_slice %arg4[%dma_wait3A_306, %dma_wait3A_307, %dma_wait3A_308] : memref<2x8x128xi32, #tpu.memory_space<vmem>> -> memref<1x1x128xi32, #tpu.memory_space<vmem>>
      %dma_wait3A_310 = tpu.memref_squeeze %dma_wait3A_309 : memref<1x1x128xi32, #tpu.memory_space<vmem>> -> memref<128xi32, #tpu.memory_space<vmem>>
      %dma_wait3A_311 = arith.constant 0 : i32
      %dma_wait3A_312 = tpu.memref_slice %arg9[%dma_wait3A_311] : memref<10240xf32, #tpu.memory_space<vmem_shared>> -> memref<10240xf32, #tpu.memory_space<vmem_shared>>
      tpu.wait_indirect_dma semaphore(%arg8 : memref<!tpu.dma_semaphore, #tpu.memory_space<semaphore_mem>>) src(%arg5 : memref<128xf32, #tpu.memory_space<vmem>>) dst(%dma_wait3A_312 : memref<10240xf32, #tpu.memory_space<vmem_shared>>)
      %dma_wait3A_313 = arith.constant 1 : i32
      %dma_wait3A_314 = arith.constant 7 : i32
      %dma_wait3A_315 = arith.constant 0 : i32
      %dma_wait3A_316 = tpu.memref_slice %arg4[%dma_wait3A_313, %dma_wait3A_314, %dma_wait3A_315] : memref<2x8x128xi32, #tpu.memory_space<vmem>> -> memref<1x1x128xi32, #tpu.memory_space<vmem>>
      %dma_wait3A_317 = tpu.memref_squeeze %dma_wait3A_316 : memref<1x1x128xi32, #tpu.memory_space<vmem>> -> memref<128xi32, #tpu.memory_space<vmem>>
      %dma_wait3A_318 = arith.constant 0 : i32
      %dma_wait3A_319 = tpu.memref_slice %arg9[%dma_wait3A_318] : memref<10240xf32, #tpu.memory_space<vmem_shared>> -> memref<10240xf32, #tpu.memory_space<vmem_shared>>
      tpu.wait_indirect_dma semaphore(%arg8 : memref<!tpu.dma_semaphore, #tpu.memory_space<semaphore_mem>>) src(%arg5 : memref<128xf32, #tpu.memory_space<vmem>>) dst(%dma_wait3A_319 : memref<10240xf32, #tpu.memory_space<vmem_shared>>)
    }
    %scan3A_119 = arith.constant 5 : i32
    %barrier3A_120 = arith.constant 0 : index
    tpu.barrier barrier_id(%barrier3A_120)
    %mul3A_121 = arith.constant 10240 : i32
    %mul3A_122 = arith.muli %arg0, %mul3A_121 : i32
    %mul3A_123 = arith.constant 640 : i32
    %mul3A_124 = arith.muli %arg1, %mul3A_123 : i32
    %add3A_125 = arith.addi %mul3A_122, %mul3A_124 : i32
    %multiple_of3A = tpu.assume_multiple %add3A_125, 8 : i32
    %mul3A_126 = arith.constant 640 : i32
    %mul3A_127 = arith.muli %arg1, %mul3A_126 : i32
    "tpu.region"() ({
      %run_scoped3A_128 = tpu.sem_alloc : memref<!tpu.dma_semaphore, #tpu.memory_space<semaphore_mem>>
      %dma_start3A_129 = tpu.memref_slice %arg3[%multiple_of3A] : memref<20480xf32, #tpu.memory_space<hbm>> -> memref<640xf32, #tpu.memory_space<hbm>>
      %dma_start3A_130 = tpu.memref_slice %arg9[%mul3A_127] : memref<10240xf32, #tpu.memory_space<vmem_shared>> -> memref<640xf32, #tpu.memory_space<vmem_shared>>
      tpu.enqueue_dma source(%dma_start3A_130 : memref<640xf32, #tpu.memory_space<vmem_shared>>) target(%dma_start3A_129 : memref<640xf32, #tpu.memory_space<hbm>>) target_semaphore(%run_scoped3A_128 : memref<!tpu.dma_semaphore, #tpu.memory_space<semaphore_mem>>)
      %dma_wait3A = tpu.memref_slice %arg3[%multiple_of3A] : memref<20480xf32, #tpu.memory_space<hbm>> -> memref<640xf32, #tpu.memory_space<hbm>>
      %dma_wait3A_131 = tpu.memref_slice %arg9[%mul3A_127] : memref<10240xf32, #tpu.memory_space<vmem_shared>> -> memref<640xf32, #tpu.memory_space<vmem_shared>>
      tpu.wait_dma2 semaphore(%run_scoped3A_128 : memref<!tpu.dma_semaphore, #tpu.memory_space<semaphore_mem>>) src(%dma_wait3A_131 : memref<640xf32, #tpu.memory_space<vmem_shared>>) dst(%dma_wait3A : memref<640xf32, #tpu.memory_space<hbm>>)
      tpu.yield
    }) : () -> ()
    return
  }
}

module attributes {stable_mosaic.version = 14 : i64} {
  func.func @_lin_body(%arg0: i32, %arg1: memref<1000x128xf32, #tpu.memory_space<vmem>>, %arg2: memref<128x128xf32, #tpu.memory_space<vmem>>, %arg3: memref<1000x1xf32, #tpu.memory_space<vmem>>, %arg4: memref<1000x128xf32, #tpu.memory_space<vmem>>) attributes {dimension_semantics = [#tpu.dimension_semantics<arbitrary>], iteration_bounds = array<i64: 10>, scalar_prefetch = 0 : i64, scratch_operands = 0 : i64, tpu.core_type = #tpu.core_type<tc>, window_params = [{transform_indices = @transform_0, window_bounds = array<i64: 1000, 128>}, {pipeline_mode = #tpu.pipeline_mode<synchronous>, transform_indices = @transform_1, window_bounds = array<i64: 128, 128>}, {transform_indices = @transform_2, window_bounds = array<i64: 1000, 1>}, {transform_indices = @transform_3, window_bounds = array<i64: 1000, 128>}]} {
    %get3A = arith.constant 0 : index
    %get3A_0 = arith.constant 0 : index
    %get3A_1 = vector.load %arg3[%get3A, %get3A_0] : memref<1000x1xf32, #tpu.memory_space<vmem>>, vector<1000x1xf32>
    %add3A = arith.constant 1.000000e+00 : f32
    %add3A_2 = vector.broadcast %add3A : f32 to vector<1000x1xf32>
    %add3A_3 = arith.addf %add3A_2, %get3A_1 : vector<1000x1xf32>
    %rsqrt3A = math.rsqrt %add3A_3 : vector<1000x1xf32>
    %get3A_4 = arith.constant 0 : index
    %get3A_5 = arith.constant 0 : index
    %get3A_6 = vector.load %arg1[%get3A_4, %get3A_5] : memref<1000x128xf32, #tpu.memory_space<vmem>>, vector<1000x128xf32>
    %get3A_7 = arith.constant 0 : index
    %get3A_8 = arith.constant 0 : index
    %get3A_9 = vector.load %arg2[%get3A_7, %get3A_8] : memref<128x128xf32, #tpu.memory_space<vmem>>, vector<128x128xf32>
    %dot_general3A = arith.constant dense<0.000000e+00> : vector<1000x128xf32>
    %dot_general3A_10 = tpu.matmul %get3A_6, %get3A_9, %dot_general3A {dimension_numbers = #tpu.dot_dimension_numbers<[1], [0], [0], [1], [0, 0, 1, 1], [], []>, precision = #tpu.contract_precision<fp32>, transpose_lhs_hint = false} : vector<1000x128xf32>, vector<128x128xf32>, vector<1000x128xf32> -> vector<1000x128xf32>
    %mul3A = vector.broadcast %rsqrt3A : vector<1000x1xf32> to vector<1000x128xf32>
    %mul3A_11 = arith.mulf %dot_general3A_10, %mul3A : vector<1000x128xf32>
    %swap3A = arith.constant 0 : index
    %swap3A_12 = arith.constant 0 : index
    %swap3A_13 = vector.load %arg4[%swap3A, %swap3A_12] : memref<1000x128xf32, #tpu.memory_space<vmem>>, vector<1000x128xf32>
    tpu.vector_store %arg4[%swap3A, %swap3A_12], %mul3A_11 {strides = array<i32>} : memref<1000x128xf32, #tpu.memory_space<vmem>>, vector<1000x128xf32>,
    return
  }
  func.func @transform_0(%arg0: i32) -> (i32, i32) {
    %c0_i32 = arith.constant 0 : i32
    %c0_i32_0 = arith.constant 0 : i32
    return %arg0, %c0_i32 : i32, i32
  }
  func.func @transform_1(%arg0: i32) -> (i32, i32) {
    %c0_i32 = arith.constant 0 : i32
    %c0_i32_0 = arith.constant 0 : i32
    %c0_i32_1 = arith.constant 0 : i32
    return %c0_i32, %c0_i32_0 : i32, i32
  }
  func.func @transform_2(%arg0: i32) -> (i32, i32) {
    %c0_i32 = arith.constant 0 : i32
    %c0_i32_0 = arith.constant 0 : i32
    return %arg0, %c0_i32 : i32, i32
  }
  func.func @transform_3(%arg0: i32) -> (i32, i32) {
    %c0_i32 = arith.constant 0 : i32
    %c0_i32_0 = arith.constant 0 : i32
    return %arg0, %c0_i32 : i32, i32
  }
}

module attributes {stable_mosaic.version = 14 : i64} {
  func.func @_fin_body(%arg0: i32, %arg1: memref<1000x128xf32, #tpu.memory_space<vmem>>, %arg2: memref<1000x128xf32, #tpu.memory_space<vmem>>, %arg3: memref<1000x128xf32, #tpu.memory_space<vmem>>, %arg4: memref<1000x1xf32, #tpu.memory_space<vmem>>, %arg5: memref<1x128xf32, #tpu.memory_space<vmem>>, %arg6: memref<1000x128xf32, #tpu.memory_space<vmem>>) attributes {dimension_semantics = [#tpu.dimension_semantics<arbitrary>], iteration_bounds = array<i64: 10>, scalar_prefetch = 0 : i64, scratch_operands = 0 : i64, tpu.core_type = #tpu.core_type<tc>, window_params = [{transform_indices = @transform_0, window_bounds = array<i64: 1000, 128>}, {transform_indices = @transform_1, window_bounds = array<i64: 1000, 128>}, {transform_indices = @transform_2, window_bounds = array<i64: 1000, 128>}, {transform_indices = @transform_3, window_bounds = array<i64: 1000, 1>}, {pipeline_mode = #tpu.pipeline_mode<synchronous>, transform_indices = @transform_4, window_bounds = array<i64: 1, 128>}, {transform_indices = @transform_5, window_bounds = array<i64: 1000, 128>}]} {
    %get3A = arith.constant 0 : index
    %get3A_0 = arith.constant 0 : index
    %get3A_1 = vector.load %arg4[%get3A, %get3A_0] : memref<1000x1xf32, #tpu.memory_space<vmem>>, vector<1000x1xf32>
    %add3A = arith.constant 1.000000e+00 : f32
    %add3A_2 = vector.broadcast %add3A : f32 to vector<1000x1xf32>
    %add3A_3 = arith.addf %add3A_2, %get3A_1 : vector<1000x1xf32>
    %rsqrt3A = math.rsqrt %add3A_3 : vector<1000x1xf32>
    %get3A_4 = arith.constant 0 : index
    %get3A_5 = arith.constant 0 : index
    %get3A_6 = vector.load %arg1[%get3A_4, %get3A_5] : memref<1000x128xf32, #tpu.memory_space<vmem>>, vector<1000x128xf32>
    %get3A_7 = arith.constant 0 : index
    %get3A_8 = arith.constant 0 : index
    %get3A_9 = vector.load %arg2[%get3A_7, %get3A_8] : memref<1000x128xf32, #tpu.memory_space<vmem>>, vector<1000x128xf32>
    %add3A_10 = arith.addf %get3A_6, %get3A_9 : vector<1000x128xf32>
    %get3A_11 = arith.constant 0 : index
    %get3A_12 = arith.constant 0 : index
    %get3A_13 = vector.load %arg3[%get3A_11, %get3A_12] : memref<1000x128xf32, #tpu.memory_space<vmem>>, vector<1000x128xf32>
    %add3A_14 = arith.addf %add3A_10, %get3A_13 : vector<1000x128xf32>
    %mul3A = vector.broadcast %rsqrt3A : vector<1000x1xf32> to vector<1000x128xf32>
    %mul3A_15 = arith.mulf %add3A_14, %mul3A : vector<1000x128xf32>
    %get3A_16 = arith.constant 0 : index
    %get3A_17 = arith.constant 0 : index
    %get3A_18 = vector.load %arg5[%get3A_16, %get3A_17] : memref<1x128xf32, #tpu.memory_space<vmem>>, vector<1x128xf32>
    %add3A_19 = vector.broadcast %get3A_18 : vector<1x128xf32> to vector<1000x128xf32>
    %add3A_20 = arith.addf %mul3A_15, %add3A_19 : vector<1000x128xf32>
    %swap3A = arith.constant 0 : index
    %swap3A_21 = arith.constant 0 : index
    %swap3A_22 = vector.load %arg6[%swap3A, %swap3A_21] : memref<1000x128xf32, #tpu.memory_space<vmem>>, vector<1000x128xf32>
    tpu.vector_store %arg6[%swap3A, %swap3A_21], %add3A_20 {strides = array<i32>} : memref<1000x128xf32, #tpu.memory_space<vmem>>, vector<1000x128xf32>,
    return
  }
  func.func @transform_0(%arg0: i32) -> (i32, i32) {
    %c0_i32 = arith.constant 0 : i32
    %c0_i32_0 = arith.constant 0 : i32
    return %arg0, %c0_i32 : i32, i32
  }
  func.func @transform_1(%arg0: i32) -> (i32, i32) {
    %c0_i32 = arith.constant 0 : i32
    %c0_i32_0 = arith.constant 0 : i32
    return %arg0, %c0_i32 : i32, i32
  }
  func.func @transform_2(%arg0: i32) -> (i32, i32) {
    %c0_i32 = arith.constant 0 : i32
    %c0_i32_0 = arith.constant 0 : i32
    return %arg0, %c0_i32 : i32, i32
  }
  func.func @transform_3(%arg0: i32) -> (i32, i32) {
    %c0_i32 = arith.constant 0 : i32
    %c0_i32_0 = arith.constant 0 : i32
    return %arg0, %c0_i32 : i32, i32
  }
  func.func @transform_4(%arg0: i32) -> (i32, i32) {
    %c0_i32 = arith.constant 0 : i32
    %c0_i32_0 = arith.constant 0 : i32
    %c0_i32_1 = arith.constant 0 : i32
    return %c0_i32, %c0_i32_0 : i32, i32
  }
  func.func @transform_5(%arg0: i32) -> (i32, i32) {
    %c0_i32 = arith.constant 0 : i32
    %c0_i32_0 = arith.constant 0 : i32
    return %arg0, %c0_i32 : i32, i32
  }
}

</mosaic_0001>

<sc_bundles>
// kernel: run.6.cloned.1.call-start
scs
__scs_entry_jumppad:
0x0: {  	(pc) =	sbr.rel $0x88, $3  }
0x1: {  	(tag) =	ssettag $0x0;
	lr =	simm.s32 $0x1  }
0x2: {  	[smem:$0x3F9D] =	sst lr;
	_ =	strace $0xD0000000  }
0x3: {  	_ = 	snop  }
0x4: {  	_ = 	snop  }
0x5: {  	_ = 	snop  }
0x6: {  	_ = 	snop  }
0x7: {  	_ = 	snop  }
__scs_overlays_trampoline_lowered:
0x8: {  	[smem:$0x3FAC] =	sst s0  }
0x9: {  	[smem:$0x3FAD] =	sst s1  }
0xa: {  	[smem:$0x3FAE] =	sst s2  }
0xb: {  	[smem:$0x3FAF] =	sst s3  }
0xc: {  	[smem:$0x3FB0] =	sst s4  }
0xd: {  	[smem:$0x3FB1] =	sst s5  }
0xe: {  	[smem:$0x3FB2] =	sst s6  }
0xf: {  	[smem:$0x3FB3] =	sst s7  }
0x10: {  	[smem:$0x3FB4] =	sst s8  }
0x11: {  	[smem:$0x3FB5] =	sst s9;
	s0 =	simm.s32 @!p0 $0x0  }
0x12: {  	s1 =	sld [smem:$0x3F9B];
	s0 =	simm.s32 @p0 $0x1  }
0x13: {  	[smem:$0x3FB6] =	sst s0;
	s0 =	simm.s32 @!p1 $0x0  }
0x14: {  	s2 =	sld [smem:$0x3F9A];
	s0 =	simm.s32 @p1 $0x1  }
0x15: {  	[smem:$0x3FB7] =	sst s0;
	s0 =	simm.s32 @!p2 $0x0  }
0x16: {  	s3 =	sld [smem:$0x3FDB];
	s0 =	simm.s32 @p2 $0x1  }
0x17: {  	s4 =	simm.s32 $0x1BF5;
	[smem:$0x3FB9] =	sst s0  }
0x18: {  	s0 =	sld [smem:$0x3F9C];
	_ =	swait.ge [sflag:s4], $0x0  }
0x19: {  	s7 =	sld [smem:$0x3F9D]  }
0x1a: {  	s8 =	sadd.s32 $0xFFFFE003, lr  }
0x1b: {  	s9 =	sadd.s32 $0xFFFFFEF7, lr;
	s5 =	simm.s32 $0xFFFFFFFF;
	p2 =	slt.u32 s8, $0xFFFFF086  }
0x1c: {  	p1 =	slt.u32 s9, $0xF7A;
	s5 =	simm.s32 @!p2 $0x0  }
0x1d: {  	s5 =	simm.s32 @p1 $0x1;
	p0 =	seq.s32 s7, s2  }
0x1e: {  	s7 =	smul.u32 @!p0 $0xF7A, s2;
	p2 =	seq.s32 @!p0 s5, $0x0  }
0x1f: {  	s9 =	smul.u32 $0xF7A, s1;
	s8 =	simm.s32 @!p0 $0x1BF5;
	p2 =	por !p2, p0  }
0x20: {  	[sflag:s8] =	ssyncset.s32 @!p0 $0xFFFFF086;
	s6 =	sadd.s32 @!p0 s3, s7;
	s7 =	simm.s32 @!p0 $0x108  }
0x21: {  	s3 =	sadd.s32 s3, s9;
	s6 =	sadd.s32 @!p0 $0x88, s6;
	s7 =	simm.s32 @p2 $0x1082  }
0x22: {  	[simem:s7], [sflag:s8] =	dma.local @!p0 [hbm:s6], $0xF7A  }
0x23: {  	s9 =	sor.u32 $0xD0000000, s2;
	s6 =	simm.s32 $0x108;
	_ =	swait.ge @!p0 [sflag:s8], $0x0  }
0x24: {  	s3 =	sadd.s32 $0x88, s3;
	s6 =	simm.s32 @!p1 $0x1082;
	[sflag:s4] =	ssyncset.s32 $0xFFFFF086  }
0x25: {  	[simem:s6], [sflag:s4] =	dma.local [hbm:s3], $0xF7A  }
0x26: {  	[smem:$0x3F9D] =	sst s1;
	(tag) =	ssettag s2;
	_ =	strace s9  }
0x27: {  	s1 =	sld [smem:$0x3FAD]  }
0x28: {  	s2 =	sld [smem:$0x3FAE]  }
0x29: {  	s4 =	sld [smem:$0x3FB0]  }
0x2a: {  	p0 =	seq.s32 s5, $0x0;
	s5 =	sld [smem:$0x3FB1]  }
0x2b: {  	s6 =	sld [smem:$0x3FB2]  }
0x2c: {  	s7 =	sld [smem:$0x3FB3]  }
0x2d: {  	s3 =	simm.s32 $0x108;
	s8 =	sld [smem:$0x3FB4]  }
0x2e: {  	s3 =	simm.s32 @!p0 $0x1082;
	s9 =	sld [smem:$0x3FB5]  }
0x2f: {  	lr =	sadd.s32 s0, s3;
	s0 =	sld [smem:$0x3FAC]  }
0x30: {  	s3 =	sld [smem:$0x3FAF]  }
0x31: {  	[smem:$0x3FB8] =	sst s10  }
0x32: {  	s10 =	sld [smem:$0x3FB6];
	_ =	sdelay $0x3  }
0x33: {  	p0 =	seq.s32 s10, $0x1;
	s10 =	sld [smem:$0x3FB8];
	_ =	sdelay $0x3  }
0x34: {  	[smem:$0x3FB8] =	sst s10  }
0x35: {  	s10 =	sld [smem:$0x3FB7];
	_ =	sdelay $0x3  }
0x36: {  	p1 =	seq.s32 s10, $0x1;
	s10 =	sld [smem:$0x3FB8];
	_ =	sdelay $0x3  }
0x37: {  	[smem:$0x3FB8] =	sst s10  }
0x38: {  	s10 =	sld [smem:$0x3FB9]  }
0x39: {  	_ = 	snop;
	(pc) =	sbr.ind lr, $3  }
0x3a: {  	_ = 	snop  }
0x3b: {  	_ = 	snop  }
0x3c: {  	p2 =	seq.s32 s10, $0x1;
	s10 =	sld [smem:$0x3FB8]  }
0x3d: {  	_ =	shalt  }
0x3e: {  	_ =	shalt  }
0x3f: {  	_ =	shalt  }
0x40: {  	_ =	shalt  }
0x41: {  	_ =	shalt  }
0x42: {  	_ =	shalt  }
0x43: {  	_ =	shalt  }
0x44: {  	_ =	shalt  }
0x45: {  	_ =	shalt  }
0x46: {  	_ =	shalt  }
0x47: {  	_ =	shalt  }
0x48: {  	_ =	shalt  }
0x49: {  	_ =	shalt  }
0x4a: {  	_ =	shalt  }
0x4b: {  	_ =	shalt  }
0x4c: {  	_ =	shalt  }
0x4d: {  	_ =	shalt  }
0x4e: {  	_ =	shalt  }
0x4f: {  	_ =	shalt  }
0x50: {  	_ =	shalt  }
0x51: {  	_ =	shalt  }
0x52: {  	_ =	shalt  }
0x53: {  	_ =	shalt  }
0x54: {  	_ =	shalt  }
0x55: {  	_ =	shalt  }
0x56: {  	_ =	shalt  }
0x57: {  	_ =	shalt  }
0x58: {  	_ =	shalt  }
0x59: {  	_ =	shalt  }
0x5a: {  	_ =	shalt  }
0x5b: {  	_ =	shalt  }
0x5c: {  	_ =	shalt  }
0x5d: {  	_ =	shalt  }
0x5e: {  	_ =	shalt  }
0x5f: {  	_ =	shalt  }
0x60: {  	_ =	shalt  }
0x61: {  	_ =	shalt  }
0x62: {  	_ =	shalt  }
0x63: {  	_ =	shalt  }
0x64: {  	_ =	shalt  }
0x65: {  	_ =	shalt  }
0x66: {  	_ =	shalt  }
0x67: {  	_ =	shalt  }
0x68: {  	_ =	shalt  }
0x69: {  	_ =	shalt  }
0x6a: {  	_ =	shalt  }
0x6b: {  	_ =	shalt  }
0x6c: {  	_ =	shalt  }
0x6d: {  	_ =	shalt  }
0x6e: {  	_ =	shalt  }
0x6f: {  	_ =	shalt  }
0x70: {  	_ =	shalt  }
0x71: {  	_ =	shalt  }
0x72: {  	_ =	shalt  }
0x73: {  	_ =	shalt  }
0x74: {  	_ =	shalt  }
0x75: {  	_ =	shalt  }
0x76: {  	_ =	shalt  }
0x77: {  	_ =	shalt  }
0x78: {  	_ =	shalt  }
0x79: {  	_ =	shalt  }
0x7a: {  	_ =	shalt  }
0x7b: {  	_ =	shalt  }
0x7c: {  	_ =	shalt  }
0x7d: {  	_ =	shalt  }
0x7e: {  	_ =	shalt  }
0x7f: {  	_ =	shalt  }
0x80: {  	_ =	shalt  }
0x81: {  	_ =	shalt  }
0x82: {  	_ =	shalt  }
0x83: {  	_ =	shalt  }
0x84: {  	_ =	shalt  }
0x85: {  	_ =	shalt  }
0x86: {  	_ =	shalt  }
0x87: {  	_ =	shalt  }
.Lfunc_end0:
.L_simem_size_0:
called_computation_lowered:
.L_overlay_start_0:
0x88: {  	s2 =	sld [smem:$0x3FD9]  }
0x89: {  	s3 =	sld [smem:$0x3FFE];
	_ =	sdelay $0x1  }
0x8a: {  	s1 =	srdreg.scid  }
0x8b: {  	s0 =	sand.u32 $0x1, s1  }
0x8c: {  	s17 =	sshll.u32 s0, $0xA;
	s2 =	sadd.s32 s3, s2  }
0x8d: {  	s2 =	sadd.s32 s2, s17  }
0x8e: {  	[smem:$0x3FC4] =	sst s2  }
0x8f: {  	_ = 	snop  }
0x90: {  	s2 =	sld [smem:$0x3FD0];
	(tm) =	ssettm $0x1  }
0x91: {  	s18 =	sld [smem:$0x3FFB];
	_ =	sdelay $0x3  }
0x92: {  	_ =	strace s18  }
0x93: {  	s3 =	sld [smem:$0x3FFC];
	_ =	sdelay $0x3  }
0x94: {  	_ =	strace s3  }
0x95: {  	s3 =	sld [smem:$0x3FFD];
	_ =	sdelay $0x3  }
0x96: {  	_ =	strace s3  }
0x97: {  	_ =	strace $0x8FFFFFFF  }
0x98: {  	s19 =	sld [smem:$0x3FDB];
	_ =	sdelay $0x1  }
0x99: {  	s4 =	simm.s32 $_scs_section_size  }
0x9a: {  	s5 =	simm.s32 $_size__tile_overlayer_lowered;
	s6 =	simm.s32 $_tile_overlayer_lowered  }
0x9b: {  	s22 =	simm.s32 $0x1BFF;
	s21 =	sshll.u32 s6, $0x1;
	s3 =	sadd.s32 s4, s19  }
0x9c: {  	s7 =	simm.s32 $0x0;
	s20 =	sshll.u32 s5, $0x1;
	s5 =	sadd.s32 s21, s3  }
0x9d: {  	[timem:s7], [sflag:s22] =	dma.local [hbm:s5], s20  }
0x9e: {  	_ =	swait.ge [sflag:s22], s20  }
0x9f: {  	s4 =	ssub.s32 $0x0, s20;
	[sflag:s22] =	ssyncset.done $0x0  }
0xa0: {  	[sflag:s22] =	ssyncadd.s32 s4;
	_ =	sdelay $0x1  }
0xa1: {  	s23 =	simm.s32 $0x1B8B  }
0xa2: {  	_ =	swait.ge [sflag:s23], $0x1  }
0xa3: {  	[sflag:s23] =	ssyncset.done $0x0  }
0xa4: {  	s25 =	simm.s32 $0x1B8E;
	s24 =	sld [smem:$0x3FFE];
	[sflag:s23] =	ssyncadd.s32 $0xFFFFFFFF  }
0xa5: {  	s26 =	simm.s32 $execute0_lowered;
	[smem:$0x3FD2] =	sst s25  }
0xa6: {  	s5 =	sshll.u32 s26, $0x1;
	_ =	strace $0x80000046;
	[dreg:$0x1] =	wrdreg $0xFFFFFFFF  }
0xa7: {  	s28 =	simm.s32 $_size_execute0_lowered;
	s3 =	sadd.s32 s3, s5;
	[dreg:$0x0] =	wrdreg $0x0  }
0xa8: {  	s5 =	sshll.u32 s28, $0x1;
	[dreg:$0x2] =	wrdreg s3  }
0xa9: {  	[dreg:$0x3] =	wrdreg s5  }
0xaa: {  	[dreg:$0x4] =	wrdreg $0xC0  }
0xab: {  	_ =	task [dreg:s7], $0x5FFFF  }
0xac: {  	[dreg:$0x1] =	wrdreg $0xFFFFFFFF  }
0xad: {  	[dreg:$0x0] =	wrdreg $0x60  }
0xae: {  	[dreg:$0x2] =	wrdreg s24  }
0xaf: {  	[dreg:$0x3] =	wrdreg s2  }
0xb0: {  	[dreg:$0x4] =	wrdreg $0xB000  }
0xb1: {  	[dreg:$0x5] =	wrdreg $0x9  }
0xb2: {  	_ =	task.clear_ibuf [dreg:s7], $0x6FFFF;
	_ =	strace $0x90000046  }
0xb3: {  	s29 =	simm.s32 $0x9;
	_ =	strace $0x80000048  }
0xb4: {  	_ =	swait.ge [sflag:s29], $0x1  }
0xb5: {  	[sflag:s29] =	ssyncadd.s32 $0xFFFFFFFF  }
0xb6: {  	_ =	strace $0x90000048  }
0xb7: {  	_ =	sfence  }
0xb8: {  	s30 =	sld [smem:$0x0];
	_ =	sdelay $0x2  }
0xb9: {  	s31 =	sshll.u32 s1, $0xD;
	s1 =	sshrl.u32 s1, $0x2  }
0xba: {  	s3 =	sand.u32 $0x4000, s31;
	s1 =	sadd.s32 s1, s30  }
0xbb: {  	s0 =	sor.u32 s3, s0;
	s1 =	sshll.u32 s1, $0x11  }
0xbc: {  	s0 =	sor.u32 s1, s0  }
0xbd: {  	s0 =	sadd.s32 $0x8F2B, s0  }
0xbe: {  	[sflag:s0] =	ssyncadd.remote.s32 $0x1  }
0xbf: {  	_ =	sfence.sel $0xFFFF  }
0xc0: {  	[dreg:$0x0] =	wrdreg $0xFFFFFFFF;
	(pc) =	sbr.abs _section_cstart, $3  }
0xc1: {  	[dreg:$0x1] =	wrdreg $0xFFFFFFFF  }
0xc2: {  	_ =	task.clear_ibuf [dreg:s7], $0x2FFFF;
	_ =	strace $0x9FFFFFFF  }
0xc3: {  	(tm) =	ssettm $0x7FFFFFFF  }
tec
execute0_lowered:
.L_overlay_start_1:
0x0: {  	(tag) =	ssettag $0x1  }
0x1: {  	s0 =	rddreg [dreg:$0x0]  }
0x2: {  	s6 =	rddreg [dreg:$0x1]  }
0x3: {  	s2 =	rddreg [dreg:$0x2];
	s3 =	simm.s32 $0x0;
	s4 =	srdreg.scid  }
0x4: {  	s1 =	stileid.u32;
	s12 =	simm.s32 $0x800;
	s16 =	simm.s32 $0x280  }
0x5: {  	s17 =	simm.s32 $0x300;
	s18 =	simm.s32 $0x380;
	s19 =	simm.s32 $0x400  }
0x6: {  	s20 =	simm.s32 $0x480;
	s21 =	simm.s32 $0x500;
	s22 =	simm.s32 $0x580  }
0x7: {  	s23 =	simm.s32 $0x600;
	s24 =	simm.s32 $0x680;
	s28 =	simm.s32 $0x1  }
0x8: {  	s29 =	simm.s32 $0x2;
	s30 =	simm.s32 $0x0;
	s8 =	smul.u32 $0x280, s1  }
0x9: {  	[smem:$0x7FF] =	sst s3;
	s5 =	sand.u32 $0x1, s4;
	s11 =	smul.u32 $0xA00, s1  }
0xa: {  	s25 =	sshll.u32 s1, $0x1;
	s0 =	sadd.s32 $0x2800, s0;
	s26 =	smul.u32 $0x2800, s5  }
0xb: {  	s7 =	ssub.s32 $0x2, s5;
	s4 =	sor.u32 s5, s25;
	s31 =	smul.u32 $0x500, s5  }
0xc: {  	_ =	strace $0x80000047;
	s9 =	sshrl.u32 s7, $0x1;
	s10 =	smul.u32 $0x2800, s4  }
0xd: {  	s25 =	simm.s32 $0x700;
	s4 =	sadd.s32 s8, s2;
	s7 =	ssub.s32 s7, s9  }
0xe: {  	s8 =	sadd.s32 s8, s26;
	s26 =	simm.s32 $0x780;
	s10 =	sshrl.u32 s10, $0x3  }
0xf: {  	s8 =	sshrl.u32 s8, $0x3;
	s7 =	smax.u32 s7, $0x1;
	s10 =	sadd.s32 s0, s10  }
0x10: {  	s0 =	sadd.s32 s11, s0;
	s6 =	sadd.s32 s6, s8;
	s11 =	simm.s32 $0x80  }
0x11: {  	v0 =	vimm.f32 $1.000000000e+00;
	v1 =	vimm.f32 $0.0e+00;
	s5 =	sadd.s32 $0xA080, s10;
	s8 =	sadd.s32 s31, s0;
	s10 =	simm.s32 $0x3  }
.LBB2_1:
0x12: {  	[tilespmem:$0x800] =	vst v0  }
0x13: {  	[tilespmem:$0x810] =	vst v0  }
0x14: {  	[tilespmem:$0x820] =	vst v0  }
0x15: {  	[tilespmem:$0x830] =	vst v0  }
0x16: {  	[tilespmem:$0x840] =	vst v0  }
0x17: {  	[tilespmem:$0x850] =	vst v0  }
0x18: {  	[tilespmem:$0x860] =	vst v0  }
0x19: {  	[tilespmem:$0x870] =	vst v0  }
0x1a: {  	[tilespmem:$0x880] =	vst v1  }
0x1b: {  	[tilespmem:$0x890] =	vst v1  }
0x1c: {  	[tilespmem:$0x8A0] =	vst v1  }
0x1d: {  	[tilespmem:$0x8B0] =	vst v1  }
0x1e: {  	[tilespmem:$0x8C0] =	vst v1  }
0x1f: {  	[tilespmem:$0x8D0] =	vst v1  }
0x20: {  	[tilespmem:$0x8E0] =	vst v1  }
0x21: {  	[tilespmem:$0x8F0] =	vst v1  }
0x22: {  	[tilespmem:$0x900] =	vst v1  }
0x23: {  	[tilespmem:$0x910] =	vst v1  }
0x24: {  	[tilespmem:$0x920] =	vst v1  }
0x25: {  	[tilespmem:$0x930] =	vst v1  }
0x26: {  	[tilespmem:$0x940] =	vst v1  }
0x27: {  	[tilespmem:$0x950] =	vst v1  }
0x28: {  	[tilespmem:$0x960] =	vst v1  }
0x29: {  	[tilespmem:$0x970] =	vst v1  }
0x2a: {  	[tilespmem:$0x980] =	vst v1  }
0x2b: {  	[tilespmem:$0x990] =	vst v1  }
0x2c: {  	[tilespmem:$0x9A0] =	vst v1  }
0x2d: {  	[tilespmem:$0x9B0] =	vst v1  }
0x2e: {  	[tilespmem:$0x9C0] =	vst v1  }
0x2f: {  	[tilespmem:$0x9D0] =	vst v1  }
0x30: {  	[tilespmem:$0x9E0] =	vst v1  }
0x31: {  	[tilespmem:$0x9F0] =	vst v1  }
0x32: {  	[tilespmem:$0xA00] =	vst v1  }
0x33: {  	[tilespmem:$0xA10] =	vst v1  }
0x34: {  	[tilespmem:$0xA20] =	vst v1  }
0x35: {  	[tilespmem:$0xA30] =	vst v1  }
0x36: {  	[tilespmem:$0xA40] =	vst v1  }
0x37: {  	[tilespmem:$0xA50] =	vst v1  }
0x38: {  	[tilespmem:$0xA60] =	vst v1  }
0x39: {  	[tilespmem:$0xA70] =	vst v1  }
0x3a: {  	[tilespmem:$0xA80] =	vst v1  }
0x3b: {  	[tilespmem:$0xA90] =	vst v1  }
0x3c: {  	[tilespmem:$0xAA0] =	vst v1  }
0x3d: {  	[tilespmem:$0xAB0] =	vst v1  }
0x3e: {  	[tilespmem:$0xAC0] =	vst v1  }
0x3f: {  	[tilespmem:$0xAD0] =	vst v1  }
0x40: {  	[tilespmem:$0xAE0] =	vst v1  }
0x41: {  	[tilespmem:$0xAF0] =	vst v1;
	s0 =	simm.s32 $0x880  }
0x42: {  	[spmem:s4] =	stream.linear.scatter [tilespmem:s0], [sflag:$0x3], $0x280, $0x38;
	[tilespmem:$0xD80] =	vst v63  }
0x43: {  	_ =	swait.ge [sflag:s10], $0x280  }
0x44: {  	[sflag:s10] =	ssyncset.done $0x0  }
0x45: {  	[sflag:s10] =	ssyncadd.s32 $0xFFFFFD80  }
0x46: {  	[bflag:$0x0] =	sbarrier.arrive $0xFFFF  }
0x47: {  	[tilespmem:s3], [sflag:$0x3] =	stream.linear.gather [hbm4b:s5+s3], $0x400, $0x38;
	[tilespmem:$0xD80] =	vst v63  }
0x48: {  	_ =	swait.ge [sflag:s10], $0x400  }
0x49: {  	[sflag:s10] =	ssyncset.done $0x0  }
0x4a: {  	[sflag:s10] =	ssyncadd.s32 $0xFFFFFC00  }
0x4b: {  	[spmem:s2] =	stream.indirect.scatter.add.f32 [tilespmem:s12], [sflag:$0x1], $0x1, s3, s11, $0xb8;
	[tilespmem:$0xD80] =	vst v63  }
0x4c: {  	_ = 	snop  }
0x4d: {  	[spmem:s2] =	stream.indirect.scatter.add.f32 [tilespmem:s12], [sflag:$0x1], $0x1, s11, s11, $0xb8;
	[tilespmem:$0xD80] =	vst v63  }
0x4e: {  	s9 =	simm.s32 $0x100  }
0x4f: {  	[spmem:s2] =	stream.indirect.scatter.add.f32 [tilespmem:s12], [sflag:$0x1], $0x1, s9, s11, $0xb8;
	[tilespmem:$0xD80] =	vst v63  }
0x50: {  	s13 =	simm.s32 $0x180  }
0x51: {  	[spmem:s2] =	stream.indirect.scatter.add.f32 [tilespmem:s12], [sflag:$0x1], $0x1, s13, s11, $0xb8;
	[tilespmem:$0xD80] =	vst v63  }
0x52: {  	s14 =	simm.s32 $0x200  }
0x53: {  	[spmem:s2] =	stream.indirect.scatter.add.f32 [tilespmem:s12], [sflag:$0x1], $0x1, s14, s11, $0xb8;
	[tilespmem:$0xD80] =	vst v63  }
0x54: {  	_ = 	snop  }
0x55: {  	[spmem:s2] =	stream.indirect.scatter.add.f32 [tilespmem:s12], [sflag:$0x1], $0x1, s16, s11, $0xb8;
	[tilespmem:$0xD80] =	vst v63  }
0x56: {  	_ = 	snop  }
0x57: {  	[spmem:s2] =	stream.indirect.scatter.add.f32 [tilespmem:s12], [sflag:$0x1], $0x1, s17, s11, $0xb8;
	[tilespmem:$0xD80] =	vst v63  }
0x58: {  	s15 =	sadd.s32 $0xFFFFFB00, s8  }
0x59: {  	[spmem:s2] =	stream.indirect.scatter.add.f32 [tilespmem:s12], [sflag:$0x1], $0x1, s18, s11, $0xb8;
	[tilespmem:$0xD80] =	vst v63  }
0x5a: {  	s9 =	sadd.s32 $0xA600, s15  }
0x5b: {  	[tilespmem:s19], [sflag:$0x3] =	stream.linear.gather [hbm4b:s9+s3], $0x400, $0x38;
	[tilespmem:$0xD80] =	vst v63  }
0x5c: {  	_ =	swait.ge [sflag:s10], $0x400  }
0x5d: {  	[sflag:s10] =	ssyncset.done $0x0  }
0x5e: {  	[sflag:s10] =	ssyncadd.s32 $0xFFFFFC00  }
0x5f: {  	[spmem:s2] =	stream.indirect.scatter.add.f32 [tilespmem:s12], [sflag:$0x2], $0x1, s19, s11, $0xb8;
	[tilespmem:$0xD80] =	vst v63  }
0x60: {  	_ = 	snop  }
0x61: {  	[spmem:s2] =	stream.indirect.scatter.add.f32 [tilespmem:s12], [sflag:$0x2], $0x1, s20, s11, $0xb8;
	[tilespmem:$0xD80] =	vst v63  }
0x62: {  	_ = 	snop  }
0x63: {  	[spmem:s2] =	stream.indirect.scatter.add.f32 [tilespmem:s12], [sflag:$0x2], $0x1, s21, s11, $0xb8;
	[tilespmem:$0xD80] =	vst v63  }
0x64: {  	_ = 	snop  }
0x65: {  	[spmem:s2] =	stream.indirect.scatter.add.f32 [tilespmem:s12], [sflag:$0x2], $0x1, s22, s11, $0xb8;
	[tilespmem:$0xD80] =	vst v63  }
0x66: {  	_ = 	snop  }
0x67: {  	[spmem:s2] =	stream.indirect.scatter.add.f32 [tilespmem:s12], [sflag:$0x2], $0x1, s23, s11, $0xb8;
	[tilespmem:$0xD80] =	vst v63  }
0x68: {  	_ = 	snop  }
0x69: {  	[spmem:s2] =	stream.indirect.scatter.add.f32 [tilespmem:s12], [sflag:$0x2], $0x1, s24, s11, $0xb8;
	[tilespmem:$0xD80] =	vst v63  }
0x6a: {  	_ = 	snop  }
0x6b: {  	[spmem:s2] =	stream.indirect.scatter.add.f32 [tilespmem:s12], [sflag:$0x2], $0x1, s25, s11, $0xb8;
	[tilespmem:$0xD80] =	vst v63  }
0x6c: {  	_ = 	snop  }
0x6d: {  	[spmem:s2] =	stream.indirect.scatter.add.f32 [tilespmem:s12], [sflag:$0x2], $0x1, s26, s11, $0xb8;
	[tilespmem:$0xD80] =	vst v63  }
0x6e: {  	_ =	swait.ge [sflag:s28], $0x80  }
0x6f: {  	[sflag:s28] =	ssyncset.done $0x0  }
0x70: {  	[sflag:s28] =	ssyncadd.s32 $0xFFFFFF80  }
0x71: {  	_ =	swait.ge [sflag:s28], $0x80  }
0x72: {  	[sflag:s28] =	ssyncset.done $0x0  }
0x73: {  	[sflag:s28] =	ssyncadd.s32 $0xFFFFFF80  }
0x74: {  	_ =	swait.ge [sflag:s28], $0x80  }
0x75: {  	[sflag:s28] =	ssyncset.done $0x0  }
0x76: {  	[sflag:s28] =	ssyncadd.s32 $0xFFFFFF80  }
0x77: {  	_ =	swait.ge [sflag:s28], $0x80  }
0x78: {  	[sflag:s28] =	ssyncset.done $0x0  }
0x79: {  	[sflag:s28] =	ssyncadd.s32 $0xFFFFFF80  }
0x7a: {  	_ =	swait.ge [sflag:s28], $0x80  }
0x7b: {  	[sflag:s28] =	ssyncset.done $0x0  }
0x7c: {  	[sflag:s28] =	ssyncadd.s32 $0xFFFFFF80  }
0x7d: {  	_ =	swait.ge [sflag:s28], $0x80  }
0x7e: {  	[sflag:s28] =	ssyncset.done $0x0  }
0x7f: {  	[sflag:s28] =	ssyncadd.s32 $0xFFFFFF80  }
0x80: {  	_ =	swait.ge [sflag:s28], $0x80  }
0x81: {  	[sflag:s28] =	ssyncset.done $0x0  }
0x82: {  	[sflag:s28] =	ssyncadd.s32 $0xFFFFFF80  }
0x83: {  	_ =	swait.ge [sflag:s28], $0x80  }
0x84: {  	[sflag:s28] =	ssyncset.done $0x0  }
0x85: {  	s0 =	sadd.s32 $0xA680, s15;
	[sflag:s28] =	ssyncadd.s32 $0xFFFFFF80  }
0x86: {  	[tilespmem:s3], [sflag:$0x3] =	stream.linear.gather [hbm4b:s0+s3], $0x400, $0x38;
	[tilespmem:$0xD80] =	vst v63  }
0x87: {  	p0 =	por $0x0, $0x0;
	_ =	swait.ge [sflag:s10], $0x400  }
0x88: {  	s13 =	simm.s32 @!p0 $0x800;
	[sflag:s10] =	ssyncset.done $0x0  }
0x89: {  	s9 =	simm.s32 @!p0 $0x0;
	s0 =	simm.s32 @!p0 $0x80;
	[sflag:s10] =	ssyncadd.s32 $0xFFFFFC00  }
0x8a: {  	[spmem:s2] =	stream.indirect.scatter.add.f32 @!p0 [tilespmem:s13], [sflag:$0x1], $0x1, s9, s0, $0xb8;
	[tilespmem:$0xD80] =	vst v63  }
0x8b: {  	_ = 	snop  }
0x8c: {  	[spmem:s2] =	stream.indirect.scatter.add.f32 @!p0 [tilespmem:s13], [sflag:$0x1], $0x1, s0, s0, $0xb8;
	[tilespmem:$0xD80] =	vst v63  }
0x8d: {  	s9 =	simm.s32 @!p0 $0x100  }
0x8e: {  	[spmem:s2] =	stream.indirect.scatter.add.f32 @!p0 [tilespmem:s13], [sflag:$0x1], $0x1, s9, s0, $0xb8;
	[tilespmem:$0xD80] =	vst v63  }
0x8f: {  	s9 =	simm.s32 @!p0 $0x180  }
0x90: {  	[spmem:s2] =	stream.indirect.scatter.add.f32 @!p0 [tilespmem:s13], [sflag:$0x1], $0x1, s9, s0, $0xb8;
	[tilespmem:$0xD80] =	vst v63  }
0x91: {  	s9 =	simm.s32 @!p0 $0x200  }
0x92: {  	[spmem:s2] =	stream.indirect.scatter.add.f32 @!p0 [tilespmem:s13], [sflag:$0x1], $0x1, s9, s0, $0xb8;
	[tilespmem:$0xD80] =	vst v63  }
0x93: {  	s9 =	simm.s32 @!p0 $0x280  }
0x94: {  	[spmem:s2] =	stream.indirect.scatter.add.f32 @!p0 [tilespmem:s13], [sflag:$0x1], $0x1, s9, s0, $0xb8;
	[tilespmem:$0xD80] =	vst v63  }
0x95: {  	s9 =	simm.s32 @!p0 $0x300  }
0x96: {  	[spmem:s2] =	stream.indirect.scatter.add.f32 @!p0 [tilespmem:s13], [sflag:$0x1], $0x1, s9, s0, $0xb8;
	[tilespmem:$0xD80] =	vst v63  }
0x97: {  	s9 =	simm.s32 @!p0 $0x380  }
0x98: {  	[spmem:s2] =	stream.indirect.scatter.add.f32 @!p0 [tilespmem:s13], [sflag:$0x1], $0x1, s9, s0, $0xb8;
	[tilespmem:$0xD80] =	vst v63  }
0x99: {  	_ =	swait.ge [sflag:s29], $0x80  }
0x9a: {  	[sflag:s29] =	ssyncset.done $0x0  }
0x9b: {  	[sflag:s29] =	ssyncadd.s32 $0xFFFFFF80  }
0x9c: {  	_ =	swait.ge [sflag:s29], $0x80  }
0x9d: {  	[sflag:s29] =	ssyncset.done $0x0  }
0x9e: {  	[sflag:s29] =	ssyncadd.s32 $0xFFFFFF80  }
0x9f: {  	_ =	swait.ge [sflag:s29], $0x80  }
0xa0: {  	[sflag:s29] =	ssyncset.done $0x0  }
0xa1: {  	[sflag:s29] =	ssyncadd.s32 $0xFFFFFF80  }
0xa2: {  	_ =	swait.ge [sflag:s29], $0x80  }
0xa3: {  	[sflag:s29] =	ssyncset.done $0x0  }
0xa4: {  	[sflag:s29] =	ssyncadd.s32 $0xFFFFFF80  }
0xa5: {  	_ =	swait.ge [sflag:s29], $0x80  }
0xa6: {  	[sflag:s29] =	ssyncset.done $0x0  }
0xa7: {  	[sflag:s29] =	ssyncadd.s32 $0xFFFFFF80  }
0xa8: {  	_ =	swait.ge [sflag:s29], $0x80  }
0xa9: {  	[sflag:s29] =	ssyncset.done $0x0  }
0xaa: {  	[sflag:s29] =	ssyncadd.s32 $0xFFFFFF80  }
0xab: {  	_ =	swait.ge [sflag:s29], $0x80  }
0xac: {  	[sflag:s29] =	ssyncset.done $0x0  }
0xad: {  	s31 =	simm.s32 $0xFFFFFC00;
	[sflag:s29] =	ssyncadd.s32 $0xFFFFFF80  }
0xae: {  	s0 =	simm.s32 $0xFFFFFD00;
	s9 =	sadd.s32 $0xFFFFFC00, s8;
	_ =	swait.ge [sflag:s29], $0x80  }
.LBB2_2:
0xaf: {  	s14 =	sadd.s32 $0xA600, s9  }
0xb0: {  	[sflag:s29] =	ssyncset.done $0x0;
	s13 =	smov.u32 s0;
	s0 =	sadd.s32 $0x100, s0  }
0xb1: {  	p0 =	sne.s32 s0, $0x0;
	[sflag:s29] =	ssyncadd.s32 $0xFFFFFF80  }
0xb2: {  	[tilespmem:s19], [sflag:$0x3] =	stream.linear.gather [hbm4b:s14+s3], $0x400, $0x38;
	[tilespmem:$0xD80] =	vst v63  }
0xb3: {  	_ =	swait.ge [sflag:s10], $0x400  }
0xb4: {  	[sflag:s10] =	ssyncset.done $0x0  }
0xb5: {  	[sflag:s10] =	ssyncadd.s32 $0xFFFFFC00  }
0xb6: {  	[spmem:s2] =	stream.indirect.scatter.add.f32 [tilespmem:s12], [sflag:$0x2], $0x1, s19, s11, $0xb8;
	[tilespmem:$0xD80] =	vst v63  }
0xb7: {  	_ = 	snop  }
0xb8: {  	[spmem:s2] =	stream.indirect.scatter.add.f32 [tilespmem:s12], [sflag:$0x2], $0x1, s20, s11, $0xb8;
	[tilespmem:$0xD80] =	vst v63  }
0xb9: {  	_ = 	snop  }
0xba: {  	[spmem:s2] =	stream.indirect.scatter.add.f32 [tilespmem:s12], [sflag:$0x2], $0x1, s21, s11, $0xb8;
	[tilespmem:$0xD80] =	vst v63  }
0xbb: {  	_ = 	snop  }
0xbc: {  	[spmem:s2] =	stream.indirect.scatter.add.f32 [tilespmem:s12], [sflag:$0x2], $0x1, s22, s11, $0xb8;
	[tilespmem:$0xD80] =	vst v63  }
0xbd: {  	_ = 	snop  }
0xbe: {  	[spmem:s2] =	stream.indirect.scatter.add.f32 [tilespmem:s12], [sflag:$0x2], $0x1, s23, s11, $0xb8;
	[tilespmem:$0xD80] =	vst v63  }
0xbf: {  	_ = 	snop  }
0xc0: {  	[spmem:s2] =	stream.indirect.scatter.add.f32 [tilespmem:s12], [sflag:$0x2], $0x1, s24, s11, $0xb8;
	[tilespmem:$0xD80] =	vst v63  }
0xc1: {  	_ = 	snop  }
0xc2: {  	[spmem:s2] =	stream.indirect.scatter.add.f32 [tilespmem:s12], [sflag:$0x2], $0x1, s25, s11, $0xb8;
	[tilespmem:$0xD80] =	vst v63  }
0xc3: {  	_ = 	snop  }
0xc4: {  	[spmem:s2] =	stream.indirect.scatter.add.f32 [tilespmem:s12], [sflag:$0x2], $0x1, s26, s11, $0xb8;
	[tilespmem:$0xD80] =	vst v63  }
0xc5: {  	_ =	swait.ge [sflag:s28], $0x80  }
0xc6: {  	[sflag:s28] =	ssyncset.done $0x0  }
0xc7: {  	[sflag:s28] =	ssyncadd.s32 $0xFFFFFF80  }
0xc8: {  	_ =	swait.ge [sflag:s28], $0x80  }
0xc9: {  	[sflag:s28] =	ssyncset.done $0x0  }
0xca: {  	[sflag:s28] =	ssyncadd.s32 $0xFFFFFF80  }
0xcb: {  	_ =	swait.ge [sflag:s28], $0x80  }
0xcc: {  	[sflag:s28] =	ssyncset.done $0x0  }
0xcd: {  	[sflag:s28] =	ssyncadd.s32 $0xFFFFFF80  }
0xce: {  	_ =	swait.ge [sflag:s28], $0x80  }
0xcf: {  	[sflag:s28] =	ssyncset.done $0x0  }
0xd0: {  	[sflag:s28] =	ssyncadd.s32 $0xFFFFFF80  }
0xd1: {  	_ =	swait.ge [sflag:s28], $0x80  }
0xd2: {  	[sflag:s28] =	ssyncset.done $0x0  }
0xd3: {  	[sflag:s28] =	ssyncadd.s32 $0xFFFFFF80  }
0xd4: {  	_ =	swait.ge [sflag:s28], $0x80  }
0xd5: {  	[sflag:s28] =	ssyncset.done $0x0  }
0xd6: {  	[sflag:s28] =	ssyncadd.s32 $0xFFFFFF80  }
0xd7: {  	_ =	swait.ge [sflag:s28], $0x80  }
0xd8: {  	[sflag:s28] =	ssyncset.done $0x0  }
0xd9: {  	[sflag:s28] =	ssyncadd.s32 $0xFFFFFF80  }
0xda: {  	_ =	swait.ge [sflag:s28], $0x80  }
0xdb: {  	s9 =	sadd.s32 $0xA680, s9;
	[sflag:s28] =	ssyncset.done $0x0  }
0xdc: {  	[sflag:s28] =	ssyncadd.s32 $0xFFFFFF80  }
0xdd: {  	[tilespmem:s3], [sflag:$0x3] =	stream.linear.gather [hbm4b:s9+s3], $0x400, $0x38;
	[tilespmem:$0xD80] =	vst v63  }
0xde: {  	p1 =	seq.s32 s31, $0xFFFFFF00;
	s31 =	smov.u32 s13;
	_ =	swait.ge [sflag:s10], $0x400  }
0xdf: {  	s13 =	simm.s32 @!p1 $0x0;
	s9 =	simm.s32 @!p1 $0x80;
	[sflag:s10] =	ssyncset.done $0x0  }
0xe0: {  	s14 =	simm.s32 @!p1 $0x800;
	[sflag:s10] =	ssyncadd.s32 $0xFFFFFC00  }
0xe1: {  	[spmem:s2] =	stream.indirect.scatter.add.f32 @!p1 [tilespmem:s14], [sflag:$0x1], $0x1, s13, s9, $0xb8;
	[tilespmem:$0xD80] =	vst v63  }
0xe2: {  	s13 =	simm.s32 @!p1 $0x100  }
0xe3: {  	[spmem:s2] =	stream.indirect.scatter.add.f32 @!p1 [tilespmem:s14], [sflag:$0x1], $0x1, s9, s9, $0xb8;
	[tilespmem:$0xD80] =	vst v63  }
0xe4: {  	s15 =	simm.s32 @!p1 $0x180  }
0xe5: {  	[spmem:s2] =	stream.indirect.scatter.add.f32 @!p1 [tilespmem:s14], [sflag:$0x1], $0x1, s13, s9, $0xb8;
	[tilespmem:$0xD80] =	vst v63  }
0xe6: {  	s13 =	simm.s32 @!p1 $0x200  }
0xe7: {  	[spmem:s2] =	stream.indirect.scatter.add.f32 @!p1 [tilespmem:s14], [sflag:$0x1], $0x1, s15, s9, $0xb8;
	[tilespmem:$0xD80] =	vst v63  }
0xe8: {  	s15 =	simm.s32 @!p1 $0x280  }
0xe9: {  	[spmem:s2] =	stream.indirect.scatter.add.f32 @!p1 [tilespmem:s14], [sflag:$0x1], $0x1, s13, s9, $0xb8;
	[tilespmem:$0xD80] =	vst v63  }
0xea: {  	s13 =	simm.s32 @!p1 $0x300  }
0xeb: {  	[spmem:s2] =	stream.indirect.scatter.add.f32 @!p1 [tilespmem:s14], [sflag:$0x1], $0x1, s15, s9, $0xb8;
	[tilespmem:$0xD80] =	vst v63  }
0xec: {  	s15 =	simm.s32 @!p1 $0x380  }
0xed: {  	[spmem:s2] =	stream.indirect.scatter.add.f32 @!p1 [tilespmem:s14], [sflag:$0x1], $0x1, s13, s9, $0xb8;
	[tilespmem:$0xD80] =	vst v63  }
0xee: {  	_ = 	snop  }
0xef: {  	[spmem:s2] =	stream.indirect.scatter.add.f32 @!p1 [tilespmem:s14], [sflag:$0x1], $0x1, s15, s9, $0xb8;
	[tilespmem:$0xD80] =	vst v63  }
0xf0: {  	_ =	swait.ge [sflag:s29], $0x80  }
0xf1: {  	[sflag:s29] =	ssyncset.done $0x0  }
0xf2: {  	[sflag:s29] =	ssyncadd.s32 $0xFFFFFF80  }
0xf3: {  	_ =	swait.ge [sflag:s29], $0x80  }
0xf4: {  	[sflag:s29] =	ssyncset.done $0x0  }
0xf5: {  	[sflag:s29] =	ssyncadd.s32 $0xFFFFFF80  }
0xf6: {  	_ =	swait.ge [sflag:s29], $0x80  }
0xf7: {  	[sflag:s29] =	ssyncset.done $0x0  }
0xf8: {  	[sflag:s29] =	ssyncadd.s32 $0xFFFFFF80  }
0xf9: {  	_ =	swait.ge [sflag:s29], $0x80  }
0xfa: {  	[sflag:s29] =	ssyncset.done $0x0  }
0xfb: {  	[sflag:s29] =	ssyncadd.s32 $0xFFFFFF80  }
0xfc: {  	_ =	swait.ge [sflag:s29], $0x80  }
0xfd: {  	[sflag:s29] =	ssyncset.done $0x0  }
0xfe: {  	[sflag:s29] =	ssyncadd.s32 $0xFFFFFF80  }
0xff: {  	_ =	swait.ge [sflag:s29], $0x80  }
0x100: {  	[sflag:s29] =	ssyncset.done $0x0  }
.Ltmp0:
0x101: {  	[sflag:s29] =	ssyncadd.s32 $0xFFFFFF80;
	(pc) =	sbr.rel @p0 .LBB2_2-.Ltmp0, $4  }
0x102: {  	_ =	swait.ge [sflag:s29], $0x80  }
0x103: {  	[sflag:s29] =	ssyncset.done $0x0  }
0x104: {  	[sflag:s29] =	ssyncadd.s32 $0xFFFFFF80  }
0x105: {  	s9 =	sadd.s32 s31, s8;
	_ =	swait.ge [sflag:s29], $0x80  }
0x106: {  	[sflag:s29] =	ssyncset.done $0x0  }
0x107: {  	s0 =	sadd.s32 $0xA600, s9;
	[sflag:s29] =	ssyncadd.s32 $0xFFFFFF80  }
0x108: {  	[tilespmem:s19], [sflag:$0x3] =	stream.linear.gather [hbm4b:s0+s3], $0x400, $0x38;
	[tilespmem:$0xD80] =	vst v63  }
0x109: {  	_ =	swait.ge [sflag:s10], $0x400  }
0x10a: {  	[sflag:s10] =	ssyncset.done $0x0  }
0x10b: {  	[sflag:s10] =	ssyncadd.s32 $0xFFFFFC00  }
0x10c: {  	[spmem:s2] =	stream.indirect.scatter.add.f32 [tilespmem:s12], [sflag:$0x2], $0x1, s19, s11, $0xb8;
	[tilespmem:$0xD80] =	vst v63  }
0x10d: {  	_ = 	snop  }
0x10e: {  	[spmem:s2] =	stream.indirect.scatter.add.f32 [tilespmem:s12], [sflag:$0x2], $0x1, s20, s11, $0xb8;
	[tilespmem:$0xD80] =	vst v63  }
0x10f: {  	_ = 	snop  }
0x110: {  	[spmem:s2] =	stream.indirect.scatter.add.f32 [tilespmem:s12], [sflag:$0x2], $0x1, s21, s11, $0xb8;
	[tilespmem:$0xD80] =	vst v63  }
0x111: {  	_ = 	snop  }
0x112: {  	[spmem:s2] =	stream.indirect.scatter.add.f32 [tilespmem:s12], [sflag:$0x2], $0x1, s22, s11, $0xb8;
	[tilespmem:$0xD80] =	vst v63  }
0x113: {  	_ = 	snop  }
0x114: {  	[spmem:s2] =	stream.indirect.scatter.add.f32 [tilespmem:s12], [sflag:$0x2], $0x1, s23, s11, $0xb8;
	[tilespmem:$0xD80] =	vst v63  }
0x115: {  	_ = 	snop  }
0x116: {  	[spmem:s2] =	stream.indirect.scatter.add.f32 [tilespmem:s12], [sflag:$0x2], $0x1, s24, s11, $0xb8;
	[tilespmem:$0xD80] =	vst v63  }
0x117: {  	_ = 	snop  }
0x118: {  	[spmem:s2] =	stream.indirect.scatter.add.f32 [tilespmem:s12], [sflag:$0x2], $0x1, s25, s11, $0xb8;
	[tilespmem:$0xD80] =	vst v63  }
0x119: {  	_ = 	snop  }
0x11a: {  	[spmem:s2] =	stream.indirect.scatter.add.f32 [tilespmem:s12], [sflag:$0x2], $0x1, s26, s11, $0xb8;
	[tilespmem:$0xD80] =	vst v63  }
0x11b: {  	_ =	swait.ge [sflag:s28], $0x80  }
0x11c: {  	[sflag:s28] =	ssyncset.done $0x0  }
0x11d: {  	[sflag:s28] =	ssyncadd.s32 $0xFFFFFF80  }
0x11e: {  	_ =	swait.ge [sflag:s28], $0x80  }
0x11f: {  	[sflag:s28] =	ssyncset.done $0x0  }
0x120: {  	[sflag:s28] =	ssyncadd.s32 $0xFFFFFF80  }
0x121: {  	_ =	swait.ge [sflag:s28], $0x80  }
0x122: {  	[sflag:s28] =	ssyncset.done $0x0  }
0x123: {  	[sflag:s28] =	ssyncadd.s32 $0xFFFFFF80  }
0x124: {  	_ =	swait.ge [sflag:s28], $0x80  }
0x125: {  	[sflag:s28] =	ssyncset.done $0x0  }
0x126: {  	[sflag:s28] =	ssyncadd.s32 $0xFFFFFF80  }
0x127: {  	_ =	swait.ge [sflag:s28], $0x80  }
0x128: {  	[sflag:s28] =	ssyncset.done $0x0  }
0x129: {  	[sflag:s28] =	ssyncadd.s32 $0xFFFFFF80  }
0x12a: {  	_ =	swait.ge [sflag:s28], $0x80  }
0x12b: {  	[sflag:s28] =	ssyncset.done $0x0  }
0x12c: {  	[sflag:s28] =	ssyncadd.s32 $0xFFFFFF80  }
0x12d: {  	_ =	swait.ge [sflag:s28], $0x80  }
0x12e: {  	[sflag:s28] =	ssyncset.done $0x0  }
0x12f: {  	[sflag:s28] =	ssyncadd.s32 $0xFFFFFF80  }
0x130: {  	_ =	swait.ge [sflag:s28], $0x80  }
0x131: {  	[sflag:s28] =	ssyncset.done $0x0  }
0x132: {  	s14 =	sadd.s32 $0xA680, s9;
	[sflag:s28] =	ssyncadd.s32 $0xFFFFFF80  }
0x133: {  	[tilespmem:s3], [sflag:$0x3] =	stream.linear.gather [hbm4b:s14+s3], $0x400, $0x38;
	[tilespmem:$0xD80] =	vst v63  }
0x134: {  	p0 =	seq.s32 s31, $0xFFFFFF00;
	_ =	swait.ge [sflag:s10], $0x400  }
0x135: {  	s9 =	simm.s32 @!p0 $0x0;
	[sflag:s10] =	ssyncset.done $0x0  }
0x136: {  	s13 =	simm.s32 @!p0 $0x800;
	s0 =	simm.s32 @!p0 $0x80;
	[sflag:s10] =	ssyncadd.s32 $0xFFFFFC00  }
0x137: {  	[spmem:s2] =	stream.indirect.scatter.add.f32 @!p0 [tilespmem:s13], [sflag:$0x1], $0x1, s9, s0, $0xb8;
	[tilespmem:$0xD80] =	vst v63  }
0x138: {  	_ = 	snop  }
0x139: {  	[spmem:s2] =	stream.indirect.scatter.add.f32 @!p0 [tilespmem:s13], [sflag:$0x1], $0x1, s0, s0, $0xb8;
	[tilespmem:$0xD80] =	vst v63  }
0x13a: {  	s9 =	simm.s32 @!p0 $0x100  }
0x13b: {  	[spmem:s2] =	stream.indirect.scatter.add.f32 @!p0 [tilespmem:s13], [sflag:$0x1], $0x1, s9, s0, $0xb8;
	[tilespmem:$0xD80] =	vst v63  }
0x13c: {  	s9 =	simm.s32 @!p0 $0x180  }
0x13d: {  	[spmem:s2] =	stream.indirect.scatter.add.f32 @!p0 [tilespmem:s13], [sflag:$0x1], $0x1, s9, s0, $0xb8;
	[tilespmem:$0xD80] =	vst v63  }
0x13e: {  	s9 =	simm.s32 @!p0 $0x200  }
0x13f: {  	[spmem:s2] =	stream.indirect.scatter.add.f32 @!p0 [tilespmem:s13], [sflag:$0x1], $0x1, s9, s0, $0xb8;
	[tilespmem:$0xD80] =	vst v63  }
0x140: {  	s9 =	simm.s32 @!p0 $0x280  }
0x141: {  	[spmem:s2] =	stream.indirect.scatter.add.f32 @!p0 [tilespmem:s13], [sflag:$0x1], $0x1, s9, s0, $0xb8;
	[tilespmem:$0xD80] =	vst v63  }
0x142: {  	s9 =	simm.s32 @!p0 $0x300  }
0x143: {  	[spmem:s2] =	stream.indirect.scatter.add.f32 @!p0 [tilespmem:s13], [sflag:$0x1], $0x1, s9, s0, $0xb8;
	[tilespmem:$0xD80] =	vst v63  }
0x144: {  	s9 =	simm.s32 @!p0 $0x380  }
0x145: {  	[spmem:s2] =	stream.indirect.scatter.add.f32 @!p0 [tilespmem:s13], [sflag:$0x1], $0x1, s9, s0, $0xb8;
	[tilespmem:$0xD80] =	vst v63  }
0x146: {  	_ =	swait.ge [sflag:s29], $0x80  }
0x147: {  	[sflag:s29] =	ssyncset.done $0x0  }
0x148: {  	[sflag:s29] =	ssyncadd.s32 $0xFFFFFF80  }
0x149: {  	_ =	swait.ge [sflag:s29], $0x80  }
0x14a: {  	[sflag:s29] =	ssyncset.done $0x0  }
0x14b: {  	[sflag:s29] =	ssyncadd.s32 $0xFFFFFF80  }
0x14c: {  	_ =	swait.ge [sflag:s29], $0x80  }
0x14d: {  	[sflag:s29] =	ssyncset.done $0x0  }
0x14e: {  	[sflag:s29] =	ssyncadd.s32 $0xFFFFFF80  }
0x14f: {  	_ =	swait.ge [sflag:s29], $0x80  }
0x150: {  	[sflag:s29] =	ssyncset.done $0x0  }
0x151: {  	[sflag:s29] =	ssyncadd.s32 $0xFFFFFF80  }
0x152: {  	_ =	swait.ge [sflag:s29], $0x80  }
0x153: {  	[sflag:s29] =	ssyncset.done $0x0  }
0x154: {  	[sflag:s29] =	ssyncadd.s32 $0xFFFFFF80  }
0x155: {  	_ =	swait.ge [sflag:s29], $0x80  }
0x156: {  	[sflag:s29] =	ssyncset.done $0x0  }
0x157: {  	[sflag:s29] =	ssyncadd.s32 $0xFFFFFF80  }
0x158: {  	_ =	swait.ge [sflag:s29], $0x80  }
0x159: {  	[sflag:s29] =	ssyncset.done $0x0  }
0x15a: {  	[sflag:s29] =	ssyncadd.s32 $0xFFFFFF80  }
0x15b: {  	_ =	swait.ge [sflag:s29], $0x80  }
0x15c: {  	s15 =	sshll.u32 s1, $0x6;
	s30 =	sadd.s32 $0x1, s30;
	[sflag:s29] =	ssyncset.done $0x0  }
0x15d: {  	s31 =	sshrl.u32 s4, $0x3;
	p0 =	sne.s32 s30, s7;
	[sflag:s29] =	ssyncadd.s32 $0xFFFFFF80  }
.Ltmp1:
0x15e: {  	s0 =	sor.u32 $0x1C03, s15;
	[bflag:$0x0] =	sbarrier.arrive $0xFFFF;
	(pc) =	sbr.rel @p0 .LBB2_1-.Ltmp1, $4  }
0x15f: {  	[hbm:s6], [sflag:s0] =	dma.local [spmem:s31], $0x50  }
0x160: {  	_ =	swait.ge [sflag:s10], $0x50  }
0x161: {  	[sflag:s10] =	ssyncset.done $0x0  }
0x162: {  	[sflag:s10] =	ssyncadd.s32 $0xFFFFFFB0  }
0x163: {  	_ =	sfence.sel $0x180000  }
0x164: {  	[bflag:$0x0] =	sbarrier.arrive $0xFFFF  }
0x165: {  	_ =	strace $0x90000047  }
0x166: {  	[bflag:$0x2] =	sbarrier.arrive $0xFFFF  }
0x167: {  	p0 =	sne.s32 s1, $0x0;
	s0 =	rddreg [dreg:$0x3]  }
0x168: {  	s0 =	sadd.s32 @!p0 $0x100000, s0  }
0x169: {  	[sflag:s0] =	ssyncadd.tile.s32 @!p0 $0x1;
	_ =	shalt  }
.Lfunc_end2:
_tile_overlayer_lowered:
.L_overlay_start_2:
0x16a: {  	(tag) =	ssettag $0x2  }
0x16b: {  	s0 =	rddreg [dreg:$0x0];
	s2 =	stileid.u32  }
0x16c: {  	s1 =	rddreg [dreg:$0x1];
	p0 =	sne.s32 s2, $0x0  }
0x16d: {  	s3 =	rddreg [dreg:$0x2];
	[bflag:$0x3] =	sbarrier.arrive $0xFFFF;
	s2 =	simm.s32 @!p0 $0x1C03  }
0x16e: {  	[timem:s3], [sflag:s2] =	dma.local @!p0 [hbm:s0], s1  }
0x16f: {  	s0 =	simm.s32 @!p0 $0x3  }
0x170: {  	_ =	swait.ge @!p0 [sflag:s0], s1  }
0x171: {  	s1 =	ssub.s32 @!p0 $0x0, s1;
	[sflag:s0] =	ssyncset.done @!p0 $0x0  }
0x172: {  	[sflag:s0] =	ssyncadd.s32 @!p0 s1  }
0x173: {  	[bflag:$0x3] =	sbarrier.arrive $0xFFFF  }
0x174: {  	_ =	shalt  }

// kernel: run.9.cloned.1.call-start
scs
__scs_entry_jumppad:
0x0: {  	(pc) =	sbr.rel $0x88, $3  }
0x1: {  	(tag) =	ssettag $0x0;
	lr =	simm.s32 $0x1  }
0x2: {  	[smem:$0x3F9D] =	sst lr;
	_ =	strace $0xD0000000  }
0x3: {  	_ = 	snop  }
0x4: {  	_ = 	snop  }
0x5: {  	_ = 	snop  }
0x6: {  	_ = 	snop  }
0x7: {  	_ = 	snop  }
__scs_overlays_trampoline_lowered:
0x8: {  	[smem:$0x3FAC] =	sst s0  }
0x9: {  	[smem:$0x3FAD] =	sst s1  }
0xa: {  	[smem:$0x3FAE] =	sst s2  }
0xb: {  	[smem:$0x3FAF] =	sst s3  }
0xc: {  	[smem:$0x3FB0] =	sst s4  }
0xd: {  	[smem:$0x3FB1] =	sst s5  }
0xe: {  	[smem:$0x3FB2] =	sst s6  }
0xf: {  	[smem:$0x3FB3] =	sst s7  }
0x10: {  	[smem:$0x3FB4] =	sst s8  }
0x11: {  	[smem:$0x3FB5] =	sst s9;
	s0 =	simm.s32 @!p0 $0x0  }
0x12: {  	s1 =	sld [smem:$0x3F9B];
	s0 =	simm.s32 @p0 $0x1  }
0x13: {  	[smem:$0x3FB6] =	sst s0;
	s0 =	simm.s32 @!p1 $0x0  }
0x14: {  	s2 =	sld [smem:$0x3F9A];
	s0 =	simm.s32 @p1 $0x1  }
0x15: {  	[smem:$0x3FB7] =	sst s0;
	s0 =	simm.s32 @!p2 $0x0  }
0x16: {  	s3 =	sld [smem:$0x3FDB];
	s0 =	simm.s32 @p2 $0x1  }
0x17: {  	s4 =	simm.s32 $0x1BF5;
	[smem:$0x3FB9] =	sst s0  }
0x18: {  	s0 =	sld [smem:$0x3F9C];
	_ =	swait.ge [sflag:s4], $0x0  }
0x19: {  	s7 =	sld [smem:$0x3F9D]  }
0x1a: {  	s8 =	sadd.s32 $0xFFFFE003, lr  }
0x1b: {  	s9 =	sadd.s32 $0xFFFFFEF7, lr;
	s5 =	simm.s32 $0xFFFFFFFF;
	p2 =	slt.u32 s8, $0xFFFFF086  }
0x1c: {  	p1 =	slt.u32 s9, $0xF7A;
	s5 =	simm.s32 @!p2 $0x0  }
0x1d: {  	s5 =	simm.s32 @p1 $0x1;
	p0 =	seq.s32 s7, s2  }
0x1e: {  	s7 =	smul.u32 @!p0 $0xF7A, s2;
	p2 =	seq.s32 @!p0 s5, $0x0  }
0x1f: {  	s9 =	smul.u32 $0xF7A, s1;
	s8 =	simm.s32 @!p0 $0x1BF5;
	p2 =	por !p2, p0  }
0x20: {  	[sflag:s8] =	ssyncset.s32 @!p0 $0xFFFFF086;
	s6 =	sadd.s32 @!p0 s3, s7;
	s7 =	simm.s32 @!p0 $0x108  }
0x21: {  	s3 =	sadd.s32 s3, s9;
	s6 =	sadd.s32 @!p0 $0x88, s6;
	s7 =	simm.s32 @p2 $0x1082  }
0x22: {  	[simem:s7], [sflag:s8] =	dma.local @!p0 [hbm:s6], $0xF7A  }
0x23: {  	s9 =	sor.u32 $0xD0000000, s2;
	s6 =	simm.s32 $0x108;
	_ =	swait.ge @!p0 [sflag:s8], $0x0  }
0x24: {  	s3 =	sadd.s32 $0x88, s3;
	s6 =	simm.s32 @!p1 $0x1082;
	[sflag:s4] =	ssyncset.s32 $0xFFFFF086  }
0x25: {  	[simem:s6], [sflag:s4] =	dma.local [hbm:s3], $0xF7A  }
0x26: {  	[smem:$0x3F9D] =	sst s1;
	(tag) =	ssettag s2;
	_ =	strace s9  }
0x27: {  	s1 =	sld [smem:$0x3FAD]  }
0x28: {  	s2 =	sld [smem:$0x3FAE]  }
0x29: {  	s4 =	sld [smem:$0x3FB0]  }
0x2a: {  	p0 =	seq.s32 s5, $0x0;
	s5 =	sld [smem:$0x3FB1]  }
0x2b: {  	s6 =	sld [smem:$0x3FB2]  }
0x2c: {  	s7 =	sld [smem:$0x3FB3]  }
0x2d: {  	s3 =	simm.s32 $0x108;
	s8 =	sld [smem:$0x3FB4]  }
0x2e: {  	s3 =	simm.s32 @!p0 $0x1082;
	s9 =	sld [smem:$0x3FB5]  }
0x2f: {  	lr =	sadd.s32 s0, s3;
	s0 =	sld [smem:$0x3FAC]  }
0x30: {  	s3 =	sld [smem:$0x3FAF]  }
0x31: {  	[smem:$0x3FB8] =	sst s10  }
0x32: {  	s10 =	sld [smem:$0x3FB6];
	_ =	sdelay $0x3  }
0x33: {  	p0 =	seq.s32 s10, $0x1;
	s10 =	sld [smem:$0x3FB8];
	_ =	sdelay $0x3  }
0x34: {  	[smem:$0x3FB8] =	sst s10  }
0x35: {  	s10 =	sld [smem:$0x3FB7];
	_ =	sdelay $0x3  }
0x36: {  	p1 =	seq.s32 s10, $0x1;
	s10 =	sld [smem:$0x3FB8];
	_ =	sdelay $0x3  }
0x37: {  	[smem:$0x3FB8] =	sst s10  }
0x38: {  	s10 =	sld [smem:$0x3FB9]  }
0x39: {  	_ = 	snop;
	(pc) =	sbr.ind lr, $3  }
0x3a: {  	_ = 	snop  }
0x3b: {  	_ = 	snop  }
0x3c: {  	p2 =	seq.s32 s10, $0x1;
	s10 =	sld [smem:$0x3FB8]  }
0x3d: {  	_ =	shalt  }
0x3e: {  	_ =	shalt  }
0x3f: {  	_ =	shalt  }
0x40: {  	_ =	shalt  }
0x41: {  	_ =	shalt  }
0x42: {  	_ =	shalt  }
0x43: {  	_ =	shalt  }
0x44: {  	_ =	shalt  }
0x45: {  	_ =	shalt  }
0x46: {  	_ =	shalt  }
0x47: {  	_ =	shalt  }
0x48: {  	_ =	shalt  }
0x49: {  	_ =	shalt  }
0x4a: {  	_ =	shalt  }
0x4b: {  	_ =	shalt  }
0x4c: {  	_ =	shalt  }
0x4d: {  	_ =	shalt  }
0x4e: {  	_ =	shalt  }
0x4f: {  	_ =	shalt  }
0x50: {  	_ =	shalt  }
0x51: {  	_ =	shalt  }
0x52: {  	_ =	shalt  }
0x53: {  	_ =	shalt  }
0x54: {  	_ =	shalt  }
0x55: {  	_ =	shalt  }
0x56: {  	_ =	shalt  }
0x57: {  	_ =	shalt  }
0x58: {  	_ =	shalt  }
0x59: {  	_ =	shalt  }
0x5a: {  	_ =	shalt  }
0x5b: {  	_ =	shalt  }
0x5c: {  	_ =	shalt  }
0x5d: {  	_ =	shalt  }
0x5e: {  	_ =	shalt  }
0x5f: {  	_ =	shalt  }
0x60: {  	_ =	shalt  }
0x61: {  	_ =	shalt  }
0x62: {  	_ =	shalt  }
0x63: {  	_ =	shalt  }
0x64: {  	_ =	shalt  }
0x65: {  	_ =	shalt  }
0x66: {  	_ =	shalt  }
0x67: {  	_ =	shalt  }
0x68: {  	_ =	shalt  }
0x69: {  	_ =	shalt  }
0x6a: {  	_ =	shalt  }
0x6b: {  	_ =	shalt  }
0x6c: {  	_ =	shalt  }
0x6d: {  	_ =	shalt  }
0x6e: {  	_ =	shalt  }
0x6f: {  	_ =	shalt  }
0x70: {  	_ =	shalt  }
0x71: {  	_ =	shalt  }
0x72: {  	_ =	shalt  }
0x73: {  	_ =	shalt  }
0x74: {  	_ =	shalt  }
0x75: {  	_ =	shalt  }
0x76: {  	_ =	shalt  }
0x77: {  	_ =	shalt  }
0x78: {  	_ =	shalt  }
0x79: {  	_ =	shalt  }
0x7a: {  	_ =	shalt  }
0x7b: {  	_ =	shalt  }
0x7c: {  	_ =	shalt  }
0x7d: {  	_ =	shalt  }
0x7e: {  	_ =	shalt  }
0x7f: {  	_ =	shalt  }
0x80: {  	_ =	shalt  }
0x81: {  	_ =	shalt  }
0x82: {  	_ =	shalt  }
0x83: {  	_ =	shalt  }
0x84: {  	_ =	shalt  }
0x85: {  	_ =	shalt  }
0x86: {  	_ =	shalt  }
0x87: {  	_ =	shalt  }
.Lfunc_end0:
.L_simem_size_0:
called_computation.1_lowered:
.L_overlay_start_0:
0x88: {  	s2 =	sld [smem:$0x3FD9]  }
0x89: {  	s3 =	sld [smem:$0x3FFE];
	_ =	sdelay $0x1  }
0x8a: {  	s1 =	srdreg.scid  }
0x8b: {  	s0 =	sand.u32 $0x1, s1  }
0x8c: {  	s17 =	sshll.u32 s0, $0xA;
	s2 =	sadd.s32 s3, s2  }
0x8d: {  	s2 =	sadd.s32 s2, s17  }
0x8e: {  	[smem:$0x3FC4] =	sst s2  }
0x8f: {  	_ = 	snop  }
0x90: {  	s2 =	sld [smem:$0x3FD0];
	(tm) =	ssettm $0x1  }
0x91: {  	s18 =	sld [smem:$0x3FFB];
	_ =	sdelay $0x3  }
0x92: {  	_ =	strace s18  }
0x93: {  	s3 =	sld [smem:$0x3FFC];
	_ =	sdelay $0x3  }
0x94: {  	_ =	strace s3  }
0x95: {  	s3 =	sld [smem:$0x3FFD];
	_ =	sdelay $0x3  }
0x96: {  	_ =	strace s3  }
0x97: {  	_ =	strace $0x8FFFFFFF  }
0x98: {  	s19 =	sld [smem:$0x3FDB];
	_ =	sdelay $0x1  }
0x99: {  	s4 =	simm.s32 $_scs_section_size  }
0x9a: {  	s5 =	simm.s32 $_size__tile_overlayer_lowered;
	s6 =	simm.s32 $_tile_overlayer_lowered  }
0x9b: {  	s22 =	simm.s32 $0x1BFF;
	s21 =	sshll.u32 s6, $0x1;
	s3 =	sadd.s32 s4, s19  }
0x9c: {  	s7 =	simm.s32 $0x0;
	s20 =	sshll.u32 s5, $0x1;
	s5 =	sadd.s32 s21, s3  }
0x9d: {  	[timem:s7], [sflag:s22] =	dma.local [hbm:s5], s20  }
0x9e: {  	_ =	swait.ge [sflag:s22], s20  }
0x9f: {  	s4 =	ssub.s32 $0x0, s20;
	[sflag:s22] =	ssyncset.done $0x0  }
0xa0: {  	[sflag:s22] =	ssyncadd.s32 s4;
	_ =	sdelay $0x1  }
0xa1: {  	s23 =	simm.s32 $0x1B8B  }
0xa2: {  	_ =	swait.ge [sflag:s23], $0x1  }
0xa3: {  	[sflag:s23] =	ssyncset.done $0x0  }
0xa4: {  	s25 =	simm.s32 $0x1B8E;
	s24 =	sld [smem:$0x3FFE];
	[sflag:s23] =	ssyncadd.s32 $0xFFFFFFFF  }
0xa5: {  	s26 =	simm.s32 $execute0_lowered;
	[smem:$0x3FD2] =	sst s25  }
0xa6: {  	s5 =	sshll.u32 s26, $0x1;
	_ =	strace $0x80000049;
	[dreg:$0x1] =	wrdreg $0xFFFFFFFF  }
0xa7: {  	s28 =	simm.s32 $_size_execute0_lowered;
	s3 =	sadd.s32 s3, s5;
	[dreg:$0x0] =	wrdreg $0x0  }
0xa8: {  	s5 =	sshll.u32 s28, $0x1;
	[dreg:$0x2] =	wrdreg s3  }
0xa9: {  	[dreg:$0x3] =	wrdreg s5  }
0xaa: {  	[dreg:$0x4] =	wrdreg $0xC0  }
0xab: {  	_ =	task [dreg:s7], $0x5FFFF  }
0xac: {  	[dreg:$0x1] =	wrdreg $0xFFFFFFFF  }
0xad: {  	[dreg:$0x0] =	wrdreg $0x60  }
0xae: {  	[dreg:$0x2] =	wrdreg s2  }
0xaf: {  	[dreg:$0x3] =	wrdreg s24  }
0xb0: {  	[dreg:$0x4] =	wrdreg $0x90000  }
0xb1: {  	[dreg:$0x5] =	wrdreg $0x9  }
0xb2: {  	_ =	task.clear_ibuf [dreg:s7], $0x6FFFF;
	_ =	strace $0x90000049  }
0xb3: {  	s29 =	simm.s32 $0x9;
	_ =	strace $0x8000004B  }
0xb4: {  	_ =	swait.ge [sflag:s29], $0x1  }
0xb5: {  	[sflag:s29] =	ssyncadd.s32 $0xFFFFFFFF  }
0xb6: {  	_ =	strace $0x9000004B  }
0xb7: {  	_ =	sfence  }
0xb8: {  	s30 =	sld [smem:$0x0];
	_ =	sdelay $0x2  }
0xb9: {  	s31 =	sshll.u32 s1, $0xD;
	s1 =	sshrl.u32 s1, $0x2  }
0xba: {  	s3 =	sand.u32 $0x4000, s31;
	s1 =	sadd.s32 s1, s30  }
0xbb: {  	s0 =	sor.u32 s3, s0;
	s1 =	sshll.u32 s1, $0x11  }
0xbc: {  	s0 =	sor.u32 s1, s0  }
0xbd: {  	s0 =	sadd.s32 $0x8F2B, s0  }
0xbe: {  	[sflag:s0] =	ssyncadd.remote.s32 $0x1  }
0xbf: {  	_ =	sfence.sel $0xFFFF  }
0xc0: {  	[dreg:$0x0] =	wrdreg $0xFFFFFFFF;
	(pc) =	sbr.abs _section_cstart, $3  }
0xc1: {  	[dreg:$0x1] =	wrdreg $0xFFFFFFFF  }
0xc2: {  	_ =	task.clear_ibuf [dreg:s7], $0x2FFFF;
	_ =	strace $0x9FFFFFFF  }
0xc3: {  	(tm) =	ssettm $0x7FFFFFFF  }
tec
execute0_lowered:
.L_overlay_start_1:
0x0: {  	(tag) =	ssettag $0x1  }
0x1: {  	s1 =	rddreg [dreg:$0x0]  }
0x2: {  	s0 =	rddreg [dreg:$0x1]  }
0x3: {  	s2 =	rddreg [dreg:$0x2]  }
0x4: {  	s3 =	simm.s32 $0x0;
	s5 =	srdreg.scid;
	s11 =	stileid.u32  }
0x5: {  	s13 =	simm.s32 $0x180;
	s14 =	simm.s32 $0x980;
	s15 =	simm.s32 $0x200  }
0x6: {  	s16 =	simm.s32 $0xA00;
	s17 =	simm.s32 $0x280;
	s18 =	simm.s32 $0xA80  }
0x7: {  	s19 =	simm.s32 $0x300;
	[smem:$0x7FF] =	sst s3;
	s7 =	smul.u32 $0x50000, s11  }
0x8: {  	s6 =	sshll.u32 s11, $0x1;
	s8 =	sadd.s32 $0x16A00, s0;
	s25 =	smul.u32 $0xA00, s11  }
0x9: {  	s12 =	sshll.u32 s11, $0x6;
	_ =	strace $0x8000004A;
	[dreg:$0x16] =	wrdreg s8  }
0xa: {  	s26 =	smul.u32 $0x2800, s11;
	s11 =	simm.s32 $0x100;
	[dreg:$0x17] =	wrdreg s12  }
0xb: {  	s20 =	simm.s32 $0xB00;
	s21 =	simm.s32 $0x380;
	[dreg:$0x6] =	wrdreg s11  }
0xc: {  	s22 =	simm.s32 $0xB80;
	s23 =	simm.s32 $0x480;
	[dreg:$0x8] =	wrdreg s13  }
0xd: {  	s28 =	simm.s32 $0xD80;
	s29 =	simm.s32 $0x600;
	[dreg:$0x9] =	wrdreg s14  }
0xe: {  	s30 =	simm.s32 $0xE00;
	s31 =	simm.s32 $0x680;
	[dreg:$0xa] =	wrdreg s15  }
0xf: {  	s4 =	sadd.s32 $0x2800, s0;
	s5 =	sand.u32 $0x1, s5;
	[dreg:$0xb] =	wrdreg s16  }
0x10: {  	s24 =	ssub.s32 $0x2, s5;
	s6 =	sor.u32 s5, s6;
	[dreg:$0xc] =	wrdreg s17  }
0x11: {  	s10 =	smul.u32 $0x500, s5;
	s12 =	sor.u32 $0x1C05, s12;
	[dreg:$0xd] =	wrdreg s18  }
0x12: {  	p0 =	seq.s32 s5, $0x1;
	s13 =	simm.s32 $0x7;
	[dreg:$0xe] =	wrdreg s19  }
0x13: {  	s14 =	simm.s32 $0x800;
	s15 =	simm.s32 $0x80;
	[dreg:$0xf] =	wrdreg s20  }
0x14: {  	s16 =	simm.s32 $0x1000;
	s18 =	simm.s32 $0x1;
	[dreg:$0x10] =	wrdreg s21  }
0x15: {  	s19 =	simm.s32 $0x400;
	[dreg:$0x11] =	wrdreg s22;
	s20 =	simm.s32 $0xC00  }
0x16: {  	[dreg:$0x12] =	wrdreg s23;
	s21 =	simm.s32 $0x5000;
	s22 =	simm.s32 $0x2  }
0x17: {  	s23 =	simm.s32 $0x3;
	s5 =	simm.s32 $0xF00;
	s9 =	sshrl.u32 s24, $0x1  }
0x18: {  	s7 =	sshrl.u32 s7, $0x2;
	s6 =	smul.u32 $0x2800, s6;
	[dreg:$0x18] =	wrdreg s12  }
0x19: {  	s12 =	simm.s32 $0x900;
	s8 =	ssub.s32 s24, s9;
	s7 =	sadd.s32 s7, s2  }
0x1a: {  	s9 =	simm.s32 $0x880;
	[dreg:$0x7] =	wrdreg s12;
	s24 =	simm.s32 $0xC80  }
0x1b: {  	s6 =	sshrl.u32 s6, $0x3;
	[dreg:$0x5] =	wrdreg s9;
	s12 =	sshrl.u32 s7, $0x3  }
0x1c: {  	[dreg:$0x13] =	wrdreg s24;
	s24 =	simm.s32 $0x4;
	s7 =	simm.s32 $0x780  }
0x1d: {  	s9 =	simm.s32 $0xF80;
	s6 =	sadd.s32 s4, s6;
	s4 =	sadd.s32 s25, s4  }
0x1e: {  	s25 =	simm.s32 $0x500;
	[dreg:$0x19] =	wrdreg s6;
	s6 =	sadd.s32 $0xA080, s6  }
0x1f: {  	s4 =	sadd.s32 s10, s4;
	[dreg:$0x1a] =	wrdreg s6;
	s6 =	simm.s32 $0x41200  }
0x20: {  	s10 =	smax.u32 s8, $0x1;
	[dreg:$0x14] =	wrdreg s25;
	s6 =	simm.s32 @!p0 $0x19200  }
0x21: {  	s25 =	simm.s32 $0x6;
	[dreg:$0x4] =	wrdreg s4;
	s0 =	sadd.s32 s6, s0  }
0x22: {  	[dreg:$0x1b] =	wrdreg s10;
	s4 =	simm.s32 $0x700;
	s0 =	sadd.s32 s0, s26  }
0x23: {  	s10 =	simm.s32 $0x0;
	s26 =	simm.s32 $0xD00;
	[dreg:$0x1c] =	wrdreg s0  }
0x24: {  	[dreg:$0x15] =	wrdreg s26;
	s26 =	simm.s32 $0x580;
	s0 =	simm.s32 $0xE80  }
.LBB2_1:
0x25: {  	s6 =	rddreg [dreg:$0x16]  }
0x26: {  	s8 =	rddreg [dreg:$0x18]  }
0x27: {  	[spmem:s12], [sflag:s8] =	dma.local [hbm:s6], $0x2800  }
0x28: {  	s6 =	rddreg [dreg:$0x19]  }
0x29: {  	[tilespmem:s3], [sflag:$0x7] =	stream.linear.gather [hbm4b:s6+s3], $0x400, $0x38;
	[tilespmem:$0x1D000] =	vst v63  }
0x2a: {  	_ =	swait.ge [sflag:s13], $0x400  }
0x2b: {  	[sflag:s13] =	ssyncset.done $0x0  }
0x2c: {  	s17 =	rddreg [dreg:$0x1a];
	[sflag:s13] =	ssyncadd.s32 $0xFFFFFC00  }
0x2d: {  	[tilespmem:s14], [sflag:$0x7] =	stream.linear.gather [hbm4b:s17+s3], $0x400, $0x38;
	[tilespmem:$0x1D000] =	vst v63  }
0x2e: {  	_ =	swait.ge [sflag:s13], $0x400  }
0x2f: {  	[sflag:s13] =	ssyncset.done $0x0  }
0x30: {  	s8 =	simm.s32 $0x5;
	[sflag:s13] =	ssyncadd.s32 $0xFFFFFC00  }
0x31: {  	[tilespmem:s16], [sflag:$0x1] =	stream.indirect.gather [hbm4b:s1+s15], $0x80, s3, s15, $0xb8;
	[tilespmem:$0x1D000] =	vst v63  }
0x32: {  	_ =	swait.ge [sflag:s8], $0x2800  }
0x33: {  	[sflag:s8] =	ssyncset.done $0x0  }
0x34: {  	[sflag:s8] =	ssyncadd.s32 $0xFFFFD800  }
0x35: {  	[bflag:$0x0] =	sbarrier.arrive $0xFFFF  }
0x36: {  	_ =	swait.ge [sflag:s18], $0x4000  }
0x37: {  	p0 =	por $0x1, $0x1;
	[sflag:s18] =	ssyncset.done $0x0  }
0x38: {  	s8 =	simm.s32 @!p0 $0x4;
	[sflag:s18] =	ssyncadd.s32 $0xFFFFC000  }
0x39: {  	[spmem:s2] =	stream.indirect.scatter.add.f32 [tilespmem:s16], [sflag:$0x3], $0x80, s14, s15, $0xb8;
	[tilespmem:$0x1D000] =	vst v63  }
0x3a: {  	_ =	swait.ge @!p0 [sflag:s8], $0x4000  }
0x3b: {  	s11 =	rddreg [dreg:$0x4]  }
0x3c: {  	[sflag:s8] =	ssyncset.done @!p0 $0x0;
	s6 =	sadd.s32 $0x0, s11  }
0x3d: {  	[sflag:s8] =	ssyncadd.s32 @!p0 $0xFFFFC000;
	s17 =	sadd.s32 $0x80, s6  }
0x3e: {  	[tilespmem:s19], [sflag:$0x6] =	stream.linear.gather [hbm4b:s17+s3], $0x400, $0x38;
	[tilespmem:$0x1D000] =	vst v63  }
0x3f: {  	s11 =	sadd.s32 $0xA100, s6  }
0x40: {  	[tilespmem:s20], [sflag:$0x6] =	stream.linear.gather [hbm4b:s11+s3], $0x400, $0x38;
	[tilespmem:$0x1D000] =	vst v63  }
0x41: {  	_ = 	snop  }
0x42: {  	[tilespmem:s21], [sflag:$0x2] =	stream.indirect.gather [hbm4b:s1+s15], $0x80, s15, s15, $0xb8;
	[tilespmem:$0x1D000] =	vst v63  }
0x43: {  	_ =	swait.ge [sflag:s22], $0x4000  }
0x44: {  	[sflag:s22] =	ssyncset.done $0x0  }
0x45: {  	s17 =	rddreg [dreg:$0x5];
	[sflag:s22] =	ssyncadd.s32 $0xFFFFC000  }
0x46: {  	[spmem:s2] =	stream.indirect.scatter.add.f32 [tilespmem:s21], [sflag:$0x4], $0x80, s17, s15, $0xb8;
	[tilespmem:$0x1D000] =	vst v63  }
0x47: {  	_ =	swait.ge [sflag:s23], $0x4000  }
0x48: {  	[sflag:s23] =	ssyncset.done $0x0  }
0x49: {  	s11 =	rddreg [dreg:$0x6];
	[sflag:s23] =	ssyncadd.s32 $0xFFFFC000  }
0x4a: {  	[tilespmem:s16], [sflag:$0x1] =	stream.indirect.gather [hbm4b:s1+s15], $0x80, s11, s15, $0xb8;
	[tilespmem:$0x1D000] =	vst v63  }
0x4b: {  	_ =	swait.ge [sflag:s18], $0x4000  }
0x4c: {  	[sflag:s18] =	ssyncset.done $0x0  }
0x4d: {  	s17 =	rddreg [dreg:$0x7];
	[sflag:s18] =	ssyncadd.s32 $0xFFFFC000  }
0x4e: {  	[spmem:s2] =	stream.indirect.scatter.add.f32 [tilespmem:s16], [sflag:$0x3], $0x80, s17, s15, $0xb8;
	[tilespmem:$0x1D000] =	vst v63  }
0x4f: {  	_ =	swait.ge [sflag:s24], $0x4000  }
0x50: {  	[sflag:s24] =	ssyncset.done $0x0  }
0x51: {  	s11 =	rddreg [dreg:$0x8];
	[sflag:s24] =	ssyncadd.s32 $0xFFFFC000  }
0x52: {  	[tilespmem:s21], [sflag:$0x2] =	stream.indirect.gather [hbm4b:s1+s15], $0x80, s11, s15, $0xb8;
	[tilespmem:$0x1D000] =	vst v63  }
0x53: {  	_ =	swait.ge [sflag:s22], $0x4000  }
0x54: {  	[sflag:s22] =	ssyncset.done $0x0  }
0x55: {  	s17 =	rddreg [dreg:$0x9];
	[sflag:s22] =	ssyncadd.s32 $0xFFFFC000  }
0x56: {  	[spmem:s2] =	stream.indirect.scatter.add.f32 [tilespmem:s21], [sflag:$0x4], $0x80, s17, s15, $0xb8;
	[tilespmem:$0x1D000] =	vst v63  }
0x57: {  	_ =	swait.ge [sflag:s23], $0x4000  }
0x58: {  	[sflag:s23] =	ssyncset.done $0x0  }
0x59: {  	s11 =	rddreg [dreg:$0xa];
	[sflag:s23] =	ssyncadd.s32 $0xFFFFC000  }
0x5a: {  	[tilespmem:s16], [sflag:$0x1] =	stream.indirect.gather [hbm4b:s1+s15], $0x80, s11, s15, $0xb8;
	[tilespmem:$0x1D000] =	vst v63  }
0x5b: {  	_ =	swait.ge [sflag:s18], $0x4000  }
0x5c: {  	[sflag:s18] =	ssyncset.done $0x0  }
0x5d: {  	s17 =	rddreg [dreg:$0xb];
	[sflag:s18] =	ssyncadd.s32 $0xFFFFC000  }
0x5e: {  	[spmem:s2] =	stream.indirect.scatter.add.f32 [tilespmem:s16], [sflag:$0x3], $0x80, s17, s15, $0xb8;
	[tilespmem:$0x1D000] =	vst v63  }
0x5f: {  	_ =	swait.ge [sflag:s24], $0x4000  }
0x60: {  	[sflag:s24] =	ssyncset.done $0x0  }
0x61: {  	s11 =	rddreg [dreg:$0xc];
	[sflag:s24] =	ssyncadd.s32 $0xFFFFC000  }
0x62: {  	[tilespmem:s21], [sflag:$0x2] =	stream.indirect.gather [hbm4b:s1+s15], $0x80, s11, s15, $0xb8;
	[tilespmem:$0x1D000] =	vst v63  }
0x63: {  	_ =	swait.ge [sflag:s22], $0x4000  }
0x64: {  	[sflag:s22] =	ssyncset.done $0x0  }
0x65: {  	s17 =	rddreg [dreg:$0xd];
	[sflag:s22] =	ssyncadd.s32 $0xFFFFC000  }
0x66: {  	[spmem:s2] =	stream.indirect.scatter.add.f32 [tilespmem:s21], [sflag:$0x4], $0x80, s17, s15, $0xb8;
	[tilespmem:$0x1D000] =	vst v63  }
0x67: {  	_ =	swait.ge [sflag:s23], $0x4000  }
0x68: {  	[sflag:s23] =	ssyncset.done $0x0  }
0x69: {  	s11 =	rddreg [dreg:$0xe];
	[sflag:s23] =	ssyncadd.s32 $0xFFFFC000  }
0x6a: {  	[tilespmem:s16], [sflag:$0x1] =	stream.indirect.gather [hbm4b:s1+s15], $0x80, s11, s15, $0xb8;
	[tilespmem:$0x1D000] =	vst v63  }
0x6b: {  	_ =	swait.ge [sflag:s18], $0x4000  }
0x6c: {  	[sflag:s18] =	ssyncset.done $0x0  }
0x6d: {  	s17 =	rddreg [dreg:$0xf];
	[sflag:s18] =	ssyncadd.s32 $0xFFFFC000  }
0x6e: {  	[spmem:s2] =	stream.indirect.scatter.add.f32 [tilespmem:s16], [sflag:$0x3], $0x80, s17, s15, $0xb8;
	[tilespmem:$0x1D000] =	vst v63  }
0x6f: {  	_ =	swait.ge [sflag:s24], $0x4000  }
0x70: {  	[sflag:s24] =	ssyncset.done $0x0  }
0x71: {  	s11 =	rddreg [dreg:$0x10];
	[sflag:s24] =	ssyncadd.s32 $0xFFFFC000  }
0x72: {  	[tilespmem:s21], [sflag:$0x2] =	stream.indirect.gather [hbm4b:s1+s15], $0x80, s11, s15, $0xb8;
	[tilespmem:$0x1D000] =	vst v63  }
0x73: {  	_ =	swait.ge [sflag:s22], $0x4000  }
0x74: {  	[sflag:s22] =	ssyncset.done $0x0  }
0x75: {  	s17 =	rddreg [dreg:$0x11];
	[sflag:s22] =	ssyncadd.s32 $0xFFFFC000  }
0x76: {  	[spmem:s2] =	stream.indirect.scatter.add.f32 [tilespmem:s21], [sflag:$0x4], $0x80, s17, s15, $0xb8;
	[tilespmem:$0x1D000] =	vst v63  }
0x77: {  	_ =	swait.ge [sflag:s23], $0x4000  }
0x78: {  	[sflag:s23] =	ssyncset.done $0x0  }
0x79: {  	[sflag:s23] =	ssyncadd.s32 $0xFFFFC000  }
0x7a: {  	_ =	swait.ge [sflag:s25], $0x400  }
0x7b: {  	[sflag:s25] =	ssyncset.done $0x0  }
0x7c: {  	[sflag:s25] =	ssyncadd.s32 $0xFFFFFC00  }
0x7d: {  	_ =	swait.ge [sflag:s25], $0x400  }
0x7e: {  	[sflag:s25] =	ssyncset.done $0x0  }
0x7f: {  	[sflag:s25] =	ssyncadd.s32 $0xFFFFFC00  }
0x80: {  	[tilespmem:s16], [sflag:$0x1] =	stream.indirect.gather [hbm4b:s1+s15], $0x80, s19, s15, $0xb8;
	[tilespmem:$0x1D000] =	vst v63  }
0x81: {  	_ =	swait.ge [sflag:s18], $0x4000  }
0x82: {  	[sflag:s18] =	ssyncset.done $0x0  }
0x83: {  	[sflag:s18] =	ssyncadd.s32 $0xFFFFC000  }
0x84: {  	[spmem:s2] =	stream.indirect.scatter.add.f32 [tilespmem:s16], [sflag:$0x3], $0x80, s20, s15, $0xb8;
	[tilespmem:$0x1D000] =	vst v63  }
0x85: {  	_ =	swait.ge [sflag:s24], $0x4000  }
0x86: {  	[sflag:s24] =	ssyncset.done $0x0  }
0x87: {  	s11 =	sadd.s32 $0x100, s6;
	[sflag:s24] =	ssyncadd.s32 $0xFFFFC000  }
0x88: {  	[tilespmem:s3], [sflag:$0x6] =	stream.linear.gather [hbm4b:s11+s3], $0x400, $0x38;
	[tilespmem:$0x1D000] =	vst v63  }
0x89: {  	s6 =	sadd.s32 $0xA180, s6  }
0x8a: {  	[tilespmem:s14], [sflag:$0x6] =	stream.linear.gather [hbm4b:s6+s3], $0x400, $0x38;
	[tilespmem:$0x1D000] =	vst v63  }
0x8b: {  	s17 =	rddreg [dreg:$0x12]  }
0x8c: {  	[tilespmem:s21], [sflag:$0x2] =	stream.indirect.gather [hbm4b:s1+s15], $0x80, s17, s15, $0xb8;
	[tilespmem:$0x1D000] =	vst v63  }
0x8d: {  	_ =	swait.ge [sflag:s22], $0x4000  }
0x8e: {  	[sflag:s22] =	ssyncset.done $0x0  }
0x8f: {  	s8 =	rddreg [dreg:$0x13];
	[sflag:s22] =	ssyncadd.s32 $0xFFFFC000  }
0x90: {  	[spmem:s2] =	stream.indirect.scatter.add.f32 [tilespmem:s21], [sflag:$0x4], $0x80, s8, s15, $0xb8;
	[tilespmem:$0x1D000] =	vst v63  }
0x91: {  	_ =	swait.ge [sflag:s23], $0x4000  }
0x92: {  	[sflag:s23] =	ssyncset.done $0x0  }
0x93: {  	s11 =	rddreg [dreg:$0x14];
	[sflag:s23] =	ssyncadd.s32 $0xFFFFC000  }
0x94: {  	[tilespmem:s16], [sflag:$0x1] =	stream.indirect.gather [hbm4b:s1+s15], $0x80, s11, s15, $0xb8;
	[tilespmem:$0x1D000] =	vst v63  }
0x95: {  	_ =	swait.ge [sflag:s18], $0x4000  }
0x96: {  	[sflag:s18] =	ssyncset.done $0x0  }
0x97: {  	s17 =	rddreg [dreg:$0x15];
	[sflag:s18] =	ssyncadd.s32 $0xFFFFC000  }
0x98: {  	[spmem:s2] =	stream.indirect.scatter.add.f32 [tilespmem:s16], [sflag:$0x3], $0x80, s17, s15, $0xb8;
	[tilespmem:$0x1D000] =	vst v63  }
0x99: {  	_ =	swait.ge [sflag:s24], $0x4000  }
0x9a: {  	[sflag:s24] =	ssyncset.done $0x0  }
0x9b: {  	[sflag:s24] =	ssyncadd.s32 $0xFFFFC000  }
0x9c: {  	[tilespmem:s21], [sflag:$0x2] =	stream.indirect.gather [hbm4b:s1+s15], $0x80, s26, s15, $0xb8;
	[tilespmem:$0x1D000] =	vst v63  }
0x9d: {  	_ =	swait.ge [sflag:s22], $0x4000  }
0x9e: {  	[sflag:s22] =	ssyncset.done $0x0  }
0x9f: {  	[sflag:s22] =	ssyncadd.s32 $0xFFFFC000  }
0xa0: {  	[spmem:s2] =	stream.indirect.scatter.add.f32 [tilespmem:s21], [sflag:$0x4], $0x80, s28, s15, $0xb8;
	[tilespmem:$0x1D000] =	vst v63  }
0xa1: {  	_ =	swait.ge [sflag:s23], $0x4000  }
0xa2: {  	[sflag:s23] =	ssyncset.done $0x0  }
0xa3: {  	[sflag:s23] =	ssyncadd.s32 $0xFFFFC000  }
0xa4: {  	[tilespmem:s16], [sflag:$0x1] =	stream.indirect.gather [hbm4b:s1+s15], $0x80, s29, s15, $0xb8;
	[tilespmem:$0x1D000] =	vst v63  }
0xa5: {  	_ =	swait.ge [sflag:s18], $0x4000  }
0xa6: {  	[sflag:s18] =	ssyncset.done $0x0  }
0xa7: {  	[sflag:s18] =	ssyncadd.s32 $0xFFFFC000  }
0xa8: {  	[spmem:s2] =	stream.indirect.scatter.add.f32 [tilespmem:s16], [sflag:$0x3], $0x80, s30, s15, $0xb8;
	[tilespmem:$0x1D000] =	vst v63  }
0xa9: {  	_ =	swait.ge [sflag:s24], $0x4000  }
0xaa: {  	[sflag:s24] =	ssyncset.done $0x0  }
0xab: {  	[sflag:s24] =	ssyncadd.s32 $0xFFFFC000  }
0xac: {  	[tilespmem:s21], [sflag:$0x2] =	stream.indirect.gather [hbm4b:s1+s15], $0x80, s31, s15, $0xb8;
	[tilespmem:$0x1D000] =	vst v63  }
0xad: {  	_ =	swait.ge [sflag:s22], $0x4000  }
0xae: {  	[sflag:s22] =	ssyncset.done $0x0  }
0xaf: {  	[sflag:s22] =	ssyncadd.s32 $0xFFFFC000  }
0xb0: {  	[spmem:s2] =	stream.indirect.scatter.add.f32 [tilespmem:s21], [sflag:$0x4], $0x80, s0, s15, $0xb8;
	[tilespmem:$0x1D000] =	vst v63  }
0xb1: {  	_ =	swait.ge [sflag:s23], $0x4000  }
0xb2: {  	[sflag:s23] =	ssyncset.done $0x0  }
0xb3: {  	[sflag:s23] =	ssyncadd.s32 $0xFFFFC000  }
0xb4: {  	[tilespmem:s16], [sflag:$0x1] =	stream.indirect.gather [hbm4b:s1+s15], $0x80, s4, s15, $0xb8;
	[tilespmem:$0x1D000] =	vst v63  }
0xb5: {  	_ =	swait.ge [sflag:s18], $0x4000  }
0xb6: {  	[sflag:s18] =	ssyncset.done $0x0  }
0xb7: {  	[sflag:s18] =	ssyncadd.s32 $0xFFFFC000  }
0xb8: {  	[spmem:s2] =	stream.indirect.scatter.add.f32 [tilespmem:s16], [sflag:$0x3], $0x80, s5, s15, $0xb8;
	[tilespmem:$0x1D000] =	vst v63  }
0xb9: {  	_ =	swait.ge [sflag:s24], $0x4000  }
0xba: {  	[sflag:s24] =	ssyncset.done $0x0  }
0xbb: {  	[sflag:s24] =	ssyncadd.s32 $0xFFFFC000  }
0xbc: {  	[tilespmem:s21], [sflag:$0x2] =	stream.indirect.gather [hbm4b:s1+s15], $0x80, s7, s15, $0xb8;
	[tilespmem:$0x1D000] =	vst v63  }
0xbd: {  	_ =	swait.ge [sflag:s22], $0x4000  }
0xbe: {  	[sflag:s22] =	ssyncset.done $0x0  }
0xbf: {  	[sflag:s22] =	ssyncadd.s32 $0xFFFFC000  }
0xc0: {  	[spmem:s2] =	stream.indirect.scatter.add.f32 [tilespmem:s21], [sflag:$0x4], $0x80, s9, s15, $0xb8;
	[tilespmem:$0x1D000] =	vst v63  }
0xc1: {  	_ =	swait.ge [sflag:s23], $0x4000  }
0xc2: {  	[sflag:s23] =	ssyncset.done $0x0  }
0xc3: {  	[sflag:s23] =	ssyncadd.s32 $0xFFFFC000  }
0xc4: {  	_ =	swait.ge [sflag:s25], $0x400  }
0xc5: {  	[sflag:s25] =	ssyncset.done $0x0  }
0xc6: {  	[sflag:s25] =	ssyncadd.s32 $0xFFFFFC00  }
0xc7: {  	_ =	swait.ge [sflag:s25], $0x400  }
0xc8: {  	s6 =	simm.s32 $0x100;
	[sflag:s25] =	ssyncset.done $0x0  }
.LBB2_2:
0xc9: {  	[sflag:s25] =	ssyncadd.s32 $0xFFFFFC00  }
0xca: {  	[tilespmem:s16], [sflag:$0x1] =	stream.indirect.gather [hbm4b:s1+s15], $0x80, s3, s15, $0xb8;
	[tilespmem:$0x1D000] =	vst v63  }
0xcb: {  	s8 =	smov.u32 s6;
	_ =	swait.ge [sflag:s18], $0x4000  }
0xcc: {  	p1 =	seq.s32 s8, $0x0;
	[sflag:s18] =	ssyncset.done $0x0  }
0xcd: {  	s11 =	simm.s32 @!p1 $0x4;
	[sflag:s18] =	ssyncadd.s32 $0xFFFFC000  }
0xce: {  	[spmem:s2] =	stream.indirect.scatter.add.f32 [tilespmem:s16], [sflag:$0x3], $0x80, s14, s15, $0xb8;
	[tilespmem:$0x1D000] =	vst v63  }
0xcf: {  	_ =	swait.ge @!p1 [sflag:s11], $0x4000  }
0xd0: {  	s17 =	rddreg [dreg:$0x4]  }
0xd1: {  	[sflag:s11] =	ssyncset.done @!p1 $0x0;
	s8 =	sadd.s32 s8, s17  }
0xd2: {  	[sflag:s11] =	ssyncadd.s32 @!p1 $0xFFFFC000;
	s11 =	sadd.s32 $0x80, s8  }
0xd3: {  	[tilespmem:s19], [sflag:$0x6] =	stream.linear.gather [hbm4b:s11+s3], $0x400, $0x38;
	[tilespmem:$0x1D000] =	vst v63  }
0xd4: {  	s17 =	sadd.s32 $0xA100, s8  }
0xd5: {  	[tilespmem:s20], [sflag:$0x6] =	stream.linear.gather [hbm4b:s17+s3], $0x400, $0x38;
	[tilespmem:$0x1D000] =	vst v63  }
0xd6: {  	_ = 	snop  }
0xd7: {  	[tilespmem:s21], [sflag:$0x2] =	stream.indirect.gather [hbm4b:s1+s15], $0x80, s15, s15, $0xb8;
	[tilespmem:$0x1D000] =	vst v63  }
0xd8: {  	_ =	swait.ge [sflag:s22], $0x4000  }
0xd9: {  	[sflag:s22] =	ssyncset.done $0x0  }
0xda: {  	s17 =	rddreg [dreg:$0x5];
	[sflag:s22] =	ssyncadd.s32 $0xFFFFC000  }
0xdb: {  	[spmem:s2] =	stream.indirect.scatter.add.f32 [tilespmem:s21], [sflag:$0x4], $0x80, s17, s15, $0xb8;
	[tilespmem:$0x1D000] =	vst v63  }
0xdc: {  	_ =	swait.ge [sflag:s23], $0x4000  }
0xdd: {  	[sflag:s23] =	ssyncset.done $0x0  }
0xde: {  	s17 =	rddreg [dreg:$0x6];
	[sflag:s23] =	ssyncadd.s32 $0xFFFFC000  }
0xdf: {  	[tilespmem:s16], [sflag:$0x1] =	stream.indirect.gather [hbm4b:s1+s15], $0x80, s17, s15, $0xb8;
	[tilespmem:$0x1D000] =	vst v63  }
0xe0: {  	_ =	swait.ge [sflag:s18], $0x4000  }
0xe1: {  	[sflag:s18] =	ssyncset.done $0x0  }
0xe2: {  	s17 =	rddreg [dreg:$0x7];
	[sflag:s18] =	ssyncadd.s32 $0xFFFFC000  }
0xe3: {  	[spmem:s2] =	stream.indirect.scatter.add.f32 [tilespmem:s16], [sflag:$0x3], $0x80, s17, s15, $0xb8;
	[tilespmem:$0x1D000] =	vst v63  }
0xe4: {  	_ =	swait.ge [sflag:s24], $0x4000  }
0xe5: {  	[sflag:s24] =	ssyncset.done $0x0  }
0xe6: {  	s17 =	rddreg [dreg:$0x8];
	[sflag:s24] =	ssyncadd.s32 $0xFFFFC000  }
0xe7: {  	[tilespmem:s21], [sflag:$0x2] =	stream.indirect.gather [hbm4b:s1+s15], $0x80, s17, s15, $0xb8;
	[tilespmem:$0x1D000] =	vst v63  }
0xe8: {  	_ =	swait.ge [sflag:s22], $0x4000  }
0xe9: {  	[sflag:s22] =	ssyncset.done $0x0  }
0xea: {  	s17 =	rddreg [dreg:$0x9];
	[sflag:s22] =	ssyncadd.s32 $0xFFFFC000  }
0xeb: {  	[spmem:s2] =	stream.indirect.scatter.add.f32 [tilespmem:s21], [sflag:$0x4], $0x80, s17, s15, $0xb8;
	[tilespmem:$0x1D000] =	vst v63  }
0xec: {  	_ =	swait.ge [sflag:s23], $0x4000  }
0xed: {  	[sflag:s23] =	ssyncset.done $0x0  }
0xee: {  	s17 =	rddreg [dreg:$0xa];
	[sflag:s23] =	ssyncadd.s32 $0xFFFFC000  }
0xef: {  	[tilespmem:s16], [sflag:$0x1] =	stream.indirect.gather [hbm4b:s1+s15], $0x80, s17, s15, $0xb8;
	[tilespmem:$0x1D000] =	vst v63  }
0xf0: {  	_ =	swait.ge [sflag:s18], $0x4000  }
0xf1: {  	[sflag:s18] =	ssyncset.done $0x0  }
0xf2: {  	s17 =	rddreg [dreg:$0xb];
	[sflag:s18] =	ssyncadd.s32 $0xFFFFC000  }
0xf3: {  	[spmem:s2] =	stream.indirect.scatter.add.f32 [tilespmem:s16], [sflag:$0x3], $0x80, s17, s15, $0xb8;
	[tilespmem:$0x1D000] =	vst v63  }
0xf4: {  	_ =	swait.ge [sflag:s24], $0x4000  }
0xf5: {  	[sflag:s24] =	ssyncset.done $0x0  }
0xf6: {  	s17 =	rddreg [dreg:$0xc];
	[sflag:s24] =	ssyncadd.s32 $0xFFFFC000  }
0xf7: {  	[tilespmem:s21], [sflag:$0x2] =	stream.indirect.gather [hbm4b:s1+s15], $0x80, s17, s15, $0xb8;
	[tilespmem:$0x1D000] =	vst v63  }
0xf8: {  	_ =	swait.ge [sflag:s22], $0x4000  }
0xf9: {  	[sflag:s22] =	ssyncset.done $0x0  }
0xfa: {  	s17 =	rddreg [dreg:$0xd];
	[sflag:s22] =	ssyncadd.s32 $0xFFFFC000  }
0xfb: {  	[spmem:s2] =	stream.indirect.scatter.add.f32 [tilespmem:s21], [sflag:$0x4], $0x80, s17, s15, $0xb8;
	[tilespmem:$0x1D000] =	vst v63  }
0xfc: {  	_ =	swait.ge [sflag:s23], $0x4000  }
0xfd: {  	[sflag:s23] =	ssyncset.done $0x0  }
0xfe: {  	s17 =	rddreg [dreg:$0xe];
	[sflag:s23] =	ssyncadd.s32 $0xFFFFC000  }
0xff: {  	[tilespmem:s16], [sflag:$0x1] =	stream.indirect.gather [hbm4b:s1+s15], $0x80, s17, s15, $0xb8;
	[tilespmem:$0x1D000] =	vst v63  }
0x100: {  	_ =	swait.ge [sflag:s18], $0x4000  }
0x101: {  	[sflag:s18] =	ssyncset.done $0x0  }
0x102: {  	s17 =	rddreg [dreg:$0xf];
	[sflag:s18] =	ssyncadd.s32 $0xFFFFC000  }
0x103: {  	[spmem:s2] =	stream.indirect.scatter.add.f32 [tilespmem:s16], [sflag:$0x3], $0x80, s17, s15, $0xb8;
	[tilespmem:$0x1D000] =	vst v63  }
0x104: {  	_ =	swait.ge [sflag:s24], $0x4000  }
0x105: {  	[sflag:s24] =	ssyncset.done $0x0  }
0x106: {  	s17 =	rddreg [dreg:$0x10];
	[sflag:s24] =	ssyncadd.s32 $0xFFFFC000  }
0x107: {  	[tilespmem:s21], [sflag:$0x2] =	stream.indirect.gather [hbm4b:s1+s15], $0x80, s17, s15, $0xb8;
	[tilespmem:$0x1D000] =	vst v63  }
0x108: {  	_ =	swait.ge [sflag:s22], $0x4000  }
0x109: {  	[sflag:s22] =	ssyncset.done $0x0  }
0x10a: {  	s17 =	rddreg [dreg:$0x11];
	[sflag:s22] =	ssyncadd.s32 $0xFFFFC000  }
0x10b: {  	[spmem:s2] =	stream.indirect.scatter.add.f32 [tilespmem:s21], [sflag:$0x4], $0x80, s17, s15, $0xb8;
	[tilespmem:$0x1D000] =	vst v63  }
0x10c: {  	_ =	swait.ge [sflag:s23], $0x4000  }
0x10d: {  	[sflag:s23] =	ssyncset.done $0x0  }
0x10e: {  	[sflag:s23] =	ssyncadd.s32 $0xFFFFC000  }
0x10f: {  	_ =	swait.ge [sflag:s25], $0x400  }
0x110: {  	[sflag:s25] =	ssyncset.done $0x0  }
0x111: {  	[sflag:s25] =	ssyncadd.s32 $0xFFFFFC00  }
0x112: {  	_ =	swait.ge [sflag:s25], $0x400  }
0x113: {  	[sflag:s25] =	ssyncset.done $0x0  }
0x114: {  	[sflag:s25] =	ssyncadd.s32 $0xFFFFFC00  }
0x115: {  	[tilespmem:s16], [sflag:$0x1] =	stream.indirect.gather [hbm4b:s1+s15], $0x80, s19, s15, $0xb8;
	[tilespmem:$0x1D000] =	vst v63  }
0x116: {  	_ =	swait.ge [sflag:s18], $0x4000  }
0x117: {  	[sflag:s18] =	ssyncset.done $0x0  }
0x118: {  	[sflag:s18] =	ssyncadd.s32 $0xFFFFC000  }
0x119: {  	[spmem:s2] =	stream.indirect.scatter.add.f32 [tilespmem:s16], [sflag:$0x3], $0x80, s20, s15, $0xb8;
	[tilespmem:$0x1D000] =	vst v63  }
0x11a: {  	_ =	swait.ge [sflag:s24], $0x4000  }
0x11b: {  	[sflag:s24] =	ssyncset.done $0x0  }
0x11c: {  	s11 =	sadd.s32 $0x100, s8;
	[sflag:s24] =	ssyncadd.s32 $0xFFFFC000  }
0x11d: {  	[tilespmem:s3], [sflag:$0x6] =	stream.linear.gather [hbm4b:s11+s3], $0x400, $0x38;
	[tilespmem:$0x1D000] =	vst v63  }
0x11e: {  	s8 =	sadd.s32 $0xA180, s8  }
0x11f: {  	[tilespmem:s14], [sflag:$0x6] =	stream.linear.gather [hbm4b:s8+s3], $0x400, $0x38;
	[tilespmem:$0x1D000] =	vst v63  }
0x120: {  	s17 =	rddreg [dreg:$0x12]  }
0x121: {  	[tilespmem:s21], [sflag:$0x2] =	stream.indirect.gather [hbm4b:s1+s15], $0x80, s17, s15, $0xb8;
	[tilespmem:$0x1D000] =	vst v63  }
0x122: {  	_ =	swait.ge [sflag:s22], $0x4000  }
0x123: {  	[sflag:s22] =	ssyncset.done $0x0  }
0x124: {  	s17 =	rddreg [dreg:$0x13];
	[sflag:s22] =	ssyncadd.s32 $0xFFFFC000  }
0x125: {  	[spmem:s2] =	stream.indirect.scatter.add.f32 [tilespmem:s21], [sflag:$0x4], $0x80, s17, s15, $0xb8;
	[tilespmem:$0x1D000] =	vst v63  }
0x126: {  	_ =	swait.ge [sflag:s23], $0x4000  }
0x127: {  	[sflag:s23] =	ssyncset.done $0x0  }
0x128: {  	s11 =	rddreg [dreg:$0x14];
	[sflag:s23] =	ssyncadd.s32 $0xFFFFC000  }
0x129: {  	[tilespmem:s16], [sflag:$0x1] =	stream.indirect.gather [hbm4b:s1+s15], $0x80, s11, s15, $0xb8;
	[tilespmem:$0x1D000] =	vst v63  }
0x12a: {  	_ =	swait.ge [sflag:s18], $0x4000  }
0x12b: {  	[sflag:s18] =	ssyncset.done $0x0  }
0x12c: {  	s17 =	rddreg [dreg:$0x15];
	[sflag:s18] =	ssyncadd.s32 $0xFFFFC000  }
0x12d: {  	[spmem:s2] =	stream.indirect.scatter.add.f32 [tilespmem:s16], [sflag:$0x3], $0x80, s17, s15, $0xb8;
	[tilespmem:$0x1D000] =	vst v63  }
0x12e: {  	_ =	swait.ge [sflag:s24], $0x4000  }
0x12f: {  	[sflag:s24] =	ssyncset.done $0x0  }
0x130: {  	[sflag:s24] =	ssyncadd.s32 $0xFFFFC000  }
0x131: {  	[tilespmem:s21], [sflag:$0x2] =	stream.indirect.gather [hbm4b:s1+s15], $0x80, s26, s15, $0xb8;
	[tilespmem:$0x1D000] =	vst v63  }
0x132: {  	_ =	swait.ge [sflag:s22], $0x4000  }
0x133: {  	[sflag:s22] =	ssyncset.done $0x0  }
0x134: {  	[sflag:s22] =	ssyncadd.s32 $0xFFFFC000  }
0x135: {  	[spmem:s2] =	stream.indirect.scatter.add.f32 [tilespmem:s21], [sflag:$0x4], $0x80, s28, s15, $0xb8;
	[tilespmem:$0x1D000] =	vst v63  }
0x136: {  	_ =	swait.ge [sflag:s23], $0x4000  }
0x137: {  	[sflag:s23] =	ssyncset.done $0x0  }
0x138: {  	[sflag:s23] =	ssyncadd.s32 $0xFFFFC000  }
0x139: {  	[tilespmem:s16], [sflag:$0x1] =	stream.indirect.gather [hbm4b:s1+s15], $0x80, s29, s15, $0xb8;
	[tilespmem:$0x1D000] =	vst v63  }
0x13a: {  	_ =	swait.ge [sflag:s18], $0x4000  }
0x13b: {  	[sflag:s18] =	ssyncset.done $0x0  }
0x13c: {  	[sflag:s18] =	ssyncadd.s32 $0xFFFFC000  }
0x13d: {  	[spmem:s2] =	stream.indirect.scatter.add.f32 [tilespmem:s16], [sflag:$0x3], $0x80, s30, s15, $0xb8;
	[tilespmem:$0x1D000] =	vst v63  }
0x13e: {  	_ =	swait.ge [sflag:s24], $0x4000  }
0x13f: {  	[sflag:s24] =	ssyncset.done $0x0  }
0x140: {  	[sflag:s24] =	ssyncadd.s32 $0xFFFFC000  }
0x141: {  	[tilespmem:s21], [sflag:$0x2] =	stream.indirect.gather [hbm4b:s1+s15], $0x80, s31, s15, $0xb8;
	[tilespmem:$0x1D000] =	vst v63  }
0x142: {  	_ =	swait.ge [sflag:s22], $0x4000  }
0x143: {  	[sflag:s22] =	ssyncset.done $0x0  }
0x144: {  	[sflag:s22] =	ssyncadd.s32 $0xFFFFC000  }
0x145: {  	[spmem:s2] =	stream.indirect.scatter.add.f32 [tilespmem:s21], [sflag:$0x4], $0x80, s0, s15, $0xb8;
	[tilespmem:$0x1D000] =	vst v63  }
0x146: {  	_ =	swait.ge [sflag:s23], $0x4000  }
0x147: {  	[sflag:s23] =	ssyncset.done $0x0  }
0x148: {  	[sflag:s23] =	ssyncadd.s32 $0xFFFFC000  }
0x149: {  	[tilespmem:s16], [sflag:$0x1] =	stream.indirect.gather [hbm4b:s1+s15], $0x80, s4, s15, $0xb8;
	[tilespmem:$0x1D000] =	vst v63  }
0x14a: {  	_ =	swait.ge [sflag:s18], $0x4000  }
0x14b: {  	[sflag:s18] =	ssyncset.done $0x0  }
0x14c: {  	[sflag:s18] =	ssyncadd.s32 $0xFFFFC000  }
0x14d: {  	[spmem:s2] =	stream.indirect.scatter.add.f32 [tilespmem:s16], [sflag:$0x3], $0x80, s5, s15, $0xb8;
	[tilespmem:$0x1D000] =	vst v63  }
0x14e: {  	_ =	swait.ge [sflag:s24], $0x4000  }
0x14f: {  	[sflag:s24] =	ssyncset.done $0x0  }
0x150: {  	[sflag:s24] =	ssyncadd.s32 $0xFFFFC000  }
0x151: {  	[tilespmem:s21], [sflag:$0x2] =	stream.indirect.gather [hbm4b:s1+s15], $0x80, s7, s15, $0xb8;
	[tilespmem:$0x1D000] =	vst v63  }
0x152: {  	_ =	swait.ge [sflag:s22], $0x4000  }
0x153: {  	[sflag:s22] =	ssyncset.done $0x0  }
0x154: {  	[sflag:s22] =	ssyncadd.s32 $0xFFFFC000  }
0x155: {  	[spmem:s2] =	stream.indirect.scatter.add.f32 [tilespmem:s21], [sflag:$0x4], $0x80, s9, s15, $0xb8;
	[tilespmem:$0x1D000] =	vst v63  }
0x156: {  	_ =	swait.ge [sflag:s23], $0x4000  }
0x157: {  	s6 =	sadd.s32 $0x100, s6;
	[sflag:s23] =	ssyncset.done $0x0  }
0x158: {  	p0 =	sne.s32 s6, $0x500;
	[sflag:s23] =	ssyncadd.s32 $0xFFFFC000  }
.Ltmp0:
0x159: {  	_ =	swait.ge [sflag:s25], $0x400;
	(pc) =	sbr.rel @p0 .LBB2_2-.Ltmp0, $4  }
0x15a: {  	[sflag:s25] =	ssyncset.done $0x0  }
0x15b: {  	[sflag:s25] =	ssyncadd.s32 $0xFFFFFC00  }
0x15c: {  	_ =	swait.ge [sflag:s25], $0x400  }
0x15d: {  	[sflag:s25] =	ssyncset.done $0x0  }
0x15e: {  	[sflag:s25] =	ssyncadd.s32 $0xFFFFFC00  }
0x15f: {  	[tilespmem:s16], [sflag:$0x1] =	stream.indirect.gather [hbm4b:s1+s15], $0x80, s3, s15, $0xb8;
	[tilespmem:$0x1D000] =	vst v63  }
0x160: {  	_ =	swait.ge [sflag:s24], $0x4000  }
0x161: {  	[sflag:s24] =	ssyncset.done $0x0  }
0x162: {  	[sflag:s24] =	ssyncadd.s32 $0xFFFFC000  }
0x163: {  	_ =	swait.ge [sflag:s18], $0x4000  }
0x164: {  	[sflag:s18] =	ssyncset.done $0x0  }
0x165: {  	[sflag:s18] =	ssyncadd.s32 $0xFFFFC000  }
0x166: {  	[bflag:$0x0] =	sbarrier.arrive $0xFFFF  }
0x167: {  	s6 =	rddreg [dreg:$0x17]  }
0x168: {  	s8 =	rddreg [dreg:$0x1c];
	s6 =	sor.u32 $0x1C07, s6  }
0x169: {  	[hbm:s8], [sflag:s6] =	dma.local [spmem:s12], $0x2800  }
0x16a: {  	_ =	swait.ge [sflag:s13], $0x2800  }
0x16b: {  	s10 =	sadd.s32 $0x1, s10;
	s17 =	rddreg [dreg:$0x1b]  }
0x16c: {  	p0 =	sne.s32 s10, s17  }
.Ltmp1:
0x16d: {  	_ = 	snop;
	(pc) =	sbr.rel @p0 .LBB2_1-.Ltmp1, $3  }
0x16e: {  	_ =	sdelay $0x1  }
0x16f: {  	[sflag:s13] =	ssyncset.done $0x0  }
0x170: {  	[sflag:s13] =	ssyncadd.s32 $0xFFFFD800  }
0x171: {  	_ =	sfence.sel $0x180000  }
0x172: {  	[bflag:$0x0] =	sbarrier.arrive $0xFFFF  }
0x173: {  	_ =	strace $0x9000004A  }
0x174: {  	s0 =	stileid.u32;
	[bflag:$0x2] =	sbarrier.arrive $0xFFFF  }
0x175: {  	p0 =	sne.s32 s0, $0x0;
	s0 =	rddreg [dreg:$0x3]  }
0x176: {  	s0 =	sadd.s32 @!p0 $0x100000, s0  }
0x177: {  	[sflag:s0] =	ssyncadd.tile.s32 @!p0 $0x1;
	_ =	shalt  }
.Lfunc_end2:
_tile_overlayer_lowered:
.L_overlay_start_2:
0x178: {  	(tag) =	ssettag $0x2  }
0x179: {  	s0 =	rddreg [dreg:$0x0];
	s2 =	stileid.u32  }
0x17a: {  	s1 =	rddreg [dreg:$0x1];
	p0 =	sne.s32 s2, $0x0  }
0x17b: {  	s3 =	rddreg [dreg:$0x2];
	[bflag:$0x3] =	sbarrier.arrive $0xFFFF;
	s2 =	simm.s32 @!p0 $0x1C07  }
0x17c: {  	[timem:s3], [sflag:s2] =	dma.local @!p0 [hbm:s0], s1  }
0x17d: {  	s0 =	simm.s32 @!p0 $0x7  }
0x17e: {  	_ =	swait.ge @!p0 [sflag:s0], s1  }
0x17f: {  	s1 =	ssub.s32 @!p0 $0x0, s1;
	[sflag:s0] =	ssyncset.done @!p0 $0x0  }
0x180: {  	[sflag:s0] =	ssyncadd.s32 @!p0 s1  }
0x181: {  	[bflag:$0x3] =	sbarrier.arrive $0xFFFF  }
0x182: {  	_ =	shalt  }

</sc_bundles>
